<compile_context>
chip_gen: v7x
topology: tpu7x:2x2x1
jax: 0.10.2.dev20260603
libtpu: 0.0.44.dev20260713+nightly
codegen_flags: <defaults>
</compile_context>

<pallas_src>
import functools

import jax
import jax.numpy as jnp
from jax import lax
from jax.experimental import pallas as pl
from jax.experimental.pallas import tpu as pltpu
from jax.experimental.pallas import tpu_sc as plsc

B, N = 64, 32768
NC, NS, L = 2, 16, 16
NW = NC * NS
ROWS_PER_W = B // NW
NV = N // L
CV = 8
CH = CV * L
NCH = N // CH
CAP = 8192
BIS_ITERS = 30
NEG = -1e30

_mesh = plsc.VectorSubcoreMesh(core_axis_name="c", subcore_axis_name="s")


def _sqrt16(z):
    zi = plsc.bitcast(z, jnp.int32)
    s0 = plsc.bitcast((zi >> 1) + 0x1FBD1DF6, jnp.float32)
    s1 = 0.5 * (s0 + z / s0)
    s2 = 0.5 * (s1 + z / s1)
    return 0.5 * (s2 + z / s2)


@functools.partial(
    pl.kernel,
    out_type=jax.ShapeDtypeStruct((B, N), jnp.float32),
    mesh=_mesh,
    compiler_params=pltpu.CompilerParams(needs_layout_passes=False),
    scratch_types=[
        pltpu.VMEM((N,), jnp.float32),
        pltpu.VMEM((N,), jnp.float32),
        pltpu.VMEM((NCH * L,), jnp.float32),
        pltpu.VMEM((CAP + L,), jnp.float32),
        pltpu.VMEM((CAP + L,), jnp.int32),
    ],
)
def _entmax_sc(x_hbm, out_hbm, row_v, y_v, cm_v, cand_v, cidx_v):
    wid = lax.axis_index("s") * NC + lax.axis_index("c")
    zeros = jnp.zeros((L,), jnp.float32)
    negs = jnp.full((L,), NEG, jnp.float32)
    lane = lax.iota(jnp.int32, L)

    def body_zero(i, _):
        y_v[pl.ds(i * L, L)] = zeros
        return 0

    lax.fori_loop(0, NV, body_zero, 0)

    for r in range(ROWS_PER_W):
        row_id = wid * ROWS_PER_W + r
        pltpu.sync_copy(x_hbm.at[row_id], row_v)

        def body_cm(c, gmax):
            cm = negs
            for j in range(CV):
                cm = jnp.maximum(cm, row_v[pl.ds(c * CH + j * L, L)])
            cm_v[pl.ds(c * L, L)] = cm
            return jnp.maximum(gmax, cm)

        m = jnp.max(lax.fori_loop(0, NCH, body_cm, negs))
        lo0 = m - 0.5

        def body_comp(c, carry):
            k_s, ncmax = carry
            cm = cm_v[pl.ds(c * L, L)]

            def active(car):
                k_a, nc_a = car
                for j in range(CV):
                    v = row_v[pl.ds(c * CH + j * L, L)]
                    msk = v > lo0
                    cum = plsc.cumsum(jnp.where(msk, 1, 0))
                    pos = jnp.full((L,), k_a, jnp.int32) + cum - 1
                    pos = jnp.minimum(pos, CAP + L - 1)
                    plsc.store_scatter(cand_v, [pos], v, mask=msk)
                    idxv = lane + (c * CH + j * L)
                    plsc.store_scatter(cidx_v, [pos], idxv, mask=msk)
                    k_a = k_a + jnp.max(cum)
                    nc_a = jnp.maximum(nc_a, jnp.where(msk, NEG, v))
                return k_a, nc_a

            def inactive(car):
                k_i, nc_i = car
                return k_i, jnp.maximum(nc_i, cm)

            return lax.cond(jnp.any(cm > lo0), active, inactive, (k_s, ncmax))

        k_s, ncmax_v = lax.fori_loop(
            0, NCH, body_comp, (jnp.zeros((), jnp.int32), negs)
        )
        ncmax = jnp.max(ncmax_v)
        kc = jnp.where(k_s < CAP, k_s, CAP)
        cand_v[pl.ds(kc, L)] = negs
        fast = k_s <= CAP
        nvec = lax.shift_right_logical(k_s + (L - 1), 4)

        @pl.when(fast)
        def _fast():
            def bis(_, carry):
                lo, hi = carry
                mid = 0.5 * (lo + hi)

                def body_g(i, acc):
                    return acc + jnp.maximum(cand_v[pl.ds(i * L, L)] - mid, 0.0)

                g = jnp.sum(lax.fori_loop(0, nvec, body_g, zeros))
                pred = g >= 0.5
                return jnp.where(pred, mid, lo), jnp.where(pred, hi, mid)

            t, _ = lax.fori_loop(0, BIS_ITERS, bis, (lo0, m))

            def body_stats(i, carry):
                cntv, sv, bv = carry
                v = cand_v[pl.ds(i * L, L)]
                z = v - m
                msk = v > t
                cntv = cntv + jnp.where(msk, 1.0, 0.0)
                sv = sv + jnp.where(msk, z, 0.0)
                bv = jnp.maximum(bv, jnp.where(msk, NEG, z))
                return cntv, sv, bv

            cntv, sv, bv = lax.fori_loop(
                0, nvec, body_stats, (zeros, zeros, negs)
            )
            cnt = jnp.sum(cntv)
            s_above = jnp.sum(sv)
            v_next = jnp.maximum(jnp.max(bv), ncmax - m)
            num = jnp.full((L,), s_above + v_next - 0.5, jnp.float32)
            den = jnp.full((L,), cnt + 1.0, jnp.float32)
            tau_abs = jnp.full((L,), v_next + m, jnp.float32) - num / den

            def body_y(i, acc):
                z = cand_v[pl.ds(i * L, L)] - tau_abs
                y = jnp.where(z > 0.0, _sqrt16(z), 0.0)
                cand_v[pl.ds(i * L, L)] = y
                return acc + y

            yacc = lax.fori_loop(0, nvec, body_y, zeros)
            inv = jnp.ones((L,), jnp.float32) / jnp.full(
                (L,), jnp.sum(yacc), jnp.float32
            )

            def body_scat(i, _):
                y = cand_v[pl.ds(i * L, L)] * inv
                idxv = cidx_v[pl.ds(i * L, L)]
                msk = (lane + i * L) < k_s
                plsc.store_scatter(y_v, [idxv], y, mask=msk)
                return 0

            lax.fori_loop(0, nvec, body_scat, 0)

        @pl.when(jnp.logical_not(fast))
        def _slow():
            def bis(_, carry):
                lo, hi = carry
                mid = 0.5 * (lo + hi)

                def body_g(i, acc):
                    return acc + jnp.maximum(row_v[pl.ds(i * L, L)] - mid, 0.0)

                g = jnp.sum(lax.fori_loop(0, NV, body_g, zeros))
                pred = g >= 0.5
                return jnp.where(pred, mid, lo), jnp.where(pred, hi, mid)

            t, _ = lax.fori_loop(0, BIS_ITERS, bis, (lo0, m))

            def body_stats(i, carry):
                cntv, sv, bv = carry
                v = row_v[pl.ds(i * L, L)]
                z = v - m
                msk = v > t
                cntv = cntv + jnp.where(msk, 1.0, 0.0)
                sv = sv + jnp.where(msk, z, 0.0)
                bv = jnp.maximum(bv, jnp.where(msk, NEG, z))
                return cntv, sv, bv

            cntv, sv, bv = lax.fori_loop(
                0, NV, body_stats, (zeros, zeros, negs)
            )
            cnt = jnp.sum(cntv)
            s_above = jnp.sum(sv)
            v_next = jnp.max(bv)
            num = jnp.full((L,), s_above + v_next - 0.5, jnp.float32)
            den = jnp.full((L,), cnt + 1.0, jnp.float32)
            tau_abs = jnp.full((L,), v_next + m, jnp.float32) - num / den

            def body_y(i, acc):
                z = row_v[pl.ds(i * L, L)] - tau_abs
                y = jnp.where(z > 0.0, _sqrt16(z), 0.0)
                y_v[pl.ds(i * L, L)] = y
                return acc + y

            yacc = lax.fori_loop(0, NV, body_y, zeros)
            inv = jnp.ones((L,), jnp.float32) / jnp.full(
                (L,), jnp.sum(yacc), jnp.float32
            )

            def body_scale(i, _):
                y_v[pl.ds(i * L, L)] = y_v[pl.ds(i * L, L)] * inv
                return 0

            lax.fori_loop(0, NV, body_scale, 0)

        pltpu.sync_copy(y_v, out_hbm.at[row_id])

        if r < ROWS_PER_W - 1:
            @pl.when(fast)
            def _rz_fast():
                def body_rz(i, _):
                    idxv = cidx_v[pl.ds(i * L, L)]
                    msk = (lane + i * L) < k_s
                    plsc.store_scatter(y_v, [idxv], zeros, mask=msk)
                    return 0

                lax.fori_loop(0, nvec, body_rz, 0)

            @pl.when(jnp.logical_not(fast))
            def _rz_slow():
                def body_rz(i, _):
                    y_v[pl.ds(i * L, L)] = zeros
                    return 0

                lax.fori_loop(0, NV, body_rz, 0)


def kernel(x):
    return _entmax_sc(x)

# --- scband reference (transcript-rebuilt; emitter-appended) ---
"""Pipeline reference for scband-entmax15-4501125726275 (READ-ONLY COPY).

The authoritative reference and input builder live on the scoring server;
editing this copy changes nothing except your own understanding.
"""

import jax, jax.numpy as jnp
import numpy as np


def setup_inputs(seed: int = 0) -> dict:
    key = jax.random.key(seed)
    x = jax.random.normal(key, (64, 32768), dtype=jnp.float32)
    return {"x": x}


def reference(x):
    dim = 1
    # subtract max for stability
    x = x - jnp.max(x, axis=dim, keepdims=True)
    n_features = x.shape[dim]
    # descending sort
    x_sorted = -jnp.sort(-x, axis=dim)
    csm = jnp.cumsum(x_sorted, axis=dim)
    rhos = jnp.arange(1, n_features + 1, dtype=x.dtype)
    support = rhos * x_sorted - csm + 0.5
    support_thresh = support / rhos
    support_size = jnp.sum(support > 0, axis=dim, keepdims=True)
    support_size = jnp.clip(support_size, 1, n_features - 1)
    tau_star = jnp.take_along_axis(support_thresh, support_size.astype(jnp.int32), axis=dim)
    z = x - tau_star
    # faithful to torch.clamp(z, min=0) ** 0.5, written with a safe sqrt
    safe = jnp.where(z > 0, z, 1.0)
    y = jnp.where(z > 0, jnp.sqrt(safe), 0.0)
    return y / jnp.sum(y, axis=dim, keepdims=True)

if __name__ == "__main__":
    import jax
    _d = setup_inputs()
    print(jax.jit(kernel)(*tuple(_d.values())))

</pallas_src>

<mosaic_0001>
#map = affine_map<(d0, d1) -> (0, 0)>
module attributes {stable_mosaic.version = 14 : i64} {
  func.func @_entmax_sc(%arg0: i32, %arg1: i32, %arg2: memref<64x32768xf32, #tpu.memory_space<hbm>>, %arg3: memref<64x32768xf32, #tpu.memory_space<hbm>>, %arg4: memref<32768xf32, #tpu.memory_space<vmem>>, %arg5: memref<32768xf32, #tpu.memory_space<vmem>>, %arg6: memref<4096xf32, #tpu.memory_space<vmem>>, %arg7: memref<8208xf32, #tpu.memory_space<vmem>>, %arg8: memref<8208xi32, #tpu.memory_space<vmem>>) attributes {dimension_semantics = [#tpu.dimension_semantics<core_parallel>, #tpu.dimension_semantics<subcore_parallel>], iteration_bounds = array<i64: 2, 16>, scalar_prefetch = 0 : i64, scratch_operands = 5 : i64, tpu.core_type = #tpu.core_type<sc_vector_subcore>, window_params = [{transform_indices = #map}, {transform_indices = #map}]} {
    %mul3A = arith.constant 2 : i32
    %mul3A_0 = arith.muli %arg1, %mul3A : i32
    %add3A = arith.addi %mul3A_0, %arg0 : i32
    %broadcast_in_dim3A = arith.constant 0.000000e+00 : f32
    %broadcast_in_dim3A_1 = vector.broadcast %broadcast_in_dim3A : f32 to vector<16xf32>
    %broadcast_in_dim3A_2 = arith.constant -1.000000e+30 : f32
    %broadcast_in_dim3A_3 = vector.broadcast %broadcast_in_dim3A_2 : f32 to vector<16xf32>
    %iota3A = tpu.iota {dimensions = array<i32: 0>} : vector<16xi32>
    %scan3A = arith.constant 0 : i32
    %scan3A_4 = arith.constant 0 : i32
    %scan3A_5 = arith.constant 2048 : i32
    %scan3A_6 = arith.addi %scan3A_4, %scan3A_5 : i32
    %scan3A_7 = arith.constant 1 : i32
    %scan3A_8 = scf.for %scan3A_101 = %scan3A_4 to %scan3A_6 step %scan3A_7 iter_args(%scan3A_102 = %scan3A) -> (i32)  : i32 {
      %mul3A_103 = arith.constant 16 : i32
      %mul3A_104 = arith.muli %scan3A_101, %mul3A_103 : i32
      %swap3A_105 = arith.index_cast %mul3A_104 : i32 to index
      %swap3A_106 = tpu.vector_load %arg5[%swap3A_105] {strides = array<i32>} : memref<32768xf32, #tpu.memory_space<vmem>>, vector<16xf32>,
      tpu.vector_store %arg5[%swap3A_105], %broadcast_in_dim3A_1 {strides = array<i32>} : memref<32768xf32, #tpu.memory_space<vmem>>, vector<16xf32>,
      %scan3A_107 = arith.constant 0 : i32
      scf.yield %scan3A_107 : i32
    }
    %scan3A_9 = arith.constant 2048 : i32
    %mul3A_10 = arith.constant 2 : i32
    %mul3A_11 = arith.muli %add3A, %mul3A_10 : i32
    %add3A_12 = arith.constant 0 : i32
    %add3A_13 = arith.addi %mul3A_11, %add3A_12 : i32
    "tpu.region"() ({
      %run_scoped3A = tpu.sem_alloc : memref<!tpu.dma_semaphore, #tpu.memory_space<semaphore_mem>>
      %dma_start3A = arith.constant 0 : i32
      %dma_start3A_101 = tpu.memref_slice %arg2[%add3A_13, %dma_start3A] : memref<64x32768xf32, #tpu.memory_space<hbm>> -> memref<1x32768xf32, #tpu.memory_space<hbm>>
      %dma_start3A_102 = tpu.memref_squeeze %dma_start3A_101 : memref<1x32768xf32, #tpu.memory_space<hbm>> -> memref<32768xf32, #tpu.memory_space<hbm>>
      %dma_start3A_103 = arith.constant 0 : i32
      %dma_start3A_104 = tpu.memref_slice %arg2[%add3A_13, %dma_start3A_103] : memref<64x32768xf32, #tpu.memory_space<hbm>> -> memref<1x32768xf32, #tpu.memory_space<hbm>>
      %dma_start3A_105 = tpu.memref_squeeze %dma_start3A_104 : memref<1x32768xf32, #tpu.memory_space<hbm>> -> memref<32768xf32, #tpu.memory_space<hbm>>
      tpu.enqueue_dma source(%dma_start3A_105 : memref<32768xf32, #tpu.memory_space<hbm>>) target(%arg4 : memref<32768xf32, #tpu.memory_space<vmem>>) target_semaphore(%run_scoped3A : memref<!tpu.dma_semaphore, #tpu.memory_space<semaphore_mem>>)
      %dma_wait3A = arith.constant 0 : i32
      %dma_wait3A_106 = tpu.memref_slice %arg2[%add3A_13, %dma_wait3A] : memref<64x32768xf32, #tpu.memory_space<hbm>> -> memref<1x32768xf32, #tpu.memory_space<hbm>>
      %dma_wait3A_107 = tpu.memref_squeeze %dma_wait3A_106 : memref<1x32768xf32, #tpu.memory_space<hbm>> -> memref<32768xf32, #tpu.memory_space<hbm>>
      %dma_wait3A_108 = arith.constant 0 : i32
      %dma_wait3A_109 = tpu.memref_slice %arg2[%add3A_13, %dma_wait3A_108] : memref<64x32768xf32, #tpu.memory_space<hbm>> -> memref<1x32768xf32, #tpu.memory_space<hbm>>
      %dma_wait3A_110 = tpu.memref_squeeze %dma_wait3A_109 : memref<1x32768xf32, #tpu.memory_space<hbm>> -> memref<32768xf32, #tpu.memory_space<hbm>>
      tpu.wait_dma2 semaphore(%run_scoped3A : memref<!tpu.dma_semaphore, #tpu.memory_space<semaphore_mem>>) src(%dma_wait3A_110 : memref<32768xf32, #tpu.memory_space<hbm>>) dst(%arg4 : memref<32768xf32, #tpu.memory_space<vmem>>)
      tpu.yield
    }) : () -> ()
    %scan3A_14 = arith.constant 0 : i32
    %scan3A_15 = arith.constant 256 : i32
    %scan3A_16 = arith.addi %scan3A_14, %scan3A_15 : i32
    %scan3A_17 = arith.constant 1 : i32
    %scan3A_18 = scf.for %scan3A_101 = %scan3A_14 to %scan3A_16 step %scan3A_17 iter_args(%scan3A_102 = %broadcast_in_dim3A_3) -> (vector<16xf32>)  : i32 {
      %mul3A_103 = arith.constant 128 : i32
      %mul3A_104 = arith.muli %scan3A_101, %mul3A_103 : i32
      %add3A_105 = arith.constant 0 : i32
      %add3A_106 = arith.addi %mul3A_104, %add3A_105 : i32
      %get3A = arith.index_cast %add3A_106 : i32 to index
      %get3A_107 = tpu.vector_load %arg4[%get3A] {strides = array<i32>} : memref<32768xf32, #tpu.memory_space<vmem>>, vector<16xf32>,
      %max3A = arith.maximumf %broadcast_in_dim3A_3, %get3A_107 : vector<16xf32>
      %mul3A_108 = arith.constant 128 : i32
      %mul3A_109 = arith.muli %scan3A_101, %mul3A_108 : i32
      %add3A_110 = arith.constant 16 : i32
      %add3A_111 = arith.addi %mul3A_109, %add3A_110 : i32
      %get3A_112 = arith.index_cast %add3A_111 : i32 to index
      %get3A_113 = tpu.vector_load %arg4[%get3A_112] {strides = array<i32>} : memref<32768xf32, #tpu.memory_space<vmem>>, vector<16xf32>,
      %max3A_114 = arith.maximumf %max3A, %get3A_113 : vector<16xf32>
      %mul3A_115 = arith.constant 128 : i32
      %mul3A_116 = arith.muli %scan3A_101, %mul3A_115 : i32
      %add3A_117 = arith.constant 32 : i32
      %add3A_118 = arith.addi %mul3A_116, %add3A_117 : i32
      %get3A_119 = arith.index_cast %add3A_118 : i32 to index
      %get3A_120 = tpu.vector_load %arg4[%get3A_119] {strides = array<i32>} : memref<32768xf32, #tpu.memory_space<vmem>>, vector<16xf32>,
      %max3A_121 = arith.maximumf %max3A_114, %get3A_120 : vector<16xf32>
      %mul3A_122 = arith.constant 128 : i32
      %mul3A_123 = arith.muli %scan3A_101, %mul3A_122 : i32
      %add3A_124 = arith.constant 48 : i32
      %add3A_125 = arith.addi %mul3A_123, %add3A_124 : i32
      %get3A_126 = arith.index_cast %add3A_125 : i32 to index
      %get3A_127 = tpu.vector_load %arg4[%get3A_126] {strides = array<i32>} : memref<32768xf32, #tpu.memory_space<vmem>>, vector<16xf32>,
      %max3A_128 = arith.maximumf %max3A_121, %get3A_127 : vector<16xf32>
      %mul3A_129 = arith.constant 128 : i32
      %mul3A_130 = arith.muli %scan3A_101, %mul3A_129 : i32
      %add3A_131 = arith.constant 64 : i32
      %add3A_132 = arith.addi %mul3A_130, %add3A_131 : i32
      %get3A_133 = arith.index_cast %add3A_132 : i32 to index
      %get3A_134 = tpu.vector_load %arg4[%get3A_133] {strides = array<i32>} : memref<32768xf32, #tpu.memory_space<vmem>>, vector<16xf32>,
      %max3A_135 = arith.maximumf %max3A_128, %get3A_134 : vector<16xf32>
      %mul3A_136 = arith.constant 128 : i32
      %mul3A_137 = arith.muli %scan3A_101, %mul3A_136 : i32
      %add3A_138 = arith.constant 80 : i32
      %add3A_139 = arith.addi %mul3A_137, %add3A_138 : i32
      %get3A_140 = arith.index_cast %add3A_139 : i32 to index
      %get3A_141 = tpu.vector_load %arg4[%get3A_140] {strides = array<i32>} : memref<32768xf32, #tpu.memory_space<vmem>>, vector<16xf32>,
      %max3A_142 = arith.maximumf %max3A_135, %get3A_141 : vector<16xf32>
      %mul3A_143 = arith.constant 128 : i32
      %mul3A_144 = arith.muli %scan3A_101, %mul3A_143 : i32
      %add3A_145 = arith.constant 96 : i32
      %add3A_146 = arith.addi %mul3A_144, %add3A_145 : i32
      %get3A_147 = arith.index_cast %add3A_146 : i32 to index
      %get3A_148 = tpu.vector_load %arg4[%get3A_147] {strides = array<i32>} : memref<32768xf32, #tpu.memory_space<vmem>>, vector<16xf32>,
      %max3A_149 = arith.maximumf %max3A_142, %get3A_148 : vector<16xf32>
      %mul3A_150 = arith.constant 128 : i32
      %mul3A_151 = arith.muli %scan3A_101, %mul3A_150 : i32
      %add3A_152 = arith.constant 112 : i32
      %add3A_153 = arith.addi %mul3A_151, %add3A_152 : i32
      %get3A_154 = arith.index_cast %add3A_153 : i32 to index
      %get3A_155 = tpu.vector_load %arg4[%get3A_154] {strides = array<i32>} : memref<32768xf32, #tpu.memory_space<vmem>>, vector<16xf32>,
      %max3A_156 = arith.maximumf %max3A_149, %get3A_155 : vector<16xf32>
      %mul3A_157 = arith.constant 16 : i32
      %mul3A_158 = arith.muli %scan3A_101, %mul3A_157 : i32
      %swap3A_159 = arith.index_cast %mul3A_158 : i32 to index
      %swap3A_160 = tpu.vector_load %arg6[%swap3A_159] {strides = array<i32>} : memref<4096xf32, #tpu.memory_space<vmem>>, vector<16xf32>,
      tpu.vector_store %arg6[%swap3A_159], %max3A_156 {strides = array<i32>} : memref<4096xf32, #tpu.memory_space<vmem>>, vector<16xf32>,
      %max3A_161 = arith.maximumf %scan3A_102, %max3A_156 : vector<16xf32>
      scf.yield %max3A_161 : vector<16xf32>
    }
    %scan3A_19 = arith.constant 256 : i32
    %reduce_max3A = arith.constant true
    %reduce_max3A_20 = vector.broadcast %reduce_max3A : i1 to vector<16xi1>
    %reduce_max3A_21 = tpu.scan <max>, %scan3A_18 masked %reduce_max3A_20 : vector<16xf32>, vector<16xi1> -> vector<16xf32>
    %reduce_max3A_22 = vector.extract %reduce_max3A_21[15] : f32 from vector<16xf32>
    %sub3A = arith.constant 5.000000e-01 : f32
    %sub3A_23 = arith.subf %reduce_max3A_22, %sub3A : f32
    %scan3A_24 = arith.constant 0 : i32
    %scan3A_25 = arith.constant 0 : i32
    %scan3A_26 = arith.constant 256 : i32
    %scan3A_27 = arith.addi %scan3A_25, %scan3A_26 : i32
    %scan3A_28 = arith.constant 1 : i32
    %scan3A_29:2 = scf.for %scan3A_101 = %scan3A_25 to %scan3A_27 step %scan3A_28 iter_args(%scan3A_102 = %scan3A_24, %scan3A_103 = %broadcast_in_dim3A_3) -> (i32, vector<16xf32>)  : i32 {
      %mul3A_104 = arith.constant 16 : i32
      %mul3A_105 = arith.muli %scan3A_101, %mul3A_104 : i32
      %get3A = arith.index_cast %mul3A_105 : i32 to index
      %get3A_106 = tpu.vector_load %arg6[%get3A] {strides = array<i32>} : memref<4096xf32, #tpu.memory_space<vmem>>, vector<16xf32>,
      %gt3A = vector.broadcast %sub3A_23 : f32 to vector<16xf32>
      %gt3A_107 = arith.cmpf ogt, %get3A_106, %gt3A : vector<16xf32>
      %reduce_or3A = arith.constant 1.000000e+00 : f32
      %reduce_or3A_108 = arith.constant 0.000000e+00 : f32
      %reduce_or3A_109 = vector.broadcast %reduce_or3A : f32 to vector<16xf32>
      %reduce_or3A_110 = vector.broadcast %reduce_or3A_108 : f32 to vector<16xf32>
      %reduce_or3A_111 = arith.select %gt3A_107, %reduce_or3A_109, %reduce_or3A_110 : vector<16xi1>, vector<16xf32>
      %reduce_or3A_112 = arith.constant true
      %reduce_or3A_113 = vector.broadcast %reduce_or3A_112 : i1 to vector<16xi1>
      %reduce_or3A_114 = tpu.scan <max>, %reduce_or3A_111 masked %reduce_or3A_113 : vector<16xf32>, vector<16xi1> -> vector<16xf32>
      %reduce_or3A_115 = vector.extract %reduce_or3A_114[15] : f32 from vector<16xf32>
      %reduce_or3A_116 = arith.constant 0.000000e+00 : f32
      %reduce_or3A_117 = arith.cmpf ogt, %reduce_or3A_115, %reduce_or3A_116 : f32
      %convert_element_type3A_118 = arith.extui %reduce_or3A_117 : i1 to i32
      %cond3A_119 = arith.constant 0 : i32
      %cond3A_120 = arith.cmpi ne, %convert_element_type3A_118, %cond3A_119 : i32
      %cond3A_121:2 = scf.if %cond3A_120 -> (i32, vector<16xf32>) {
        %mul3A_122 = arith.constant 128 : i32
        %mul3A_123 = arith.muli %scan3A_101, %mul3A_122 : i32
        %add3A_124 = arith.constant 0 : i32
        %add3A_125 = arith.addi %mul3A_123, %add3A_124 : i32
        %get3A_126 = arith.index_cast %add3A_125 : i32 to index
        %get3A_127 = tpu.vector_load %arg4[%get3A_126] {strides = array<i32>} : memref<32768xf32, #tpu.memory_space<vmem>>, vector<16xf32>,
        %gt3A_128 = vector.broadcast %sub3A_23 : f32 to vector<16xf32>
        %gt3A_129 = arith.cmpf ogt, %get3A_127, %gt3A_128 : vector<16xf32>
        %jit3A_130 = arith.constant 1 : i32
        %jit3A_131 = arith.constant 0 : i32
        %broadcast_in_dim3A_132 = vector.broadcast %jit3A_130 : i32 to vector<16xi32>
        %broadcast_in_dim3A_133 = vector.broadcast %jit3A_131 : i32 to vector<16xi32>
        %select_n3A_134 = arith.select %gt3A_129, %broadcast_in_dim3A_132, %broadcast_in_dim3A_133 : vector<16xi1>, vector<16xi32>
        %broadcast_in_dim3A_135 = arith.constant true
        %broadcast_in_dim3A_136 = vector.broadcast %broadcast_in_dim3A_135 : i1 to vector<16xi1>
        %masked_cumsum3A = tpu.scan <sum>, %select_n3A_134 masked %broadcast_in_dim3A_136 : vector<16xi32>, vector<16xi1> -> vector<16xi32>
        %broadcast_in_dim3A_137 = vector.broadcast %scan3A_102 : i32 to vector<16xi32>
        %add3A_138 = arith.addi %broadcast_in_dim3A_137, %masked_cumsum3A : vector<16xi32>
        %sub3A_139 = arith.constant 1 : i32
        %sub3A_140 = vector.broadcast %sub3A_139 : i32 to vector<16xi32>
        %sub3A_141 = arith.subi %add3A_138, %sub3A_140 : vector<16xi32>
        %min3A = arith.constant 8207 : i32
        %min3A_142 = vector.broadcast %min3A : i32 to vector<16xi32>
        %min3A_143 = arith.minsi %sub3A_141, %min3A_142 : vector<16xi32>
        tpu.vector_store_idx %arg7[%min3A_143], %get3A_127 masked %gt3A_129 : memref<8208xf32, #tpu.memory_space<vmem>>[vector<16xi32>], vector<16xf32>, vector<16xi1>
        %mul3A_144 = arith.constant 128 : i32
        %mul3A_145 = arith.muli %scan3A_101, %mul3A_144 : i32
        %add3A_146 = arith.constant 0 : i32
        %add3A_147 = arith.addi %mul3A_145, %add3A_146 : i32
        %add3A_148 = vector.broadcast %add3A_147 : i32 to vector<16xi32>
        %add3A_149 = arith.addi %iota3A, %add3A_148 : vector<16xi32>
        tpu.vector_store_idx %arg8[%min3A_143], %add3A_149 masked %gt3A_129 : memref<8208xi32, #tpu.memory_space<vmem>>[vector<16xi32>], vector<16xi32>, vector<16xi1>
        %reduce_max3A_150 = arith.constant true
        %reduce_max3A_151 = vector.broadcast %reduce_max3A_150 : i1 to vector<16xi1>
        %reduce_max3A_152 = arith.constant -2147483648 : i32
        %reduce_max3A_153 = vector.broadcast %reduce_max3A_152 : i32 to vector<16xi32>
        %reduce_max3A_154 = arith.xori %masked_cumsum3A, %reduce_max3A_153 : vector<16xi32>
        %reduce_max3A_155 = tpu.scan <max>, %reduce_max3A_154 masked %reduce_max3A_151 : vector<16xi32>, vector<16xi1> -> vector<16xi32>
        %reduce_max3A_156 = arith.xori %reduce_max3A_155, %reduce_max3A_153 : vector<16xi32>
        %reduce_max3A_157 = vector.extract %reduce_max3A_156[15] : i32 from vector<16xi32>
        %add3A_158 = arith.addi %scan3A_102, %reduce_max3A_157 : i32
        %jit3A_159 = arith.constant -1.000000e+30 : f32
        %broadcast_in_dim3A_160 = vector.broadcast %jit3A_159 : f32 to vector<16xf32>
        %select_n3A_161 = arith.select %gt3A_129, %broadcast_in_dim3A_160, %get3A_127 : vector<16xi1>, vector<16xf32>
        %max3A = arith.maximumf %scan3A_103, %select_n3A_161 : vector<16xf32>
        %mul3A_162 = arith.constant 128 : i32
        %mul3A_163 = arith.muli %scan3A_101, %mul3A_162 : i32
        %add3A_164 = arith.constant 16 : i32
        %add3A_165 = arith.addi %mul3A_163, %add3A_164 : i32
        %get3A_166 = arith.index_cast %add3A_165 : i32 to index
        %get3A_167 = tpu.vector_load %arg4[%get3A_166] {strides = array<i32>} : memref<32768xf32, #tpu.memory_space<vmem>>, vector<16xf32>,
        %gt3A_168 = vector.broadcast %sub3A_23 : f32 to vector<16xf32>
        %gt3A_169 = arith.cmpf ogt, %get3A_167, %gt3A_168 : vector<16xf32>
        %jit3A_170 = arith.constant 1 : i32
        %jit3A_171 = arith.constant 0 : i32
        %broadcast_in_dim3A_172 = vector.broadcast %jit3A_170 : i32 to vector<16xi32>
        %broadcast_in_dim3A_173 = vector.broadcast %jit3A_171 : i32 to vector<16xi32>
        %select_n3A_174 = arith.select %gt3A_169, %broadcast_in_dim3A_172, %broadcast_in_dim3A_173 : vector<16xi1>, vector<16xi32>
        %broadcast_in_dim3A_175 = arith.constant true
        %broadcast_in_dim3A_176 = vector.broadcast %broadcast_in_dim3A_175 : i1 to vector<16xi1>
        %masked_cumsum3A_177 = tpu.scan <sum>, %select_n3A_174 masked %broadcast_in_dim3A_176 : vector<16xi32>, vector<16xi1> -> vector<16xi32>
        %broadcast_in_dim3A_178 = vector.broadcast %add3A_158 : i32 to vector<16xi32>
        %add3A_179 = arith.addi %broadcast_in_dim3A_178, %masked_cumsum3A_177 : vector<16xi32>
        %sub3A_180 = arith.constant 1 : i32
        %sub3A_181 = vector.broadcast %sub3A_180 : i32 to vector<16xi32>
        %sub3A_182 = arith.subi %add3A_179, %sub3A_181 : vector<16xi32>
        %min3A_183 = arith.constant 8207 : i32
        %min3A_184 = vector.broadcast %min3A_183 : i32 to vector<16xi32>
        %min3A_185 = arith.minsi %sub3A_182, %min3A_184 : vector<16xi32>
        tpu.vector_store_idx %arg7[%min3A_185], %get3A_167 masked %gt3A_169 : memref<8208xf32, #tpu.memory_space<vmem>>[vector<16xi32>], vector<16xf32>, vector<16xi1>
        %mul3A_186 = arith.constant 128 : i32
        %mul3A_187 = arith.muli %scan3A_101, %mul3A_186 : i32
        %add3A_188 = arith.constant 16 : i32
        %add3A_189 = arith.addi %mul3A_187, %add3A_188 : i32
        %add3A_190 = vector.broadcast %add3A_189 : i32 to vector<16xi32>
        %add3A_191 = arith.addi %iota3A, %add3A_190 : vector<16xi32>
        tpu.vector_store_idx %arg8[%min3A_185], %add3A_191 masked %gt3A_169 : memref<8208xi32, #tpu.memory_space<vmem>>[vector<16xi32>], vector<16xi32>, vector<16xi1>
        %reduce_max3A_192 = arith.constant true
        %reduce_max3A_193 = vector.broadcast %reduce_max3A_192 : i1 to vector<16xi1>
        %reduce_max3A_194 = arith.constant -2147483648 : i32
        %reduce_max3A_195 = vector.broadcast %reduce_max3A_194 : i32 to vector<16xi32>
        %reduce_max3A_196 = arith.xori %masked_cumsum3A_177, %reduce_max3A_195 : vector<16xi32>
        %reduce_max3A_197 = tpu.scan <max>, %reduce_max3A_196 masked %reduce_max3A_193 : vector<16xi32>, vector<16xi1> -> vector<16xi32>
        %reduce_max3A_198 = arith.xori %reduce_max3A_197, %reduce_max3A_195 : vector<16xi32>
        %reduce_max3A_199 = vector.extract %reduce_max3A_198[15] : i32 from vector<16xi32>
        %add3A_200 = arith.addi %add3A_158, %reduce_max3A_199 : i32
        %jit3A_201 = arith.constant -1.000000e+30 : f32
        %broadcast_in_dim3A_202 = vector.broadcast %jit3A_201 : f32 to vector<16xf32>
        %select_n3A_203 = arith.select %gt3A_169, %broadcast_in_dim3A_202, %get3A_167 : vector<16xi1>, vector<16xf32>
        %max3A_204 = arith.maximumf %max3A, %select_n3A_203 : vector<16xf32>
        %mul3A_205 = arith.constant 128 : i32
        %mul3A_206 = arith.muli %scan3A_101, %mul3A_205 : i32
        %add3A_207 = arith.constant 32 : i32
        %add3A_208 = arith.addi %mul3A_206, %add3A_207 : i32
        %get3A_209 = arith.index_cast %add3A_208 : i32 to index
        %get3A_210 = tpu.vector_load %arg4[%get3A_209] {strides = array<i32>} : memref<32768xf32, #tpu.memory_space<vmem>>, vector<16xf32>,
        %gt3A_211 = vector.broadcast %sub3A_23 : f32 to vector<16xf32>
        %gt3A_212 = arith.cmpf ogt, %get3A_210, %gt3A_211 : vector<16xf32>
        %jit3A_213 = arith.constant 1 : i32
        %jit3A_214 = arith.constant 0 : i32
        %broadcast_in_dim3A_215 = vector.broadcast %jit3A_213 : i32 to vector<16xi32>
        %broadcast_in_dim3A_216 = vector.broadcast %jit3A_214 : i32 to vector<16xi32>
        %select_n3A_217 = arith.select %gt3A_212, %broadcast_in_dim3A_215, %broadcast_in_dim3A_216 : vector<16xi1>, vector<16xi32>
        %broadcast_in_dim3A_218 = arith.constant true
        %broadcast_in_dim3A_219 = vector.broadcast %broadcast_in_dim3A_218 : i1 to vector<16xi1>
        %masked_cumsum3A_220 = tpu.scan <sum>, %select_n3A_217 masked %broadcast_in_dim3A_219 : vector<16xi32>, vector<16xi1> -> vector<16xi32>
        %broadcast_in_dim3A_221 = vector.broadcast %add3A_200 : i32 to vector<16xi32>
        %add3A_222 = arith.addi %broadcast_in_dim3A_221, %masked_cumsum3A_220 : vector<16xi32>
        %sub3A_223 = arith.constant 1 : i32
        %sub3A_224 = vector.broadcast %sub3A_223 : i32 to vector<16xi32>
        %sub3A_225 = arith.subi %add3A_222, %sub3A_224 : vector<16xi32>
        %min3A_226 = arith.constant 8207 : i32
        %min3A_227 = vector.broadcast %min3A_226 : i32 to vector<16xi32>
        %min3A_228 = arith.minsi %sub3A_225, %min3A_227 : vector<16xi32>
        tpu.vector_store_idx %arg7[%min3A_228], %get3A_210 masked %gt3A_212 : memref<8208xf32, #tpu.memory_space<vmem>>[vector<16xi32>], vector<16xf32>, vector<16xi1>
        %mul3A_229 = arith.constant 128 : i32
        %mul3A_230 = arith.muli %scan3A_101, %mul3A_229 : i32
        %add3A_231 = arith.constant 32 : i32
        %add3A_232 = arith.addi %mul3A_230, %add3A_231 : i32
        %add3A_233 = vector.broadcast %add3A_232 : i32 to vector<16xi32>
        %add3A_234 = arith.addi %iota3A, %add3A_233 : vector<16xi32>
        tpu.vector_store_idx %arg8[%min3A_228], %add3A_234 masked %gt3A_212 : memref<8208xi32, #tpu.memory_space<vmem>>[vector<16xi32>], vector<16xi32>, vector<16xi1>
        %reduce_max3A_235 = arith.constant true
        %reduce_max3A_236 = vector.broadcast %reduce_max3A_235 : i1 to vector<16xi1>
        %reduce_max3A_237 = arith.constant -2147483648 : i32
        %reduce_max3A_238 = vector.broadcast %reduce_max3A_237 : i32 to vector<16xi32>
        %reduce_max3A_239 = arith.xori %masked_cumsum3A_220, %reduce_max3A_238 : vector<16xi32>
        %reduce_max3A_240 = tpu.scan <max>, %reduce_max3A_239 masked %reduce_max3A_236 : vector<16xi32>, vector<16xi1> -> vector<16xi32>
        %reduce_max3A_241 = arith.xori %reduce_max3A_240, %reduce_max3A_238 : vector<16xi32>
        %reduce_max3A_242 = vector.extract %reduce_max3A_241[15] : i32 from vector<16xi32>
        %add3A_243 = arith.addi %add3A_200, %reduce_max3A_242 : i32
        %jit3A_244 = arith.constant -1.000000e+30 : f32
        %broadcast_in_dim3A_245 = vector.broadcast %jit3A_244 : f32 to vector<16xf32>
        %select_n3A_246 = arith.select %gt3A_212, %broadcast_in_dim3A_245, %get3A_210 : vector<16xi1>, vector<16xf32>
        %max3A_247 = arith.maximumf %max3A_204, %select_n3A_246 : vector<16xf32>
        %mul3A_248 = arith.constant 128 : i32
        %mul3A_249 = arith.muli %scan3A_101, %mul3A_248 : i32
        %add3A_250 = arith.constant 48 : i32
        %add3A_251 = arith.addi %mul3A_249, %add3A_250 : i32
        %get3A_252 = arith.index_cast %add3A_251 : i32 to index
        %get3A_253 = tpu.vector_load %arg4[%get3A_252] {strides = array<i32>} : memref<32768xf32, #tpu.memory_space<vmem>>, vector<16xf32>,
        %gt3A_254 = vector.broadcast %sub3A_23 : f32 to vector<16xf32>
        %gt3A_255 = arith.cmpf ogt, %get3A_253, %gt3A_254 : vector<16xf32>
        %jit3A_256 = arith.constant 1 : i32
        %jit3A_257 = arith.constant 0 : i32
        %broadcast_in_dim3A_258 = vector.broadcast %jit3A_256 : i32 to vector<16xi32>
        %broadcast_in_dim3A_259 = vector.broadcast %jit3A_257 : i32 to vector<16xi32>
        %select_n3A_260 = arith.select %gt3A_255, %broadcast_in_dim3A_258, %broadcast_in_dim3A_259 : vector<16xi1>, vector<16xi32>
        %broadcast_in_dim3A_261 = arith.constant true
        %broadcast_in_dim3A_262 = vector.broadcast %broadcast_in_dim3A_261 : i1 to vector<16xi1>
        %masked_cumsum3A_263 = tpu.scan <sum>, %select_n3A_260 masked %broadcast_in_dim3A_262 : vector<16xi32>, vector<16xi1> -> vector<16xi32>
        %broadcast_in_dim3A_264 = vector.broadcast %add3A_243 : i32 to vector<16xi32>
        %add3A_265 = arith.addi %broadcast_in_dim3A_264, %masked_cumsum3A_263 : vector<16xi32>
        %sub3A_266 = arith.constant 1 : i32
        %sub3A_267 = vector.broadcast %sub3A_266 : i32 to vector<16xi32>
        %sub3A_268 = arith.subi %add3A_265, %sub3A_267 : vector<16xi32>
        %min3A_269 = arith.constant 8207 : i32
        %min3A_270 = vector.broadcast %min3A_269 : i32 to vector<16xi32>
        %min3A_271 = arith.minsi %sub3A_268, %min3A_270 : vector<16xi32>
        tpu.vector_store_idx %arg7[%min3A_271], %get3A_253 masked %gt3A_255 : memref<8208xf32, #tpu.memory_space<vmem>>[vector<16xi32>], vector<16xf32>, vector<16xi1>
        %mul3A_272 = arith.constant 128 : i32
        %mul3A_273 = arith.muli %scan3A_101, %mul3A_272 : i32
        %add3A_274 = arith.constant 48 : i32
        %add3A_275 = arith.addi %mul3A_273, %add3A_274 : i32
        %add3A_276 = vector.broadcast %add3A_275 : i32 to vector<16xi32>
        %add3A_277 = arith.addi %iota3A, %add3A_276 : vector<16xi32>
        tpu.vector_store_idx %arg8[%min3A_271], %add3A_277 masked %gt3A_255 : memref<8208xi32, #tpu.memory_space<vmem>>[vector<16xi32>], vector<16xi32>, vector<16xi1>
        %reduce_max3A_278 = arith.constant true
        %reduce_max3A_279 = vector.broadcast %reduce_max3A_278 : i1 to vector<16xi1>
        %reduce_max3A_280 = arith.constant -2147483648 : i32
        %reduce_max3A_281 = vector.broadcast %reduce_max3A_280 : i32 to vector<16xi32>
        %reduce_max3A_282 = arith.xori %masked_cumsum3A_263, %reduce_max3A_281 : vector<16xi32>
        %reduce_max3A_283 = tpu.scan <max>, %reduce_max3A_282 masked %reduce_max3A_279 : vector<16xi32>, vector<16xi1> -> vector<16xi32>
        %reduce_max3A_284 = arith.xori %reduce_max3A_283, %reduce_max3A_281 : vector<16xi32>
        %reduce_max3A_285 = vector.extract %reduce_max3A_284[15] : i32 from vector<16xi32>
        %add3A_286 = arith.addi %add3A_243, %reduce_max3A_285 : i32
        %jit3A_287 = arith.constant -1.000000e+30 : f32
        %broadcast_in_dim3A_288 = vector.broadcast %jit3A_287 : f32 to vector<16xf32>
        %select_n3A_289 = arith.select %gt3A_255, %broadcast_in_dim3A_288, %get3A_253 : vector<16xi1>, vector<16xf32>
        %max3A_290 = arith.maximumf %max3A_247, %select_n3A_289 : vector<16xf32>
        %mul3A_291 = arith.constant 128 : i32
        %mul3A_292 = arith.muli %scan3A_101, %mul3A_291 : i32
        %add3A_293 = arith.constant 64 : i32
        %add3A_294 = arith.addi %mul3A_292, %add3A_293 : i32
        %get3A_295 = arith.index_cast %add3A_294 : i32 to index
        %get3A_296 = tpu.vector_load %arg4[%get3A_295] {strides = array<i32>} : memref<32768xf32, #tpu.memory_space<vmem>>, vector<16xf32>,
        %gt3A_297 = vector.broadcast %sub3A_23 : f32 to vector<16xf32>
        %gt3A_298 = arith.cmpf ogt, %get3A_296, %gt3A_297 : vector<16xf32>
        %jit3A_299 = arith.constant 1 : i32
        %jit3A_300 = arith.constant 0 : i32
        %broadcast_in_dim3A_301 = vector.broadcast %jit3A_299 : i32 to vector<16xi32>
        %broadcast_in_dim3A_302 = vector.broadcast %jit3A_300 : i32 to vector<16xi32>
        %select_n3A_303 = arith.select %gt3A_298, %broadcast_in_dim3A_301, %broadcast_in_dim3A_302 : vector<16xi1>, vector<16xi32>
        %broadcast_in_dim3A_304 = arith.constant true
        %broadcast_in_dim3A_305 = vector.broadcast %broadcast_in_dim3A_304 : i1 to vector<16xi1>
        %masked_cumsum3A_306 = tpu.scan <sum>, %select_n3A_303 masked %broadcast_in_dim3A_305 : vector<16xi32>, vector<16xi1> -> vector<16xi32>
        %broadcast_in_dim3A_307 = vector.broadcast %add3A_286 : i32 to vector<16xi32>
        %add3A_308 = arith.addi %broadcast_in_dim3A_307, %masked_cumsum3A_306 : vector<16xi32>
        %sub3A_309 = arith.constant 1 : i32
        %sub3A_310 = vector.broadcast %sub3A_309 : i32 to vector<16xi32>
        %sub3A_311 = arith.subi %add3A_308, %sub3A_310 : vector<16xi32>
        %min3A_312 = arith.constant 8207 : i32
        %min3A_313 = vector.broadcast %min3A_312 : i32 to vector<16xi32>
        %min3A_314 = arith.minsi %sub3A_311, %min3A_313 : vector<16xi32>
        tpu.vector_store_idx %arg7[%min3A_314], %get3A_296 masked %gt3A_298 : memref<8208xf32, #tpu.memory_space<vmem>>[vector<16xi32>], vector<16xf32>, vector<16xi1>
        %mul3A_315 = arith.constant 128 : i32
        %mul3A_316 = arith.muli %scan3A_101, %mul3A_315 : i32
        %add3A_317 = arith.constant 64 : i32
        %add3A_318 = arith.addi %mul3A_316, %add3A_317 : i32
        %add3A_319 = vector.broadcast %add3A_318 : i32 to vector<16xi32>
        %add3A_320 = arith.addi %iota3A, %add3A_319 : vector<16xi32>
        tpu.vector_store_idx %arg8[%min3A_314], %add3A_320 masked %gt3A_298 : memref<8208xi32, #tpu.memory_space<vmem>>[vector<16xi32>], vector<16xi32>, vector<16xi1>
        %reduce_max3A_321 = arith.constant true
        %reduce_max3A_322 = vector.broadcast %reduce_max3A_321 : i1 to vector<16xi1>
        %reduce_max3A_323 = arith.constant -2147483648 : i32
        %reduce_max3A_324 = vector.broadcast %reduce_max3A_323 : i32 to vector<16xi32>
        %reduce_max3A_325 = arith.xori %masked_cumsum3A_306, %reduce_max3A_324 : vector<16xi32>
        %reduce_max3A_326 = tpu.scan <max>, %reduce_max3A_325 masked %reduce_max3A_322 : vector<16xi32>, vector<16xi1> -> vector<16xi32>
        %reduce_max3A_327 = arith.xori %reduce_max3A_326, %reduce_max3A_324 : vector<16xi32>
        %reduce_max3A_328 = vector.extract %reduce_max3A_327[15] : i32 from vector<16xi32>
        %add3A_329 = arith.addi %add3A_286, %reduce_max3A_328 : i32
        %jit3A_330 = arith.constant -1.000000e+30 : f32
        %broadcast_in_dim3A_331 = vector.broadcast %jit3A_330 : f32 to vector<16xf32>
        %select_n3A_332 = arith.select %gt3A_298, %broadcast_in_dim3A_331, %get3A_296 : vector<16xi1>, vector<16xf32>
        %max3A_333 = arith.maximumf %max3A_290, %select_n3A_332 : vector<16xf32>
        %mul3A_334 = arith.constant 128 : i32
        %mul3A_335 = arith.muli %scan3A_101, %mul3A_334 : i32
        %add3A_336 = arith.constant 80 : i32
        %add3A_337 = arith.addi %mul3A_335, %add3A_336 : i32
        %get3A_338 = arith.index_cast %add3A_337 : i32 to index
        %get3A_339 = tpu.vector_load %arg4[%get3A_338] {strides = array<i32>} : memref<32768xf32, #tpu.memory_space<vmem>>, vector<16xf32>,
        %gt3A_340 = vector.broadcast %sub3A_23 : f32 to vector<16xf32>
        %gt3A_341 = arith.cmpf ogt, %get3A_339, %gt3A_340 : vector<16xf32>
        %jit3A_342 = arith.constant 1 : i32
        %jit3A_343 = arith.constant 0 : i32
        %broadcast_in_dim3A_344 = vector.broadcast %jit3A_342 : i32 to vector<16xi32>
        %broadcast_in_dim3A_345 = vector.broadcast %jit3A_343 : i32 to vector<16xi32>
        %select_n3A_346 = arith.select %gt3A_341, %broadcast_in_dim3A_344, %broadcast_in_dim3A_345 : vector<16xi1>, vector<16xi32>
        %broadcast_in_dim3A_347 = arith.constant true
        %broadcast_in_dim3A_348 = vector.broadcast %broadcast_in_dim3A_347 : i1 to vector<16xi1>
        %masked_cumsum3A_349 = tpu.scan <sum>, %select_n3A_346 masked %broadcast_in_dim3A_348 : vector<16xi32>, vector<16xi1> -> vector<16xi32>
        %broadcast_in_dim3A_350 = vector.broadcast %add3A_329 : i32 to vector<16xi32>
        %add3A_351 = arith.addi %broadcast_in_dim3A_350, %masked_cumsum3A_349 : vector<16xi32>
        %sub3A_352 = arith.constant 1 : i32
        %sub3A_353 = vector.broadcast %sub3A_352 : i32 to vector<16xi32>
        %sub3A_354 = arith.subi %add3A_351, %sub3A_353 : vector<16xi32>
        %min3A_355 = arith.constant 8207 : i32
        %min3A_356 = vector.broadcast %min3A_355 : i32 to vector<16xi32>
        %min3A_357 = arith.minsi %sub3A_354, %min3A_356 : vector<16xi32>
        tpu.vector_store_idx %arg7[%min3A_357], %get3A_339 masked %gt3A_341 : memref<8208xf32, #tpu.memory_space<vmem>>[vector<16xi32>], vector<16xf32>, vector<16xi1>
        %mul3A_358 = arith.constant 128 : i32
        %mul3A_359 = arith.muli %scan3A_101, %mul3A_358 : i32
        %add3A_360 = arith.constant 80 : i32
        %add3A_361 = arith.addi %mul3A_359, %add3A_360 : i32
        %add3A_362 = vector.broadcast %add3A_361 : i32 to vector<16xi32>
        %add3A_363 = arith.addi %iota3A, %add3A_362 : vector<16xi32>
        tpu.vector_store_idx %arg8[%min3A_357], %add3A_363 masked %gt3A_341 : memref<8208xi32, #tpu.memory_space<vmem>>[vector<16xi32>], vector<16xi32>, vector<16xi1>
        %reduce_max3A_364 = arith.constant true
        %reduce_max3A_365 = vector.broadcast %reduce_max3A_364 : i1 to vector<16xi1>
        %reduce_max3A_366 = arith.constant -2147483648 : i32
        %reduce_max3A_367 = vector.broadcast %reduce_max3A_366 : i32 to vector<16xi32>
        %reduce_max3A_368 = arith.xori %masked_cumsum3A_349, %reduce_max3A_367 : vector<16xi32>
        %reduce_max3A_369 = tpu.scan <max>, %reduce_max3A_368 masked %reduce_max3A_365 : vector<16xi32>, vector<16xi1> -> vector<16xi32>
        %reduce_max3A_370 = arith.xori %reduce_max3A_369, %reduce_max3A_367 : vector<16xi32>
        %reduce_max3A_371 = vector.extract %reduce_max3A_370[15] : i32 from vector<16xi32>
        %add3A_372 = arith.addi %add3A_329, %reduce_max3A_371 : i32
        %jit3A_373 = arith.constant -1.000000e+30 : f32
        %broadcast_in_dim3A_374 = vector.broadcast %jit3A_373 : f32 to vector<16xf32>
        %select_n3A_375 = arith.select %gt3A_341, %broadcast_in_dim3A_374, %get3A_339 : vector<16xi1>, vector<16xf32>
        %max3A_376 = arith.maximumf %max3A_333, %select_n3A_375 : vector<16xf32>
        %mul3A_377 = arith.constant 128 : i32
        %mul3A_378 = arith.muli %scan3A_101, %mul3A_377 : i32
        %add3A_379 = arith.constant 96 : i32
        %add3A_380 = arith.addi %mul3A_378, %add3A_379 : i32
        %get3A_381 = arith.index_cast %add3A_380 : i32 to index
        %get3A_382 = tpu.vector_load %arg4[%get3A_381] {strides = array<i32>} : memref<32768xf32, #tpu.memory_space<vmem>>, vector<16xf32>,
        %gt3A_383 = vector.broadcast %sub3A_23 : f32 to vector<16xf32>
        %gt3A_384 = arith.cmpf ogt, %get3A_382, %gt3A_383 : vector<16xf32>
        %jit3A_385 = arith.constant 1 : i32
        %jit3A_386 = arith.constant 0 : i32
        %broadcast_in_dim3A_387 = vector.broadcast %jit3A_385 : i32 to vector<16xi32>
        %broadcast_in_dim3A_388 = vector.broadcast %jit3A_386 : i32 to vector<16xi32>
        %select_n3A_389 = arith.select %gt3A_384, %broadcast_in_dim3A_387, %broadcast_in_dim3A_388 : vector<16xi1>, vector<16xi32>
        %broadcast_in_dim3A_390 = arith.constant true
        %broadcast_in_dim3A_391 = vector.broadcast %broadcast_in_dim3A_390 : i1 to vector<16xi1>
        %masked_cumsum3A_392 = tpu.scan <sum>, %select_n3A_389 masked %broadcast_in_dim3A_391 : vector<16xi32>, vector<16xi1> -> vector<16xi32>
        %broadcast_in_dim3A_393 = vector.broadcast %add3A_372 : i32 to vector<16xi32>
        %add3A_394 = arith.addi %broadcast_in_dim3A_393, %masked_cumsum3A_392 : vector<16xi32>
        %sub3A_395 = arith.constant 1 : i32
        %sub3A_396 = vector.broadcast %sub3A_395 : i32 to vector<16xi32>
        %sub3A_397 = arith.subi %add3A_394, %sub3A_396 : vector<16xi32>
        %min3A_398 = arith.constant 8207 : i32
        %min3A_399 = vector.broadcast %min3A_398 : i32 to vector<16xi32>
        %min3A_400 = arith.minsi %sub3A_397, %min3A_399 : vector<16xi32>
        tpu.vector_store_idx %arg7[%min3A_400], %get3A_382 masked %gt3A_384 : memref<8208xf32, #tpu.memory_space<vmem>>[vector<16xi32>], vector<16xf32>, vector<16xi1>
        %mul3A_401 = arith.constant 128 : i32
        %mul3A_402 = arith.muli %scan3A_101, %mul3A_401 : i32
        %add3A_403 = arith.constant 96 : i32
        %add3A_404 = arith.addi %mul3A_402, %add3A_403 : i32
        %add3A_405 = vector.broadcast %add3A_404 : i32 to vector<16xi32>
        %add3A_406 = arith.addi %iota3A, %add3A_405 : vector<16xi32>
        tpu.vector_store_idx %arg8[%min3A_400], %add3A_406 masked %gt3A_384 : memref<8208xi32, #tpu.memory_space<vmem>>[vector<16xi32>], vector<16xi32>, vector<16xi1>
        %reduce_max3A_407 = arith.constant true
        %reduce_max3A_408 = vector.broadcast %reduce_max3A_407 : i1 to vector<16xi1>
        %reduce_max3A_409 = arith.constant -2147483648 : i32
        %reduce_max3A_410 = vector.broadcast %reduce_max3A_409 : i32 to vector<16xi32>
        %reduce_max3A_411 = arith.xori %masked_cumsum3A_392, %reduce_max3A_410 : vector<16xi32>
        %reduce_max3A_412 = tpu.scan <max>, %reduce_max3A_411 masked %reduce_max3A_408 : vector<16xi32>, vector<16xi1> -> vector<16xi32>
        %reduce_max3A_413 = arith.xori %reduce_max3A_412, %reduce_max3A_410 : vector<16xi32>
        %reduce_max3A_414 = vector.extract %reduce_max3A_413[15] : i32 from vector<16xi32>
        %add3A_415 = arith.addi %add3A_372, %reduce_max3A_414 : i32
        %jit3A_416 = arith.constant -1.000000e+30 : f32
        %broadcast_in_dim3A_417 = vector.broadcast %jit3A_416 : f32 to vector<16xf32>
        %select_n3A_418 = arith.select %gt3A_384, %broadcast_in_dim3A_417, %get3A_382 : vector<16xi1>, vector<16xf32>
        %max3A_419 = arith.maximumf %max3A_376, %select_n3A_418 : vector<16xf32>
        %mul3A_420 = arith.constant 128 : i32
        %mul3A_421 = arith.muli %scan3A_101, %mul3A_420 : i32
        %add3A_422 = arith.constant 112 : i32
        %add3A_423 = arith.addi %mul3A_421, %add3A_422 : i32
        %get3A_424 = arith.index_cast %add3A_423 : i32 to index
        %get3A_425 = tpu.vector_load %arg4[%get3A_424] {strides = array<i32>} : memref<32768xf32, #tpu.memory_space<vmem>>, vector<16xf32>,
        %gt3A_426 = vector.broadcast %sub3A_23 : f32 to vector<16xf32>
        %gt3A_427 = arith.cmpf ogt, %get3A_425, %gt3A_426 : vector<16xf32>
        %jit3A_428 = arith.constant 1 : i32
        %jit3A_429 = arith.constant 0 : i32
        %broadcast_in_dim3A_430 = vector.broadcast %jit3A_428 : i32 to vector<16xi32>
        %broadcast_in_dim3A_431 = vector.broadcast %jit3A_429 : i32 to vector<16xi32>
        %select_n3A_432 = arith.select %gt3A_427, %broadcast_in_dim3A_430, %broadcast_in_dim3A_431 : vector<16xi1>, vector<16xi32>
        %broadcast_in_dim3A_433 = arith.constant true
        %broadcast_in_dim3A_434 = vector.broadcast %broadcast_in_dim3A_433 : i1 to vector<16xi1>
        %masked_cumsum3A_435 = tpu.scan <sum>, %select_n3A_432 masked %broadcast_in_dim3A_434 : vector<16xi32>, vector<16xi1> -> vector<16xi32>
        %broadcast_in_dim3A_436 = vector.broadcast %add3A_415 : i32 to vector<16xi32>
        %add3A_437 = arith.addi %broadcast_in_dim3A_436, %masked_cumsum3A_435 : vector<16xi32>
        %sub3A_438 = arith.constant 1 : i32
        %sub3A_439 = vector.broadcast %sub3A_438 : i32 to vector<16xi32>
        %sub3A_440 = arith.subi %add3A_437, %sub3A_439 : vector<16xi32>
        %min3A_441 = arith.constant 8207 : i32
        %min3A_442 = vector.broadcast %min3A_441 : i32 to vector<16xi32>
        %min3A_443 = arith.minsi %sub3A_440, %min3A_442 : vector<16xi32>
        tpu.vector_store_idx %arg7[%min3A_443], %get3A_425 masked %gt3A_427 : memref<8208xf32, #tpu.memory_space<vmem>>[vector<16xi32>], vector<16xf32>, vector<16xi1>
        %mul3A_444 = arith.constant 128 : i32
        %mul3A_445 = arith.muli %scan3A_101, %mul3A_444 : i32
        %add3A_446 = arith.constant 112 : i32
        %add3A_447 = arith.addi %mul3A_445, %add3A_446 : i32
        %add3A_448 = vector.broadcast %add3A_447 : i32 to vector<16xi32>
        %add3A_449 = arith.addi %iota3A, %add3A_448 : vector<16xi32>
        tpu.vector_store_idx %arg8[%min3A_443], %add3A_449 masked %gt3A_427 : memref<8208xi32, #tpu.memory_space<vmem>>[vector<16xi32>], vector<16xi32>, vector<16xi1>
        %reduce_max3A_450 = arith.constant true
        %reduce_max3A_451 = vector.broadcast %reduce_max3A_450 : i1 to vector<16xi1>
        %reduce_max3A_452 = arith.constant -2147483648 : i32
        %reduce_max3A_453 = vector.broadcast %reduce_max3A_452 : i32 to vector<16xi32>
        %reduce_max3A_454 = arith.xori %masked_cumsum3A_435, %reduce_max3A_453 : vector<16xi32>
        %reduce_max3A_455 = tpu.scan <max>, %reduce_max3A_454 masked %reduce_max3A_451 : vector<16xi32>, vector<16xi1> -> vector<16xi32>
        %reduce_max3A_456 = arith.xori %reduce_max3A_455, %reduce_max3A_453 : vector<16xi32>
        %reduce_max3A_457 = vector.extract %reduce_max3A_456[15] : i32 from vector<16xi32>
        %add3A_458 = arith.addi %add3A_415, %reduce_max3A_457 : i32
        %jit3A_459 = arith.constant -1.000000e+30 : f32
        %broadcast_in_dim3A_460 = vector.broadcast %jit3A_459 : f32 to vector<16xf32>
        %select_n3A_461 = arith.select %gt3A_427, %broadcast_in_dim3A_460, %get3A_425 : vector<16xi1>, vector<16xf32>
        %max3A_462 = arith.maximumf %max3A_419, %select_n3A_461 : vector<16xf32>
        scf.yield %add3A_458, %max3A_462 : i32, vector<16xf32>
      } else {
        %max3A = arith.maximumf %scan3A_103, %get3A_106 : vector<16xf32>
        scf.yield %scan3A_102, %max3A : i32, vector<16xf32>
      }
      scf.yield %cond3A_121#0, %cond3A_121#1 : i32, vector<16xf32>
    }
    %scan3A_30 = arith.constant 256 : i32
    %reduce_max3A_31 = arith.constant true
    %reduce_max3A_32 = vector.broadcast %reduce_max3A_31 : i1 to vector<16xi1>
    %reduce_max3A_33 = tpu.scan <max>, %scan3A_29#1 masked %reduce_max3A_32 : vector<16xf32>, vector<16xi1> -> vector<16xf32>
    %reduce_max3A_34 = vector.extract %reduce_max3A_33[15] : f32 from vector<16xf32>
    %lt3A = arith.constant 8192 : i32
    %lt3A_35 = arith.cmpi slt, %scan3A_29#0, %lt3A : i32
    %jit3A = arith.constant 8192 : i32
    %select_n3A = arith.select %lt3A_35, %scan3A_29#0, %jit3A : i32
    %swap3A = arith.index_cast %select_n3A : i32 to index
    %swap3A_36 = tpu.vector_load %arg7[%swap3A] {strides = array<i32>} : memref<8208xf32, #tpu.memory_space<vmem>>, vector<16xf32>,
    tpu.vector_store %arg7[%swap3A], %broadcast_in_dim3A_3 {strides = array<i32>} : memref<8208xf32, #tpu.memory_space<vmem>>, vector<16xf32>,
    %le3A = arith.constant 8192 : i32
    %le3A_37 = arith.cmpi sle, %scan3A_29#0, %le3A : i32
    %add3A_38 = arith.constant 15 : i32
    %add3A_39 = arith.addi %scan3A_29#0, %add3A_38 : i32
    %shift_right_logical3A = arith.constant 4 : i32
    %shift_right_logical3A_40 = arith.shrui %add3A_39, %shift_right_logical3A : i32
    %convert_element_type3A = arith.extui %le3A_37 : i1 to i32
    %cond3A = arith.constant 0 : i32
    %cond3A_41 = arith.cmpi ne, %convert_element_type3A, %cond3A : i32
    scf.if %cond3A_41 {
      %scan3A_101 = arith.constant 0 : i32
      %scan3A_102 = arith.constant 30 : i32
      %scan3A_103 = arith.addi %scan3A_101, %scan3A_102 : i32
      %scan3A_104 = arith.constant 1 : i32
      %scan3A_105:2 = scf.for %scan3A_170 = %scan3A_101 to %scan3A_103 step %scan3A_104 iter_args(%scan3A_171 = %sub3A_23, %scan3A_172 = %reduce_max3A_22) -> (f32, f32)  : i32 {
        %add3A_173 = arith.addf %scan3A_171, %scan3A_172 : f32
        %mul3A_174 = arith.constant 5.000000e-01 : f32
        %mul3A_175 = arith.mulf %mul3A_174, %add3A_173 : f32
        %while3A_176 = arith.constant 0 : i32
        %while3A_177 = arith.subi %shift_right_logical3A_40, %while3A_176 : i32
        %while3A_178 = arith.addi %while3A_176, %while3A_177 : i32
        %while3A_179 = arith.constant 1 : i32
        %while3A_180 = arith.divsi %while3A_177, %while3A_179 : i32
        %while3A_181 = arith.muli %while3A_180, %while3A_179 : i32
        %while3A_182 = arith.addi %while3A_176, %while3A_181 : i32
        %while3A_183 = arith.constant 1 : i32
        %while3A_184 = scf.for %while3A_194 = %while3A_176 to %while3A_182 step %while3A_183 iter_args(%while3A_195 = %broadcast_in_dim3A_1) -> (vector<16xf32>)  : i32 {
          %mul3A_196 = arith.constant 16 : i32
          %mul3A_197 = arith.muli %while3A_194, %mul3A_196 : i32
          %get3A = arith.index_cast %mul3A_197 : i32 to index
          %get3A_198 = tpu.vector_load %arg7[%get3A] {strides = array<i32>} : memref<8208xf32, #tpu.memory_space<vmem>>, vector<16xf32>,
          %sub3A_199 = vector.broadcast %mul3A_175 : f32 to vector<16xf32>
          %sub3A_200 = arith.subf %get3A_198, %sub3A_199 : vector<16xf32>
          %max3A_201 = arith.constant 0.000000e+00 : f32
          %max3A_202 = vector.broadcast %max3A_201 : f32 to vector<16xf32>
          %max3A_203 = arith.maximumf %sub3A_200, %max3A_202 : vector<16xf32>
          %add3A_204 = arith.addf %while3A_195, %max3A_203 : vector<16xf32>
          scf.yield %add3A_204 : vector<16xf32>
        }
        %while3A_185 = arith.constant 1 : i32
        %while3A_186 = scf.for %while3A_194 = %while3A_182 to %while3A_178 step %while3A_185 iter_args(%while3A_195 = %while3A_184) -> (vector<16xf32>)  : i32 {
          %mul3A_196 = arith.constant 16 : i32
          %mul3A_197 = arith.muli %while3A_194, %mul3A_196 : i32
          %get3A = arith.index_cast %mul3A_197 : i32 to index
          %get3A_198 = tpu.vector_load %arg7[%get3A] {strides = array<i32>} : memref<8208xf32, #tpu.memory_space<vmem>>, vector<16xf32>,
          %sub3A_199 = vector.broadcast %mul3A_175 : f32 to vector<16xf32>
          %sub3A_200 = arith.subf %get3A_198, %sub3A_199 : vector<16xf32>
          %max3A_201 = arith.constant 0.000000e+00 : f32
          %max3A_202 = vector.broadcast %max3A_201 : f32 to vector<16xf32>
          %max3A_203 = arith.maximumf %sub3A_200, %max3A_202 : vector<16xf32>
          %add3A_204 = arith.addf %while3A_195, %max3A_203 : vector<16xf32>
          scf.yield %add3A_204 : vector<16xf32>
        }
        %reduce_sum3A_187 = arith.constant true
        %reduce_sum3A_188 = vector.broadcast %reduce_sum3A_187 : i1 to vector<16xi1>
        %reduce_sum3A_189 = tpu.scan <sum>, %while3A_186 masked %reduce_sum3A_188 : vector<16xf32>, vector<16xi1> -> vector<16xf32>
        %reduce_sum3A_190 = vector.extract %reduce_sum3A_189[15] : f32 from vector<16xf32>
        %ge3A = arith.constant 5.000000e-01 : f32
        %ge3A_191 = arith.cmpf oge, %reduce_sum3A_190, %ge3A : f32
        %select_n3A_192 = arith.select %ge3A_191, %mul3A_175, %scan3A_171 : f32
        %select_n3A_193 = arith.select %ge3A_191, %scan3A_172, %mul3A_175 : f32
        scf.yield %select_n3A_192, %select_n3A_193 : f32, f32
      }
      %scan3A_106 = arith.constant 30 : i32
      %while3A = arith.constant 0 : i32
      %while3A_107 = arith.subi %shift_right_logical3A_40, %while3A : i32
      %while3A_108 = arith.addi %while3A, %while3A_107 : i32
      %while3A_109 = arith.constant 1 : i32
      %while3A_110 = arith.divsi %while3A_107, %while3A_109 : i32
      %while3A_111 = arith.muli %while3A_110, %while3A_109 : i32
      %while3A_112 = arith.addi %while3A, %while3A_111 : i32
      %while3A_113 = arith.constant 1 : i32
      %while3A_114:3 = scf.for %while3A_170 = %while3A to %while3A_112 step %while3A_113 iter_args(%while3A_171 = %broadcast_in_dim3A_1, %while3A_172 = %broadcast_in_dim3A_1, %while3A_173 = %broadcast_in_dim3A_3) -> (vector<16xf32>, vector<16xf32>, vector<16xf32>)  : i32 {
        %mul3A_174 = arith.constant 16 : i32
        %mul3A_175 = arith.muli %while3A_170, %mul3A_174 : i32
        %get3A = arith.index_cast %mul3A_175 : i32 to index
        %get3A_176 = tpu.vector_load %arg7[%get3A] {strides = array<i32>} : memref<8208xf32, #tpu.memory_space<vmem>>, vector<16xf32>,
        %sub3A_177 = vector.broadcast %reduce_max3A_22 : f32 to vector<16xf32>
        %sub3A_178 = arith.subf %get3A_176, %sub3A_177 : vector<16xf32>
        %gt3A = vector.broadcast %scan3A_105#0 : f32 to vector<16xf32>
        %gt3A_179 = arith.cmpf ogt, %get3A_176, %gt3A : vector<16xf32>
        %jit3A_180 = arith.constant 1.000000e+00 : f32
        %jit3A_181 = arith.constant 0.000000e+00 : f32
        %broadcast_in_dim3A_182 = vector.broadcast %jit3A_180 : f32 to vector<16xf32>
        %broadcast_in_dim3A_183 = vector.broadcast %jit3A_181 : f32 to vector<16xf32>
        %select_n3A_184 = arith.select %gt3A_179, %broadcast_in_dim3A_182, %broadcast_in_dim3A_183 : vector<16xi1>, vector<16xf32>
        %add3A_185 = arith.addf %while3A_171, %select_n3A_184 : vector<16xf32>
        %jit3A_186 = arith.constant 0.000000e+00 : f32
        %broadcast_in_dim3A_187 = vector.broadcast %jit3A_186 : f32 to vector<16xf32>
        %select_n3A_188 = arith.select %gt3A_179, %sub3A_178, %broadcast_in_dim3A_187 : vector<16xi1>, vector<16xf32>
        %add3A_189 = arith.addf %while3A_172, %select_n3A_188 : vector<16xf32>
        %jit3A_190 = arith.constant -1.000000e+30 : f32
        %broadcast_in_dim3A_191 = vector.broadcast %jit3A_190 : f32 to vector<16xf32>
        %select_n3A_192 = arith.select %gt3A_179, %broadcast_in_dim3A_191, %sub3A_178 : vector<16xi1>, vector<16xf32>
        %max3A_193 = arith.maximumf %while3A_173, %select_n3A_192 : vector<16xf32>
        scf.yield %add3A_185, %add3A_189, %max3A_193 : vector<16xf32>, vector<16xf32>, vector<16xf32>
      }
      %while3A_115 = arith.constant 1 : i32
      %while3A_116:3 = scf.for %while3A_170 = %while3A_112 to %while3A_108 step %while3A_115 iter_args(%while3A_171 = %while3A_114#0, %while3A_172 = %while3A_114#1, %while3A_173 = %while3A_114#2) -> (vector<16xf32>, vector<16xf32>, vector<16xf32>)  : i32 {
        %mul3A_174 = arith.constant 16 : i32
        %mul3A_175 = arith.muli %while3A_170, %mul3A_174 : i32
        %get3A = arith.index_cast %mul3A_175 : i32 to index
        %get3A_176 = tpu.vector_load %arg7[%get3A] {strides = array<i32>} : memref<8208xf32, #tpu.memory_space<vmem>>, vector<16xf32>,
        %sub3A_177 = vector.broadcast %reduce_max3A_22 : f32 to vector<16xf32>
        %sub3A_178 = arith.subf %get3A_176, %sub3A_177 : vector<16xf32>
        %gt3A = vector.broadcast %scan3A_105#0 : f32 to vector<16xf32>
        %gt3A_179 = arith.cmpf ogt, %get3A_176, %gt3A : vector<16xf32>
        %jit3A_180 = arith.constant 1.000000e+00 : f32
        %jit3A_181 = arith.constant 0.000000e+00 : f32
        %broadcast_in_dim3A_182 = vector.broadcast %jit3A_180 : f32 to vector<16xf32>
        %broadcast_in_dim3A_183 = vector.broadcast %jit3A_181 : f32 to vector<16xf32>
        %select_n3A_184 = arith.select %gt3A_179, %broadcast_in_dim3A_182, %broadcast_in_dim3A_183 : vector<16xi1>, vector<16xf32>
        %add3A_185 = arith.addf %while3A_171, %select_n3A_184 : vector<16xf32>
        %jit3A_186 = arith.constant 0.000000e+00 : f32
        %broadcast_in_dim3A_187 = vector.broadcast %jit3A_186 : f32 to vector<16xf32>
        %select_n3A_188 = arith.select %gt3A_179, %sub3A_178, %broadcast_in_dim3A_187 : vector<16xi1>, vector<16xf32>
        %add3A_189 = arith.addf %while3A_172, %select_n3A_188 : vector<16xf32>
        %jit3A_190 = arith.constant -1.000000e+30 : f32
        %broadcast_in_dim3A_191 = vector.broadcast %jit3A_190 : f32 to vector<16xf32>
        %select_n3A_192 = arith.select %gt3A_179, %broadcast_in_dim3A_191, %sub3A_178 : vector<16xi1>, vector<16xf32>
        %max3A_193 = arith.maximumf %while3A_173, %select_n3A_192 : vector<16xf32>
        scf.yield %add3A_185, %add3A_189, %max3A_193 : vector<16xf32>, vector<16xf32>, vector<16xf32>
      }
      %reduce_sum3A = arith.constant true
      %reduce_sum3A_117 = vector.broadcast %reduce_sum3A : i1 to vector<16xi1>
      %reduce_sum3A_118 = tpu.scan <sum>, %while3A_116#0 masked %reduce_sum3A_117 : vector<16xf32>, vector<16xi1> -> vector<16xf32>
      %reduce_sum3A_119 = vector.extract %reduce_sum3A_118[15] : f32 from vector<16xf32>
      %reduce_sum3A_120 = arith.constant true
      %reduce_sum3A_121 = vector.broadcast %reduce_sum3A_120 : i1 to vector<16xi1>
      %reduce_sum3A_122 = tpu.scan <sum>, %while3A_116#1 masked %reduce_sum3A_121 : vector<16xf32>, vector<16xi1> -> vector<16xf32>
      %reduce_sum3A_123 = vector.extract %reduce_sum3A_122[15] : f32 from vector<16xf32>
      %reduce_max3A_124 = arith.constant true
      %reduce_max3A_125 = vector.broadcast %reduce_max3A_124 : i1 to vector<16xi1>
      %reduce_max3A_126 = tpu.scan <max>, %while3A_116#2 masked %reduce_max3A_125 : vector<16xf32>, vector<16xi1> -> vector<16xf32>
      %reduce_max3A_127 = vector.extract %reduce_max3A_126[15] : f32 from vector<16xf32>
      %sub3A_128 = arith.subf %reduce_max3A_34, %reduce_max3A_22 : f32
      %max3A = arith.maximumf %reduce_max3A_127, %sub3A_128 : f32
      %add3A_129 = arith.addf %reduce_sum3A_123, %max3A : f32
      %sub3A_130 = arith.constant 5.000000e-01 : f32
      %sub3A_131 = arith.subf %add3A_129, %sub3A_130 : f32
      %broadcast_in_dim3A_132 = vector.broadcast %sub3A_131 : f32 to vector<16xf32>
      %add3A_133 = arith.constant 1.000000e+00 : f32
      %add3A_134 = arith.addf %reduce_sum3A_119, %add3A_133 : f32
      %broadcast_in_dim3A_135 = vector.broadcast %add3A_134 : f32 to vector<16xf32>
      %add3A_136 = arith.addf %max3A, %reduce_max3A_22 : f32
      %broadcast_in_dim3A_137 = vector.broadcast %add3A_136 : f32 to vector<16xf32>
      %div3A = arith.divf %broadcast_in_dim3A_132, %broadcast_in_dim3A_135 : vector<16xf32>
      %sub3A_138 = arith.subf %broadcast_in_dim3A_137, %div3A : vector<16xf32>
      %while3A_139 = arith.constant 0 : i32
      %while3A_140 = arith.subi %shift_right_logical3A_40, %while3A_139 : i32
      %while3A_141 = arith.addi %while3A_139, %while3A_140 : i32
      %while3A_142 = arith.constant 1 : i32
      %while3A_143 = arith.divsi %while3A_140, %while3A_142 : i32
      %while3A_144 = arith.muli %while3A_143, %while3A_142 : i32
      %while3A_145 = arith.addi %while3A_139, %while3A_144 : i32
      %while3A_146 = arith.constant 1 : i32
      %while3A_147 = scf.for %while3A_170 = %while3A_139 to %while3A_145 step %while3A_146 iter_args(%while3A_171 = %broadcast_in_dim3A_1) -> (vector<16xf32>)  : i32 {
        %mul3A_172 = arith.constant 16 : i32
        %mul3A_173 = arith.muli %while3A_170, %mul3A_172 : i32
        %get3A = arith.index_cast %mul3A_173 : i32 to index
        %get3A_174 = tpu.vector_load %arg7[%get3A] {strides = array<i32>} : memref<8208xf32, #tpu.memory_space<vmem>>, vector<16xf32>,
        %sub3A_175 = arith.subf %get3A_174, %sub3A_138 : vector<16xf32>
        %gt3A = arith.constant 0.000000e+00 : f32
        %gt3A_176 = vector.broadcast %gt3A : f32 to vector<16xf32>
        %gt3A_177 = arith.cmpf ogt, %sub3A_175, %gt3A_176 : vector<16xf32>
        %bitcast3A = vector.bitcast %sub3A_175 : vector<16xf32> to vector<16xi32>
        %shift_right_arithmetic3A = arith.constant 1 : i32
        %shift_right_arithmetic3A_178 = vector.broadcast %shift_right_arithmetic3A : i32 to vector<16xi32>
        %shift_right_arithmetic3A_179 = arith.shrsi %bitcast3A, %shift_right_arithmetic3A_178 : vector<16xi32>
        %add3A_180 = arith.constant 532487670 : i32
        %add3A_181 = vector.broadcast %add3A_180 : i32 to vector<16xi32>
        %add3A_182 = arith.addi %shift_right_arithmetic3A_179, %add3A_181 : vector<16xi32>
        %bitcast3A_183 = vector.bitcast %add3A_182 : vector<16xi32> to vector<16xf32>
        %div3A_184 = arith.divf %sub3A_175, %bitcast3A_183 : vector<16xf32>
        %add3A_185 = arith.addf %bitcast3A_183, %div3A_184 : vector<16xf32>
        %mul3A_186 = arith.constant 5.000000e-01 : f32
        %mul3A_187 = vector.broadcast %mul3A_186 : f32 to vector<16xf32>
        %mul3A_188 = arith.mulf %mul3A_187, %add3A_185 : vector<16xf32>
        %div3A_189 = arith.divf %sub3A_175, %mul3A_188 : vector<16xf32>
        %add3A_190 = arith.addf %mul3A_188, %div3A_189 : vector<16xf32>
        %mul3A_191 = arith.constant 5.000000e-01 : f32
        %mul3A_192 = vector.broadcast %mul3A_191 : f32 to vector<16xf32>
        %mul3A_193 = arith.mulf %mul3A_192, %add3A_190 : vector<16xf32>
        %div3A_194 = arith.divf %sub3A_175, %mul3A_193 : vector<16xf32>
        %add3A_195 = arith.addf %mul3A_193, %div3A_194 : vector<16xf32>
        %mul3A_196 = arith.constant 5.000000e-01 : f32
        %mul3A_197 = vector.broadcast %mul3A_196 : f32 to vector<16xf32>
        %mul3A_198 = arith.mulf %mul3A_197, %add3A_195 : vector<16xf32>
        %jit3A_199 = arith.constant 0.000000e+00 : f32
        %broadcast_in_dim3A_200 = vector.broadcast %jit3A_199 : f32 to vector<16xf32>
        %select_n3A_201 = arith.select %gt3A_177, %mul3A_198, %broadcast_in_dim3A_200 : vector<16xi1>, vector<16xf32>
        %mul3A_202 = arith.constant 16 : i32
        %mul3A_203 = arith.muli %while3A_170, %mul3A_202 : i32
        %swap3A_204 = arith.index_cast %mul3A_203 : i32 to index
        %swap3A_205 = tpu.vector_load %arg7[%swap3A_204] {strides = array<i32>} : memref<8208xf32, #tpu.memory_space<vmem>>, vector<16xf32>,
        tpu.vector_store %arg7[%swap3A_204], %select_n3A_201 {strides = array<i32>} : memref<8208xf32, #tpu.memory_space<vmem>>, vector<16xf32>,
        %add3A_206 = arith.addf %while3A_171, %select_n3A_201 : vector<16xf32>
        scf.yield %add3A_206 : vector<16xf32>
      }
      %while3A_148 = arith.constant 1 : i32
      %while3A_149 = scf.for %while3A_170 = %while3A_145 to %while3A_141 step %while3A_148 iter_args(%while3A_171 = %while3A_147) -> (vector<16xf32>)  : i32 {
        %mul3A_172 = arith.constant 16 : i32
        %mul3A_173 = arith.muli %while3A_170, %mul3A_172 : i32
        %get3A = arith.index_cast %mul3A_173 : i32 to index
        %get3A_174 = tpu.vector_load %arg7[%get3A] {strides = array<i32>} : memref<8208xf32, #tpu.memory_space<vmem>>, vector<16xf32>,
        %sub3A_175 = arith.subf %get3A_174, %sub3A_138 : vector<16xf32>
        %gt3A = arith.constant 0.000000e+00 : f32
        %gt3A_176 = vector.broadcast %gt3A : f32 to vector<16xf32>
        %gt3A_177 = arith.cmpf ogt, %sub3A_175, %gt3A_176 : vector<16xf32>
        %bitcast3A = vector.bitcast %sub3A_175 : vector<16xf32> to vector<16xi32>
        %shift_right_arithmetic3A = arith.constant 1 : i32
        %shift_right_arithmetic3A_178 = vector.broadcast %shift_right_arithmetic3A : i32 to vector<16xi32>
        %shift_right_arithmetic3A_179 = arith.shrsi %bitcast3A, %shift_right_arithmetic3A_178 : vector<16xi32>
        %add3A_180 = arith.constant 532487670 : i32
        %add3A_181 = vector.broadcast %add3A_180 : i32 to vector<16xi32>
        %add3A_182 = arith.addi %shift_right_arithmetic3A_179, %add3A_181 : vector<16xi32>
        %bitcast3A_183 = vector.bitcast %add3A_182 : vector<16xi32> to vector<16xf32>
        %div3A_184 = arith.divf %sub3A_175, %bitcast3A_183 : vector<16xf32>
        %add3A_185 = arith.addf %bitcast3A_183, %div3A_184 : vector<16xf32>
        %mul3A_186 = arith.constant 5.000000e-01 : f32
        %mul3A_187 = vector.broadcast %mul3A_186 : f32 to vector<16xf32>
        %mul3A_188 = arith.mulf %mul3A_187, %add3A_185 : vector<16xf32>
        %div3A_189 = arith.divf %sub3A_175, %mul3A_188 : vector<16xf32>
        %add3A_190 = arith.addf %mul3A_188, %div3A_189 : vector<16xf32>
        %mul3A_191 = arith.constant 5.000000e-01 : f32
        %mul3A_192 = vector.broadcast %mul3A_191 : f32 to vector<16xf32>
        %mul3A_193 = arith.mulf %mul3A_192, %add3A_190 : vector<16xf32>
        %div3A_194 = arith.divf %sub3A_175, %mul3A_193 : vector<16xf32>
        %add3A_195 = arith.addf %mul3A_193, %div3A_194 : vector<16xf32>
        %mul3A_196 = arith.constant 5.000000e-01 : f32
        %mul3A_197 = vector.broadcast %mul3A_196 : f32 to vector<16xf32>
        %mul3A_198 = arith.mulf %mul3A_197, %add3A_195 : vector<16xf32>
        %jit3A_199 = arith.constant 0.000000e+00 : f32
        %broadcast_in_dim3A_200 = vector.broadcast %jit3A_199 : f32 to vector<16xf32>
        %select_n3A_201 = arith.select %gt3A_177, %mul3A_198, %broadcast_in_dim3A_200 : vector<16xi1>, vector<16xf32>
        %mul3A_202 = arith.constant 16 : i32
        %mul3A_203 = arith.muli %while3A_170, %mul3A_202 : i32
        %swap3A_204 = arith.index_cast %mul3A_203 : i32 to index
        %swap3A_205 = tpu.vector_load %arg7[%swap3A_204] {strides = array<i32>} : memref<8208xf32, #tpu.memory_space<vmem>>, vector<16xf32>,
        tpu.vector_store %arg7[%swap3A_204], %select_n3A_201 {strides = array<i32>} : memref<8208xf32, #tpu.memory_space<vmem>>, vector<16xf32>,
        %add3A_206 = arith.addf %while3A_171, %select_n3A_201 : vector<16xf32>
        scf.yield %add3A_206 : vector<16xf32>
      }
      %broadcast_in_dim3A_150 = arith.constant 1.000000e+00 : f32
      %broadcast_in_dim3A_151 = vector.broadcast %broadcast_in_dim3A_150 : f32 to vector<16xf32>
      %reduce_sum3A_152 = arith.constant true
      %reduce_sum3A_153 = vector.broadcast %reduce_sum3A_152 : i1 to vector<16xi1>
      %reduce_sum3A_154 = tpu.scan <sum>, %while3A_149 masked %reduce_sum3A_153 : vector<16xf32>, vector<16xi1> -> vector<16xf32>
      %reduce_sum3A_155 = vector.extract %reduce_sum3A_154[15] : f32 from vector<16xf32>
      %broadcast_in_dim3A_156 = vector.broadcast %reduce_sum3A_155 : f32 to vector<16xf32>
      %div3A_157 = arith.divf %broadcast_in_dim3A_151, %broadcast_in_dim3A_156 : vector<16xf32>
      %while3A_158 = arith.constant 0 : i32
      %while3A_159 = arith.constant 0 : i32
      %while3A_160 = arith.subi %shift_right_logical3A_40, %while3A_158 : i32
      %while3A_161 = arith.addi %while3A_158, %while3A_160 : i32
      %while3A_162 = arith.constant 1 : i32
      %while3A_163 = arith.divsi %while3A_160, %while3A_162 : i32
      %while3A_164 = arith.muli %while3A_163, %while3A_162 : i32
      %while3A_165 = arith.addi %while3A_158, %while3A_164 : i32
      %while3A_166 = arith.constant 1 : i32
      %while3A_167 = scf.for %while3A_170 = %while3A_158 to %while3A_165 step %while3A_166 iter_args(%while3A_171 = %while3A_159) -> (i32)  : i32 {
        %mul3A_172 = arith.constant 16 : i32
        %mul3A_173 = arith.muli %while3A_170, %mul3A_172 : i32
        %get3A = arith.index_cast %mul3A_173 : i32 to index
        %get3A_174 = tpu.vector_load %arg7[%get3A] {strides = array<i32>} : memref<8208xf32, #tpu.memory_space<vmem>>, vector<16xf32>,
        %mul3A_175 = arith.mulf %get3A_174, %div3A_157 : vector<16xf32>
        %mul3A_176 = arith.constant 16 : i32
        %mul3A_177 = arith.muli %while3A_170, %mul3A_176 : i32
        %get3A_178 = arith.index_cast %mul3A_177 : i32 to index
        %get3A_179 = tpu.vector_load %arg8[%get3A_178] {strides = array<i32>} : memref<8208xi32, #tpu.memory_space<vmem>>, vector<16xi32>,
        %mul3A_180 = arith.constant 16 : i32
        %mul3A_181 = arith.muli %while3A_170, %mul3A_180 : i32
        %add3A_182 = vector.broadcast %mul3A_181 : i32 to vector<16xi32>
        %add3A_183 = arith.addi %iota3A, %add3A_182 : vector<16xi32>
        %lt3A_184 = vector.broadcast %scan3A_29#0 : i32 to vector<16xi32>
        %lt3A_185 = arith.cmpi slt, %add3A_183, %lt3A_184 : vector<16xi32>
        tpu.vector_store_idx %arg5[%get3A_179], %mul3A_175 masked %lt3A_185 : memref<32768xf32, #tpu.memory_space<vmem>>[vector<16xi32>], vector<16xf32>, vector<16xi1>
        %while3A_186 = arith.constant 0 : i32
        scf.yield %while3A_186 : i32
      }
      %while3A_168 = arith.constant 1 : i32
      %while3A_169 = scf.for %while3A_170 = %while3A_165 to %while3A_161 step %while3A_168 iter_args(%while3A_171 = %while3A_167) -> (i32)  : i32 {
        %mul3A_172 = arith.constant 16 : i32
        %mul3A_173 = arith.muli %while3A_170, %mul3A_172 : i32
        %get3A = arith.index_cast %mul3A_173 : i32 to index
        %get3A_174 = tpu.vector_load %arg7[%get3A] {strides = array<i32>} : memref<8208xf32, #tpu.memory_space<vmem>>, vector<16xf32>,
        %mul3A_175 = arith.mulf %get3A_174, %div3A_157 : vector<16xf32>
        %mul3A_176 = arith.constant 16 : i32
        %mul3A_177 = arith.muli %while3A_170, %mul3A_176 : i32
        %get3A_178 = arith.index_cast %mul3A_177 : i32 to index
        %get3A_179 = tpu.vector_load %arg8[%get3A_178] {strides = array<i32>} : memref<8208xi32, #tpu.memory_space<vmem>>, vector<16xi32>,
        %mul3A_180 = arith.constant 16 : i32
        %mul3A_181 = arith.muli %while3A_170, %mul3A_180 : i32
        %add3A_182 = vector.broadcast %mul3A_181 : i32 to vector<16xi32>
        %add3A_183 = arith.addi %iota3A, %add3A_182 : vector<16xi32>
        %lt3A_184 = vector.broadcast %scan3A_29#0 : i32 to vector<16xi32>
        %lt3A_185 = arith.cmpi slt, %add3A_183, %lt3A_184 : vector<16xi32>
        tpu.vector_store_idx %arg5[%get3A_179], %mul3A_175 masked %lt3A_185 : memref<32768xf32, #tpu.memory_space<vmem>>[vector<16xi32>], vector<16xf32>, vector<16xi1>
        %while3A_186 = arith.constant 0 : i32
        scf.yield %while3A_186 : i32
      }
    } else {
    }
    %not3A = arith.constant true
    %not3A_42 = arith.xori %le3A_37, %not3A : i1
    %convert_element_type3A_43 = arith.extui %not3A_42 : i1 to i32
    %cond3A_44 = arith.constant 0 : i32
    %cond3A_45 = arith.cmpi ne, %convert_element_type3A_43, %cond3A_44 : i32
    scf.if %cond3A_45 {
      %scan3A_101 = arith.constant 0 : i32
      %scan3A_102 = arith.constant 30 : i32
      %scan3A_103 = arith.addi %scan3A_101, %scan3A_102 : i32
      %scan3A_104 = arith.constant 1 : i32
      %scan3A_105:2 = scf.for %scan3A_155 = %scan3A_101 to %scan3A_103 step %scan3A_104 iter_args(%scan3A_156 = %sub3A_23, %scan3A_157 = %reduce_max3A_22) -> (f32, f32)  : i32 {
        %add3A_158 = arith.addf %scan3A_156, %scan3A_157 : f32
        %mul3A_159 = arith.constant 5.000000e-01 : f32
        %mul3A_160 = arith.mulf %mul3A_159, %add3A_158 : f32
        %scan3A_161 = arith.constant 0 : i32
        %scan3A_162 = arith.constant 2048 : i32
        %scan3A_163 = arith.addi %scan3A_161, %scan3A_162 : i32
        %scan3A_164 = arith.constant 1 : i32
        %scan3A_165 = scf.for %scan3A_174 = %scan3A_161 to %scan3A_163 step %scan3A_164 iter_args(%scan3A_175 = %broadcast_in_dim3A_1) -> (vector<16xf32>)  : i32 {
          %mul3A_176 = arith.constant 16 : i32
          %mul3A_177 = arith.muli %scan3A_174, %mul3A_176 : i32
          %get3A = arith.index_cast %mul3A_177 : i32 to index
          %get3A_178 = tpu.vector_load %arg4[%get3A] {strides = array<i32>} : memref<32768xf32, #tpu.memory_space<vmem>>, vector<16xf32>,
          %sub3A_179 = vector.broadcast %mul3A_160 : f32 to vector<16xf32>
          %sub3A_180 = arith.subf %get3A_178, %sub3A_179 : vector<16xf32>
          %max3A = arith.constant 0.000000e+00 : f32
          %max3A_181 = vector.broadcast %max3A : f32 to vector<16xf32>
          %max3A_182 = arith.maximumf %sub3A_180, %max3A_181 : vector<16xf32>
          %add3A_183 = arith.addf %scan3A_175, %max3A_182 : vector<16xf32>
          scf.yield %add3A_183 : vector<16xf32>
        }
        %scan3A_166 = arith.constant 2048 : i32
        %reduce_sum3A_167 = arith.constant true
        %reduce_sum3A_168 = vector.broadcast %reduce_sum3A_167 : i1 to vector<16xi1>
        %reduce_sum3A_169 = tpu.scan <sum>, %scan3A_165 masked %reduce_sum3A_168 : vector<16xf32>, vector<16xi1> -> vector<16xf32>
        %reduce_sum3A_170 = vector.extract %reduce_sum3A_169[15] : f32 from vector<16xf32>
        %ge3A = arith.constant 5.000000e-01 : f32
        %ge3A_171 = arith.cmpf oge, %reduce_sum3A_170, %ge3A : f32
        %select_n3A_172 = arith.select %ge3A_171, %mul3A_160, %scan3A_156 : f32
        %select_n3A_173 = arith.select %ge3A_171, %scan3A_157, %mul3A_160 : f32
        scf.yield %select_n3A_172, %select_n3A_173 : f32, f32
      }
      %scan3A_106 = arith.constant 30 : i32
      %scan3A_107 = arith.constant 0 : i32
      %scan3A_108 = arith.constant 2048 : i32
      %scan3A_109 = arith.addi %scan3A_107, %scan3A_108 : i32
      %scan3A_110 = arith.constant 1 : i32
      %scan3A_111:3 = scf.for %scan3A_155 = %scan3A_107 to %scan3A_109 step %scan3A_110 iter_args(%scan3A_156 = %broadcast_in_dim3A_1, %scan3A_157 = %broadcast_in_dim3A_1, %scan3A_158 = %broadcast_in_dim3A_3) -> (vector<16xf32>, vector<16xf32>, vector<16xf32>)  : i32 {
        %mul3A_159 = arith.constant 16 : i32
        %mul3A_160 = arith.muli %scan3A_155, %mul3A_159 : i32
        %get3A = arith.index_cast %mul3A_160 : i32 to index
        %get3A_161 = tpu.vector_load %arg4[%get3A] {strides = array<i32>} : memref<32768xf32, #tpu.memory_space<vmem>>, vector<16xf32>,
        %sub3A_162 = vector.broadcast %reduce_max3A_22 : f32 to vector<16xf32>
        %sub3A_163 = arith.subf %get3A_161, %sub3A_162 : vector<16xf32>
        %gt3A = vector.broadcast %scan3A_105#0 : f32 to vector<16xf32>
        %gt3A_164 = arith.cmpf ogt, %get3A_161, %gt3A : vector<16xf32>
        %jit3A_165 = arith.constant 1.000000e+00 : f32
        %jit3A_166 = arith.constant 0.000000e+00 : f32
        %broadcast_in_dim3A_167 = vector.broadcast %jit3A_165 : f32 to vector<16xf32>
        %broadcast_in_dim3A_168 = vector.broadcast %jit3A_166 : f32 to vector<16xf32>
        %select_n3A_169 = arith.select %gt3A_164, %broadcast_in_dim3A_167, %broadcast_in_dim3A_168 : vector<16xi1>, vector<16xf32>
        %add3A_170 = arith.addf %scan3A_156, %select_n3A_169 : vector<16xf32>
        %jit3A_171 = arith.constant 0.000000e+00 : f32
        %broadcast_in_dim3A_172 = vector.broadcast %jit3A_171 : f32 to vector<16xf32>
        %select_n3A_173 = arith.select %gt3A_164, %sub3A_163, %broadcast_in_dim3A_172 : vector<16xi1>, vector<16xf32>
        %add3A_174 = arith.addf %scan3A_157, %select_n3A_173 : vector<16xf32>
        %jit3A_175 = arith.constant -1.000000e+30 : f32
        %broadcast_in_dim3A_176 = vector.broadcast %jit3A_175 : f32 to vector<16xf32>
        %select_n3A_177 = arith.select %gt3A_164, %broadcast_in_dim3A_176, %sub3A_163 : vector<16xi1>, vector<16xf32>
        %max3A = arith.maximumf %scan3A_158, %select_n3A_177 : vector<16xf32>
        scf.yield %add3A_170, %add3A_174, %max3A : vector<16xf32>, vector<16xf32>, vector<16xf32>
      }
      %scan3A_112 = arith.constant 2048 : i32
      %reduce_sum3A = arith.constant true
      %reduce_sum3A_113 = vector.broadcast %reduce_sum3A : i1 to vector<16xi1>
      %reduce_sum3A_114 = tpu.scan <sum>, %scan3A_111#0 masked %reduce_sum3A_113 : vector<16xf32>, vector<16xi1> -> vector<16xf32>
      %reduce_sum3A_115 = vector.extract %reduce_sum3A_114[15] : f32 from vector<16xf32>
      %reduce_sum3A_116 = arith.constant true
      %reduce_sum3A_117 = vector.broadcast %reduce_sum3A_116 : i1 to vector<16xi1>
      %reduce_sum3A_118 = tpu.scan <sum>, %scan3A_111#1 masked %reduce_sum3A_117 : vector<16xf32>, vector<16xi1> -> vector<16xf32>
      %reduce_sum3A_119 = vector.extract %reduce_sum3A_118[15] : f32 from vector<16xf32>
      %reduce_max3A_120 = arith.constant true
      %reduce_max3A_121 = vector.broadcast %reduce_max3A_120 : i1 to vector<16xi1>
      %reduce_max3A_122 = tpu.scan <max>, %scan3A_111#2 masked %reduce_max3A_121 : vector<16xf32>, vector<16xi1> -> vector<16xf32>
      %reduce_max3A_123 = vector.extract %reduce_max3A_122[15] : f32 from vector<16xf32>
      %add3A_124 = arith.addf %reduce_sum3A_119, %reduce_max3A_123 : f32
      %sub3A_125 = arith.constant 5.000000e-01 : f32
      %sub3A_126 = arith.subf %add3A_124, %sub3A_125 : f32
      %broadcast_in_dim3A_127 = vector.broadcast %sub3A_126 : f32 to vector<16xf32>
      %add3A_128 = arith.constant 1.000000e+00 : f32
      %add3A_129 = arith.addf %reduce_sum3A_115, %add3A_128 : f32
      %broadcast_in_dim3A_130 = vector.broadcast %add3A_129 : f32 to vector<16xf32>
      %add3A_131 = arith.addf %reduce_max3A_123, %reduce_max3A_22 : f32
      %broadcast_in_dim3A_132 = vector.broadcast %add3A_131 : f32 to vector<16xf32>
      %div3A = arith.divf %broadcast_in_dim3A_127, %broadcast_in_dim3A_130 : vector<16xf32>
      %sub3A_133 = arith.subf %broadcast_in_dim3A_132, %div3A : vector<16xf32>
      %scan3A_134 = arith.constant 0 : i32
      %scan3A_135 = arith.constant 2048 : i32
      %scan3A_136 = arith.addi %scan3A_134, %scan3A_135 : i32
      %scan3A_137 = arith.constant 1 : i32
      %scan3A_138 = scf.for %scan3A_155 = %scan3A_134 to %scan3A_136 step %scan3A_137 iter_args(%scan3A_156 = %broadcast_in_dim3A_1) -> (vector<16xf32>)  : i32 {
        %mul3A_157 = arith.constant 16 : i32
        %mul3A_158 = arith.muli %scan3A_155, %mul3A_157 : i32
        %get3A = arith.index_cast %mul3A_158 : i32 to index
        %get3A_159 = tpu.vector_load %arg4[%get3A] {strides = array<i32>} : memref<32768xf32, #tpu.memory_space<vmem>>, vector<16xf32>,
        %sub3A_160 = arith.subf %get3A_159, %sub3A_133 : vector<16xf32>
        %gt3A = arith.constant 0.000000e+00 : f32
        %gt3A_161 = vector.broadcast %gt3A : f32 to vector<16xf32>
        %gt3A_162 = arith.cmpf ogt, %sub3A_160, %gt3A_161 : vector<16xf32>
        %bitcast3A = vector.bitcast %sub3A_160 : vector<16xf32> to vector<16xi32>
        %shift_right_arithmetic3A = arith.constant 1 : i32
        %shift_right_arithmetic3A_163 = vector.broadcast %shift_right_arithmetic3A : i32 to vector<16xi32>
        %shift_right_arithmetic3A_164 = arith.shrsi %bitcast3A, %shift_right_arithmetic3A_163 : vector<16xi32>
        %add3A_165 = arith.constant 532487670 : i32
        %add3A_166 = vector.broadcast %add3A_165 : i32 to vector<16xi32>
        %add3A_167 = arith.addi %shift_right_arithmetic3A_164, %add3A_166 : vector<16xi32>
        %bitcast3A_168 = vector.bitcast %add3A_167 : vector<16xi32> to vector<16xf32>
        %div3A_169 = arith.divf %sub3A_160, %bitcast3A_168 : vector<16xf32>
        %add3A_170 = arith.addf %bitcast3A_168, %div3A_169 : vector<16xf32>
        %mul3A_171 = arith.constant 5.000000e-01 : f32
        %mul3A_172 = vector.broadcast %mul3A_171 : f32 to vector<16xf32>
        %mul3A_173 = arith.mulf %mul3A_172, %add3A_170 : vector<16xf32>
        %div3A_174 = arith.divf %sub3A_160, %mul3A_173 : vector<16xf32>
        %add3A_175 = arith.addf %mul3A_173, %div3A_174 : vector<16xf32>
        %mul3A_176 = arith.constant 5.000000e-01 : f32
        %mul3A_177 = vector.broadcast %mul3A_176 : f32 to vector<16xf32>
        %mul3A_178 = arith.mulf %mul3A_177, %add3A_175 : vector<16xf32>
        %div3A_179 = arith.divf %sub3A_160, %mul3A_178 : vector<16xf32>
        %add3A_180 = arith.addf %mul3A_178, %div3A_179 : vector<16xf32>
        %mul3A_181 = arith.constant 5.000000e-01 : f32
        %mul3A_182 = vector.broadcast %mul3A_181 : f32 to vector<16xf32>
        %mul3A_183 = arith.mulf %mul3A_182, %add3A_180 : vector<16xf32>
        %jit3A_184 = arith.constant 0.000000e+00 : f32
        %broadcast_in_dim3A_185 = vector.broadcast %jit3A_184 : f32 to vector<16xf32>
        %select_n3A_186 = arith.select %gt3A_162, %mul3A_183, %broadcast_in_dim3A_185 : vector<16xi1>, vector<16xf32>
        %mul3A_187 = arith.constant 16 : i32
        %mul3A_188 = arith.muli %scan3A_155, %mul3A_187 : i32
        %swap3A_189 = arith.index_cast %mul3A_188 : i32 to index
        %swap3A_190 = tpu.vector_load %arg5[%swap3A_189] {strides = array<i32>} : memref<32768xf32, #tpu.memory_space<vmem>>, vector<16xf32>,
        tpu.vector_store %arg5[%swap3A_189], %select_n3A_186 {strides = array<i32>} : memref<32768xf32, #tpu.memory_space<vmem>>, vector<16xf32>,
        %add3A_191 = arith.addf %scan3A_156, %select_n3A_186 : vector<16xf32>
        scf.yield %add3A_191 : vector<16xf32>
      }
      %scan3A_139 = arith.constant 2048 : i32
      %broadcast_in_dim3A_140 = arith.constant 1.000000e+00 : f32
      %broadcast_in_dim3A_141 = vector.broadcast %broadcast_in_dim3A_140 : f32 to vector<16xf32>
      %reduce_sum3A_142 = arith.constant true
      %reduce_sum3A_143 = vector.broadcast %reduce_sum3A_142 : i1 to vector<16xi1>
      %reduce_sum3A_144 = tpu.scan <sum>, %scan3A_138 masked %reduce_sum3A_143 : vector<16xf32>, vector<16xi1> -> vector<16xf32>
      %reduce_sum3A_145 = vector.extract %reduce_sum3A_144[15] : f32 from vector<16xf32>
      %broadcast_in_dim3A_146 = vector.broadcast %reduce_sum3A_145 : f32 to vector<16xf32>
      %div3A_147 = arith.divf %broadcast_in_dim3A_141, %broadcast_in_dim3A_146 : vector<16xf32>
      %scan3A_148 = arith.constant 0 : i32
      %scan3A_149 = arith.constant 0 : i32
      %scan3A_150 = arith.constant 2048 : i32
      %scan3A_151 = arith.addi %scan3A_149, %scan3A_150 : i32
      %scan3A_152 = arith.constant 1 : i32
      %scan3A_153 = scf.for %scan3A_155 = %scan3A_149 to %scan3A_151 step %scan3A_152 iter_args(%scan3A_156 = %scan3A_148) -> (i32)  : i32 {
        %mul3A_157 = arith.constant 16 : i32
        %mul3A_158 = arith.muli %scan3A_155, %mul3A_157 : i32
        %get3A = arith.index_cast %mul3A_158 : i32 to index
        %get3A_159 = tpu.vector_load %arg5[%get3A] {strides = array<i32>} : memref<32768xf32, #tpu.memory_space<vmem>>, vector<16xf32>,
        %mul3A_160 = arith.mulf %get3A_159, %div3A_147 : vector<16xf32>
        %mul3A_161 = arith.constant 16 : i32
        %mul3A_162 = arith.muli %scan3A_155, %mul3A_161 : i32
        %swap3A_163 = arith.index_cast %mul3A_162 : i32 to index
        %swap3A_164 = tpu.vector_load %arg5[%swap3A_163] {strides = array<i32>} : memref<32768xf32, #tpu.memory_space<vmem>>, vector<16xf32>,
        tpu.vector_store %arg5[%swap3A_163], %mul3A_160 {strides = array<i32>} : memref<32768xf32, #tpu.memory_space<vmem>>, vector<16xf32>,
        %scan3A_165 = arith.constant 0 : i32
        scf.yield %scan3A_165 : i32
      }
      %scan3A_154 = arith.constant 2048 : i32
    } else {
    }
    "tpu.region"() ({
      %run_scoped3A = tpu.sem_alloc : memref<!tpu.dma_semaphore, #tpu.memory_space<semaphore_mem>>
      %dma_start3A = arith.constant 0 : i32
      %dma_start3A_101 = tpu.memref_slice %arg3[%add3A_13, %dma_start3A] : memref<64x32768xf32, #tpu.memory_space<hbm>> -> memref<1x32768xf32, #tpu.memory_space<hbm>>
      %dma_start3A_102 = tpu.memref_squeeze %dma_start3A_101 : memref<1x32768xf32, #tpu.memory_space<hbm>> -> memref<32768xf32, #tpu.memory_space<hbm>>
      %dma_start3A_103 = arith.constant 0 : i32
      %dma_start3A_104 = tpu.memref_slice %arg3[%add3A_13, %dma_start3A_103] : memref<64x32768xf32, #tpu.memory_space<hbm>> -> memref<1x32768xf32, #tpu.memory_space<hbm>>
      %dma_start3A_105 = tpu.memref_squeeze %dma_start3A_104 : memref<1x32768xf32, #tpu.memory_space<hbm>> -> memref<32768xf32, #tpu.memory_space<hbm>>
      tpu.enqueue_dma source(%arg5 : memref<32768xf32, #tpu.memory_space<vmem>>) target(%dma_start3A_105 : memref<32768xf32, #tpu.memory_space<hbm>>) target_semaphore(%run_scoped3A : memref<!tpu.dma_semaphore, #tpu.memory_space<semaphore_mem>>)
      %dma_wait3A = arith.constant 0 : i32
      %dma_wait3A_106 = tpu.memref_slice %arg3[%add3A_13, %dma_wait3A] : memref<64x32768xf32, #tpu.memory_space<hbm>> -> memref<1x32768xf32, #tpu.memory_space<hbm>>
      %dma_wait3A_107 = tpu.memref_squeeze %dma_wait3A_106 : memref<1x32768xf32, #tpu.memory_space<hbm>> -> memref<32768xf32, #tpu.memory_space<hbm>>
      %dma_wait3A_108 = arith.constant 0 : i32
      %dma_wait3A_109 = tpu.memref_slice %arg3[%add3A_13, %dma_wait3A_108] : memref<64x32768xf32, #tpu.memory_space<hbm>> -> memref<1x32768xf32, #tpu.memory_space<hbm>>
      %dma_wait3A_110 = tpu.memref_squeeze %dma_wait3A_109 : memref<1x32768xf32, #tpu.memory_space<hbm>> -> memref<32768xf32, #tpu.memory_space<hbm>>
      tpu.wait_dma2 semaphore(%run_scoped3A : memref<!tpu.dma_semaphore, #tpu.memory_space<semaphore_mem>>) src(%arg5 : memref<32768xf32, #tpu.memory_space<vmem>>) dst(%dma_wait3A_110 : memref<32768xf32, #tpu.memory_space<hbm>>)
      tpu.yield
    }) : () -> ()
    %convert_element_type3A_46 = arith.extui %le3A_37 : i1 to i32
    %cond3A_47 = arith.constant 0 : i32
    %cond3A_48 = arith.cmpi ne, %convert_element_type3A_46, %cond3A_47 : i32
    scf.if %cond3A_48 {
      %while3A = arith.constant 0 : i32
      %while3A_101 = arith.constant 0 : i32
      %while3A_102 = arith.subi %shift_right_logical3A_40, %while3A : i32
      %while3A_103 = arith.addi %while3A, %while3A_102 : i32
      %while3A_104 = arith.constant 1 : i32
      %while3A_105 = arith.divsi %while3A_102, %while3A_104 : i32
      %while3A_106 = arith.muli %while3A_105, %while3A_104 : i32
      %while3A_107 = arith.addi %while3A, %while3A_106 : i32
      %while3A_108 = arith.constant 1 : i32
      %while3A_109 = scf.for %while3A_112 = %while3A to %while3A_107 step %while3A_108 iter_args(%while3A_113 = %while3A_101) -> (i32)  : i32 {
        %mul3A_114 = arith.constant 16 : i32
        %mul3A_115 = arith.muli %while3A_112, %mul3A_114 : i32
        %get3A = arith.index_cast %mul3A_115 : i32 to index
        %get3A_116 = tpu.vector_load %arg8[%get3A] {strides = array<i32>} : memref<8208xi32, #tpu.memory_space<vmem>>, vector<16xi32>,
        %mul3A_117 = arith.constant 16 : i32
        %mul3A_118 = arith.muli %while3A_112, %mul3A_117 : i32
        %add3A_119 = vector.broadcast %mul3A_118 : i32 to vector<16xi32>
        %add3A_120 = arith.addi %iota3A, %add3A_119 : vector<16xi32>
        %lt3A_121 = vector.broadcast %scan3A_29#0 : i32 to vector<16xi32>
        %lt3A_122 = arith.cmpi slt, %add3A_120, %lt3A_121 : vector<16xi32>
        tpu.vector_store_idx %arg5[%get3A_116], %broadcast_in_dim3A_1 masked %lt3A_122 : memref<32768xf32, #tpu.memory_space<vmem>>[vector<16xi32>], vector<16xf32>, vector<16xi1>
        %while3A_123 = arith.constant 0 : i32
        scf.yield %while3A_123 : i32
      }
      %while3A_110 = arith.constant 1 : i32
      %while3A_111 = scf.for %while3A_112 = %while3A_107 to %while3A_103 step %while3A_110 iter_args(%while3A_113 = %while3A_109) -> (i32)  : i32 {
        %mul3A_114 = arith.constant 16 : i32
        %mul3A_115 = arith.muli %while3A_112, %mul3A_114 : i32
        %get3A = arith.index_cast %mul3A_115 : i32 to index
        %get3A_116 = tpu.vector_load %arg8[%get3A] {strides = array<i32>} : memref<8208xi32, #tpu.memory_space<vmem>>, vector<16xi32>,
        %mul3A_117 = arith.constant 16 : i32
        %mul3A_118 = arith.muli %while3A_112, %mul3A_117 : i32
        %add3A_119 = vector.broadcast %mul3A_118 : i32 to vector<16xi32>
        %add3A_120 = arith.addi %iota3A, %add3A_119 : vector<16xi32>
        %lt3A_121 = vector.broadcast %scan3A_29#0 : i32 to vector<16xi32>
        %lt3A_122 = arith.cmpi slt, %add3A_120, %lt3A_121 : vector<16xi32>
        tpu.vector_store_idx %arg5[%get3A_116], %broadcast_in_dim3A_1 masked %lt3A_122 : memref<32768xf32, #tpu.memory_space<vmem>>[vector<16xi32>], vector<16xf32>, vector<16xi1>
        %while3A_123 = arith.constant 0 : i32
        scf.yield %while3A_123 : i32
      }
    } else {
    }
    %not3A_49 = arith.constant true
    %not3A_50 = arith.xori %le3A_37, %not3A_49 : i1
    %convert_element_type3A_51 = arith.extui %not3A_50 : i1 to i32
    %cond3A_52 = arith.constant 0 : i32
    %cond3A_53 = arith.cmpi ne, %convert_element_type3A_51, %cond3A_52 : i32
    scf.if %cond3A_53 {
      %scan3A_101 = arith.constant 0 : i32
      %scan3A_102 = arith.constant 0 : i32
      %scan3A_103 = arith.constant 2048 : i32
      %scan3A_104 = arith.addi %scan3A_102, %scan3A_103 : i32
      %scan3A_105 = arith.constant 1 : i32
      %scan3A_106 = scf.for %scan3A_108 = %scan3A_102 to %scan3A_104 step %scan3A_105 iter_args(%scan3A_109 = %scan3A_101) -> (i32)  : i32 {
        %mul3A_110 = arith.constant 16 : i32
        %mul3A_111 = arith.muli %scan3A_108, %mul3A_110 : i32
        %swap3A_112 = arith.index_cast %mul3A_111 : i32 to index
        %swap3A_113 = tpu.vector_load %arg5[%swap3A_112] {strides = array<i32>} : memref<32768xf32, #tpu.memory_space<vmem>>, vector<16xf32>,
        tpu.vector_store %arg5[%swap3A_112], %broadcast_in_dim3A_1 {strides = array<i32>} : memref<32768xf32, #tpu.memory_space<vmem>>, vector<16xf32>,
        %scan3A_114 = arith.constant 0 : i32
        scf.yield %scan3A_114 : i32
      }
      %scan3A_107 = arith.constant 2048 : i32
    } else {
    }
    %mul3A_54 = arith.constant 2 : i32
    %mul3A_55 = arith.muli %add3A, %mul3A_54 : i32
    %add3A_56 = arith.constant 1 : i32
    %add3A_57 = arith.addi %mul3A_55, %add3A_56 : i32
    "tpu.region"() ({
      %run_scoped3A = tpu.sem_alloc : memref<!tpu.dma_semaphore, #tpu.memory_space<semaphore_mem>>
      %dma_start3A = arith.constant 0 : i32
      %dma_start3A_101 = tpu.memref_slice %arg2[%add3A_57, %dma_start3A] : memref<64x32768xf32, #tpu.memory_space<hbm>> -> memref<1x32768xf32, #tpu.memory_space<hbm>>
      %dma_start3A_102 = tpu.memref_squeeze %dma_start3A_101 : memref<1x32768xf32, #tpu.memory_space<hbm>> -> memref<32768xf32, #tpu.memory_space<hbm>>
      %dma_start3A_103 = arith.constant 0 : i32
      %dma_start3A_104 = tpu.memref_slice %arg2[%add3A_57, %dma_start3A_103] : memref<64x32768xf32, #tpu.memory_space<hbm>> -> memref<1x32768xf32, #tpu.memory_space<hbm>>
      %dma_start3A_105 = tpu.memref_squeeze %dma_start3A_104 : memref<1x32768xf32, #tpu.memory_space<hbm>> -> memref<32768xf32, #tpu.memory_space<hbm>>
      tpu.enqueue_dma source(%dma_start3A_105 : memref<32768xf32, #tpu.memory_space<hbm>>) target(%arg4 : memref<32768xf32, #tpu.memory_space<vmem>>) target_semaphore(%run_scoped3A : memref<!tpu.dma_semaphore, #tpu.memory_space<semaphore_mem>>)
      %dma_wait3A = arith.constant 0 : i32
      %dma_wait3A_106 = tpu.memref_slice %arg2[%add3A_57, %dma_wait3A] : memref<64x32768xf32, #tpu.memory_space<hbm>> -> memref<1x32768xf32, #tpu.memory_space<hbm>>
      %dma_wait3A_107 = tpu.memref_squeeze %dma_wait3A_106 : memref<1x32768xf32, #tpu.memory_space<hbm>> -> memref<32768xf32, #tpu.memory_space<hbm>>
      %dma_wait3A_108 = arith.constant 0 : i32
      %dma_wait3A_109 = tpu.memref_slice %arg2[%add3A_57, %dma_wait3A_108] : memref<64x32768xf32, #tpu.memory_space<hbm>> -> memref<1x32768xf32, #tpu.memory_space<hbm>>
      %dma_wait3A_110 = tpu.memref_squeeze %dma_wait3A_109 : memref<1x32768xf32, #tpu.memory_space<hbm>> -> memref<32768xf32, #tpu.memory_space<hbm>>
      tpu.wait_dma2 semaphore(%run_scoped3A : memref<!tpu.dma_semaphore, #tpu.memory_space<semaphore_mem>>) src(%dma_wait3A_110 : memref<32768xf32, #tpu.memory_space<hbm>>) dst(%arg4 : memref<32768xf32, #tpu.memory_space<vmem>>)
      tpu.yield
    }) : () -> ()
    %scan3A_58 = arith.constant 0 : i32
    %scan3A_59 = arith.constant 256 : i32
    %scan3A_60 = arith.addi %scan3A_58, %scan3A_59 : i32
    %scan3A_61 = arith.constant 1 : i32
    %scan3A_62 = scf.for %scan3A_101 = %scan3A_58 to %scan3A_60 step %scan3A_61 iter_args(%scan3A_102 = %broadcast_in_dim3A_3) -> (vector<16xf32>)  : i32 {
      %mul3A_103 = arith.constant 128 : i32
      %mul3A_104 = arith.muli %scan3A_101, %mul3A_103 : i32
      %add3A_105 = arith.constant 0 : i32
      %add3A_106 = arith.addi %mul3A_104, %add3A_105 : i32
      %get3A = arith.index_cast %add3A_106 : i32 to index
      %get3A_107 = tpu.vector_load %arg4[%get3A] {strides = array<i32>} : memref<32768xf32, #tpu.memory_space<vmem>>, vector<16xf32>,
      %max3A = arith.maximumf %broadcast_in_dim3A_3, %get3A_107 : vector<16xf32>
      %mul3A_108 = arith.constant 128 : i32
      %mul3A_109 = arith.muli %scan3A_101, %mul3A_108 : i32
      %add3A_110 = arith.constant 16 : i32
      %add3A_111 = arith.addi %mul3A_109, %add3A_110 : i32
      %get3A_112 = arith.index_cast %add3A_111 : i32 to index
      %get3A_113 = tpu.vector_load %arg4[%get3A_112] {strides = array<i32>} : memref<32768xf32, #tpu.memory_space<vmem>>, vector<16xf32>,
      %max3A_114 = arith.maximumf %max3A, %get3A_113 : vector<16xf32>
      %mul3A_115 = arith.constant 128 : i32
      %mul3A_116 = arith.muli %scan3A_101, %mul3A_115 : i32
      %add3A_117 = arith.constant 32 : i32
      %add3A_118 = arith.addi %mul3A_116, %add3A_117 : i32
      %get3A_119 = arith.index_cast %add3A_118 : i32 to index
      %get3A_120 = tpu.vector_load %arg4[%get3A_119] {strides = array<i32>} : memref<32768xf32, #tpu.memory_space<vmem>>, vector<16xf32>,
      %max3A_121 = arith.maximumf %max3A_114, %get3A_120 : vector<16xf32>
      %mul3A_122 = arith.constant 128 : i32
      %mul3A_123 = arith.muli %scan3A_101, %mul3A_122 : i32
      %add3A_124 = arith.constant 48 : i32
      %add3A_125 = arith.addi %mul3A_123, %add3A_124 : i32
      %get3A_126 = arith.index_cast %add3A_125 : i32 to index
      %get3A_127 = tpu.vector_load %arg4[%get3A_126] {strides = array<i32>} : memref<32768xf32, #tpu.memory_space<vmem>>, vector<16xf32>,
      %max3A_128 = arith.maximumf %max3A_121, %get3A_127 : vector<16xf32>
      %mul3A_129 = arith.constant 128 : i32
      %mul3A_130 = arith.muli %scan3A_101, %mul3A_129 : i32
      %add3A_131 = arith.constant 64 : i32
      %add3A_132 = arith.addi %mul3A_130, %add3A_131 : i32
      %get3A_133 = arith.index_cast %add3A_132 : i32 to index
      %get3A_134 = tpu.vector_load %arg4[%get3A_133] {strides = array<i32>} : memref<32768xf32, #tpu.memory_space<vmem>>, vector<16xf32>,
      %max3A_135 = arith.maximumf %max3A_128, %get3A_134 : vector<16xf32>
      %mul3A_136 = arith.constant 128 : i32
      %mul3A_137 = arith.muli %scan3A_101, %mul3A_136 : i32
      %add3A_138 = arith.constant 80 : i32
      %add3A_139 = arith.addi %mul3A_137, %add3A_138 : i32
      %get3A_140 = arith.index_cast %add3A_139 : i32 to index
      %get3A_141 = tpu.vector_load %arg4[%get3A_140] {strides = array<i32>} : memref<32768xf32, #tpu.memory_space<vmem>>, vector<16xf32>,
      %max3A_142 = arith.maximumf %max3A_135, %get3A_141 : vector<16xf32>
      %mul3A_143 = arith.constant 128 : i32
      %mul3A_144 = arith.muli %scan3A_101, %mul3A_143 : i32
      %add3A_145 = arith.constant 96 : i32
      %add3A_146 = arith.addi %mul3A_144, %add3A_145 : i32
      %get3A_147 = arith.index_cast %add3A_146 : i32 to index
      %get3A_148 = tpu.vector_load %arg4[%get3A_147] {strides = array<i32>} : memref<32768xf32, #tpu.memory_space<vmem>>, vector<16xf32>,
      %max3A_149 = arith.maximumf %max3A_142, %get3A_148 : vector<16xf32>
      %mul3A_150 = arith.constant 128 : i32
      %mul3A_151 = arith.muli %scan3A_101, %mul3A_150 : i32
      %add3A_152 = arith.constant 112 : i32
      %add3A_153 = arith.addi %mul3A_151, %add3A_152 : i32
      %get3A_154 = arith.index_cast %add3A_153 : i32 to index
      %get3A_155 = tpu.vector_load %arg4[%get3A_154] {strides = array<i32>} : memref<32768xf32, #tpu.memory_space<vmem>>, vector<16xf32>,
      %max3A_156 = arith.maximumf %max3A_149, %get3A_155 : vector<16xf32>
      %mul3A_157 = arith.constant 16 : i32
      %mul3A_158 = arith.muli %scan3A_101, %mul3A_157 : i32
      %swap3A_159 = arith.index_cast %mul3A_158 : i32 to index
      %swap3A_160 = tpu.vector_load %arg6[%swap3A_159] {strides = array<i32>} : memref<4096xf32, #tpu.memory_space<vmem>>, vector<16xf32>,
      tpu.vector_store %arg6[%swap3A_159], %max3A_156 {strides = array<i32>} : memref<4096xf32, #tpu.memory_space<vmem>>, vector<16xf32>,
      %max3A_161 = arith.maximumf %scan3A_102, %max3A_156 : vector<16xf32>
      scf.yield %max3A_161 : vector<16xf32>
    }
    %scan3A_63 = arith.constant 256 : i32
    %reduce_max3A_64 = arith.constant true
    %reduce_max3A_65 = vector.broadcast %reduce_max3A_64 : i1 to vector<16xi1>
    %reduce_max3A_66 = tpu.scan <max>, %scan3A_62 masked %reduce_max3A_65 : vector<16xf32>, vector<16xi1> -> vector<16xf32>
    %reduce_max3A_67 = vector.extract %reduce_max3A_66[15] : f32 from vector<16xf32>
    %sub3A_68 = arith.constant 5.000000e-01 : f32
    %sub3A_69 = arith.subf %reduce_max3A_67, %sub3A_68 : f32
    %scan3A_70 = arith.constant 0 : i32
    %scan3A_71 = arith.constant 0 : i32
    %scan3A_72 = arith.constant 256 : i32
    %scan3A_73 = arith.addi %scan3A_71, %scan3A_72 : i32
    %scan3A_74 = arith.constant 1 : i32
    %scan3A_75:2 = scf.for %scan3A_101 = %scan3A_71 to %scan3A_73 step %scan3A_74 iter_args(%scan3A_102 = %scan3A_70, %scan3A_103 = %broadcast_in_dim3A_3) -> (i32, vector<16xf32>)  : i32 {
      %mul3A_104 = arith.constant 16 : i32
      %mul3A_105 = arith.muli %scan3A_101, %mul3A_104 : i32
      %get3A = arith.index_cast %mul3A_105 : i32 to index
      %get3A_106 = tpu.vector_load %arg6[%get3A] {strides = array<i32>} : memref<4096xf32, #tpu.memory_space<vmem>>, vector<16xf32>,
      %gt3A = vector.broadcast %sub3A_69 : f32 to vector<16xf32>
      %gt3A_107 = arith.cmpf ogt, %get3A_106, %gt3A : vector<16xf32>
      %reduce_or3A = arith.constant 1.000000e+00 : f32
      %reduce_or3A_108 = arith.constant 0.000000e+00 : f32
      %reduce_or3A_109 = vector.broadcast %reduce_or3A : f32 to vector<16xf32>
      %reduce_or3A_110 = vector.broadcast %reduce_or3A_108 : f32 to vector<16xf32>
      %reduce_or3A_111 = arith.select %gt3A_107, %reduce_or3A_109, %reduce_or3A_110 : vector<16xi1>, vector<16xf32>
      %reduce_or3A_112 = arith.constant true
      %reduce_or3A_113 = vector.broadcast %reduce_or3A_112 : i1 to vector<16xi1>
      %reduce_or3A_114 = tpu.scan <max>, %reduce_or3A_111 masked %reduce_or3A_113 : vector<16xf32>, vector<16xi1> -> vector<16xf32>
      %reduce_or3A_115 = vector.extract %reduce_or3A_114[15] : f32 from vector<16xf32>
      %reduce_or3A_116 = arith.constant 0.000000e+00 : f32
      %reduce_or3A_117 = arith.cmpf ogt, %reduce_or3A_115, %reduce_or3A_116 : f32
      %convert_element_type3A_118 = arith.extui %reduce_or3A_117 : i1 to i32
      %cond3A_119 = arith.constant 0 : i32
      %cond3A_120 = arith.cmpi ne, %convert_element_type3A_118, %cond3A_119 : i32
      %cond3A_121:2 = scf.if %cond3A_120 -> (i32, vector<16xf32>) {
        %mul3A_122 = arith.constant 128 : i32
        %mul3A_123 = arith.muli %scan3A_101, %mul3A_122 : i32
        %add3A_124 = arith.constant 0 : i32
        %add3A_125 = arith.addi %mul3A_123, %add3A_124 : i32
        %get3A_126 = arith.index_cast %add3A_125 : i32 to index
        %get3A_127 = tpu.vector_load %arg4[%get3A_126] {strides = array<i32>} : memref<32768xf32, #tpu.memory_space<vmem>>, vector<16xf32>,
        %gt3A_128 = vector.broadcast %sub3A_69 : f32 to vector<16xf32>
        %gt3A_129 = arith.cmpf ogt, %get3A_127, %gt3A_128 : vector<16xf32>
        %jit3A_130 = arith.constant 1 : i32
        %jit3A_131 = arith.constant 0 : i32
        %broadcast_in_dim3A_132 = vector.broadcast %jit3A_130 : i32 to vector<16xi32>
        %broadcast_in_dim3A_133 = vector.broadcast %jit3A_131 : i32 to vector<16xi32>
        %select_n3A_134 = arith.select %gt3A_129, %broadcast_in_dim3A_132, %broadcast_in_dim3A_133 : vector<16xi1>, vector<16xi32>
        %broadcast_in_dim3A_135 = arith.constant true
        %broadcast_in_dim3A_136 = vector.broadcast %broadcast_in_dim3A_135 : i1 to vector<16xi1>
        %masked_cumsum3A = tpu.scan <sum>, %select_n3A_134 masked %broadcast_in_dim3A_136 : vector<16xi32>, vector<16xi1> -> vector<16xi32>
        %broadcast_in_dim3A_137 = vector.broadcast %scan3A_102 : i32 to vector<16xi32>
        %add3A_138 = arith.addi %broadcast_in_dim3A_137, %masked_cumsum3A : vector<16xi32>
        %sub3A_139 = arith.constant 1 : i32
        %sub3A_140 = vector.broadcast %sub3A_139 : i32 to vector<16xi32>
        %sub3A_141 = arith.subi %add3A_138, %sub3A_140 : vector<16xi32>
        %min3A = arith.constant 8207 : i32
        %min3A_142 = vector.broadcast %min3A : i32 to vector<16xi32>
        %min3A_143 = arith.minsi %sub3A_141, %min3A_142 : vector<16xi32>
        tpu.vector_store_idx %arg7[%min3A_143], %get3A_127 masked %gt3A_129 : memref<8208xf32, #tpu.memory_space<vmem>>[vector<16xi32>], vector<16xf32>, vector<16xi1>
        %mul3A_144 = arith.constant 128 : i32
        %mul3A_145 = arith.muli %scan3A_101, %mul3A_144 : i32
        %add3A_146 = arith.constant 0 : i32
        %add3A_147 = arith.addi %mul3A_145, %add3A_146 : i32
        %add3A_148 = vector.broadcast %add3A_147 : i32 to vector<16xi32>
        %add3A_149 = arith.addi %iota3A, %add3A_148 : vector<16xi32>
        tpu.vector_store_idx %arg8[%min3A_143], %add3A_149 masked %gt3A_129 : memref<8208xi32, #tpu.memory_space<vmem>>[vector<16xi32>], vector<16xi32>, vector<16xi1>
        %reduce_max3A_150 = arith.constant true
        %reduce_max3A_151 = vector.broadcast %reduce_max3A_150 : i1 to vector<16xi1>
        %reduce_max3A_152 = arith.constant -2147483648 : i32
        %reduce_max3A_153 = vector.broadcast %reduce_max3A_152 : i32 to vector<16xi32>
        %reduce_max3A_154 = arith.xori %masked_cumsum3A, %reduce_max3A_153 : vector<16xi32>
        %reduce_max3A_155 = tpu.scan <max>, %reduce_max3A_154 masked %reduce_max3A_151 : vector<16xi32>, vector<16xi1> -> vector<16xi32>
        %reduce_max3A_156 = arith.xori %reduce_max3A_155, %reduce_max3A_153 : vector<16xi32>
        %reduce_max3A_157 = vector.extract %reduce_max3A_156[15] : i32 from vector<16xi32>
        %add3A_158 = arith.addi %scan3A_102, %reduce_max3A_157 : i32
        %jit3A_159 = arith.constant -1.000000e+30 : f32
        %broadcast_in_dim3A_160 = vector.broadcast %jit3A_159 : f32 to vector<16xf32>
        %select_n3A_161 = arith.select %gt3A_129, %broadcast_in_dim3A_160, %get3A_127 : vector<16xi1>, vector<16xf32>
        %max3A = arith.maximumf %scan3A_103, %select_n3A_161 : vector<16xf32>
        %mul3A_162 = arith.constant 128 : i32
        %mul3A_163 = arith.muli %scan3A_101, %mul3A_162 : i32
        %add3A_164 = arith.constant 16 : i32
        %add3A_165 = arith.addi %mul3A_163, %add3A_164 : i32
        %get3A_166 = arith.index_cast %add3A_165 : i32 to index
        %get3A_167 = tpu.vector_load %arg4[%get3A_166] {strides = array<i32>} : memref<32768xf32, #tpu.memory_space<vmem>>, vector<16xf32>,
        %gt3A_168 = vector.broadcast %sub3A_69 : f32 to vector<16xf32>
        %gt3A_169 = arith.cmpf ogt, %get3A_167, %gt3A_168 : vector<16xf32>
        %jit3A_170 = arith.constant 1 : i32
        %jit3A_171 = arith.constant 0 : i32
        %broadcast_in_dim3A_172 = vector.broadcast %jit3A_170 : i32 to vector<16xi32>
        %broadcast_in_dim3A_173 = vector.broadcast %jit3A_171 : i32 to vector<16xi32>
        %select_n3A_174 = arith.select %gt3A_169, %broadcast_in_dim3A_172, %broadcast_in_dim3A_173 : vector<16xi1>, vector<16xi32>
        %broadcast_in_dim3A_175 = arith.constant true
        %broadcast_in_dim3A_176 = vector.broadcast %broadcast_in_dim3A_175 : i1 to vector<16xi1>
        %masked_cumsum3A_177 = tpu.scan <sum>, %select_n3A_174 masked %broadcast_in_dim3A_176 : vector<16xi32>, vector<16xi1> -> vector<16xi32>
        %broadcast_in_dim3A_178 = vector.broadcast %add3A_158 : i32 to vector<16xi32>
        %add3A_179 = arith.addi %broadcast_in_dim3A_178, %masked_cumsum3A_177 : vector<16xi32>
        %sub3A_180 = arith.constant 1 : i32
        %sub3A_181 = vector.broadcast %sub3A_180 : i32 to vector<16xi32>
        %sub3A_182 = arith.subi %add3A_179, %sub3A_181 : vector<16xi32>
        %min3A_183 = arith.constant 8207 : i32
        %min3A_184 = vector.broadcast %min3A_183 : i32 to vector<16xi32>
        %min3A_185 = arith.minsi %sub3A_182, %min3A_184 : vector<16xi32>
        tpu.vector_store_idx %arg7[%min3A_185], %get3A_167 masked %gt3A_169 : memref<8208xf32, #tpu.memory_space<vmem>>[vector<16xi32>], vector<16xf32>, vector<16xi1>
        %mul3A_186 = arith.constant 128 : i32
        %mul3A_187 = arith.muli %scan3A_101, %mul3A_186 : i32
        %add3A_188 = arith.constant 16 : i32
        %add3A_189 = arith.addi %mul3A_187, %add3A_188 : i32
        %add3A_190 = vector.broadcast %add3A_189 : i32 to vector<16xi32>
        %add3A_191 = arith.addi %iota3A, %add3A_190 : vector<16xi32>
        tpu.vector_store_idx %arg8[%min3A_185], %add3A_191 masked %gt3A_169 : memref<8208xi32, #tpu.memory_space<vmem>>[vector<16xi32>], vector<16xi32>, vector<16xi1>
        %reduce_max3A_192 = arith.constant true
        %reduce_max3A_193 = vector.broadcast %reduce_max3A_192 : i1 to vector<16xi1>
        %reduce_max3A_194 = arith.constant -2147483648 : i32
        %reduce_max3A_195 = vector.broadcast %reduce_max3A_194 : i32 to vector<16xi32>
        %reduce_max3A_196 = arith.xori %masked_cumsum3A_177, %reduce_max3A_195 : vector<16xi32>
        %reduce_max3A_197 = tpu.scan <max>, %reduce_max3A_196 masked %reduce_max3A_193 : vector<16xi32>, vector<16xi1> -> vector<16xi32>
        %reduce_max3A_198 = arith.xori %reduce_max3A_197, %reduce_max3A_195 : vector<16xi32>
        %reduce_max3A_199 = vector.extract %reduce_max3A_198[15] : i32 from vector<16xi32>
        %add3A_200 = arith.addi %add3A_158, %reduce_max3A_199 : i32
        %jit3A_201 = arith.constant -1.000000e+30 : f32
        %broadcast_in_dim3A_202 = vector.broadcast %jit3A_201 : f32 to vector<16xf32>
        %select_n3A_203 = arith.select %gt3A_169, %broadcast_in_dim3A_202, %get3A_167 : vector<16xi1>, vector<16xf32>
        %max3A_204 = arith.maximumf %max3A, %select_n3A_203 : vector<16xf32>
        %mul3A_205 = arith.constant 128 : i32
        %mul3A_206 = arith.muli %scan3A_101, %mul3A_205 : i32
        %add3A_207 = arith.constant 32 : i32
        %add3A_208 = arith.addi %mul3A_206, %add3A_207 : i32
        %get3A_209 = arith.index_cast %add3A_208 : i32 to index
        %get3A_210 = tpu.vector_load %arg4[%get3A_209] {strides = array<i32>} : memref<32768xf32, #tpu.memory_space<vmem>>, vector<16xf32>,
        %gt3A_211 = vector.broadcast %sub3A_69 : f32 to vector<16xf32>
        %gt3A_212 = arith.cmpf ogt, %get3A_210, %gt3A_211 : vector<16xf32>
        %jit3A_213 = arith.constant 1 : i32
        %jit3A_214 = arith.constant 0 : i32
        %broadcast_in_dim3A_215 = vector.broadcast %jit3A_213 : i32 to vector<16xi32>
        %broadcast_in_dim3A_216 = vector.broadcast %jit3A_214 : i32 to vector<16xi32>
        %select_n3A_217 = arith.select %gt3A_212, %broadcast_in_dim3A_215, %broadcast_in_dim3A_216 : vector<16xi1>, vector<16xi32>
        %broadcast_in_dim3A_218 = arith.constant true
        %broadcast_in_dim3A_219 = vector.broadcast %broadcast_in_dim3A_218 : i1 to vector<16xi1>
        %masked_cumsum3A_220 = tpu.scan <sum>, %select_n3A_217 masked %broadcast_in_dim3A_219 : vector<16xi32>, vector<16xi1> -> vector<16xi32>
        %broadcast_in_dim3A_221 = vector.broadcast %add3A_200 : i32 to vector<16xi32>
        %add3A_222 = arith.addi %broadcast_in_dim3A_221, %masked_cumsum3A_220 : vector<16xi32>
        %sub3A_223 = arith.constant 1 : i32
        %sub3A_224 = vector.broadcast %sub3A_223 : i32 to vector<16xi32>
        %sub3A_225 = arith.subi %add3A_222, %sub3A_224 : vector<16xi32>
        %min3A_226 = arith.constant 8207 : i32
        %min3A_227 = vector.broadcast %min3A_226 : i32 to vector<16xi32>
        %min3A_228 = arith.minsi %sub3A_225, %min3A_227 : vector<16xi32>
        tpu.vector_store_idx %arg7[%min3A_228], %get3A_210 masked %gt3A_212 : memref<8208xf32, #tpu.memory_space<vmem>>[vector<16xi32>], vector<16xf32>, vector<16xi1>
        %mul3A_229 = arith.constant 128 : i32
        %mul3A_230 = arith.muli %scan3A_101, %mul3A_229 : i32
        %add3A_231 = arith.constant 32 : i32
        %add3A_232 = arith.addi %mul3A_230, %add3A_231 : i32
        %add3A_233 = vector.broadcast %add3A_232 : i32 to vector<16xi32>
        %add3A_234 = arith.addi %iota3A, %add3A_233 : vector<16xi32>
        tpu.vector_store_idx %arg8[%min3A_228], %add3A_234 masked %gt3A_212 : memref<8208xi32, #tpu.memory_space<vmem>>[vector<16xi32>], vector<16xi32>, vector<16xi1>
        %reduce_max3A_235 = arith.constant true
        %reduce_max3A_236 = vector.broadcast %reduce_max3A_235 : i1 to vector<16xi1>
        %reduce_max3A_237 = arith.constant -2147483648 : i32
        %reduce_max3A_238 = vector.broadcast %reduce_max3A_237 : i32 to vector<16xi32>
        %reduce_max3A_239 = arith.xori %masked_cumsum3A_220, %reduce_max3A_238 : vector<16xi32>
        %reduce_max3A_240 = tpu.scan <max>, %reduce_max3A_239 masked %reduce_max3A_236 : vector<16xi32>, vector<16xi1> -> vector<16xi32>
        %reduce_max3A_241 = arith.xori %reduce_max3A_240, %reduce_max3A_238 : vector<16xi32>
        %reduce_max3A_242 = vector.extract %reduce_max3A_241[15] : i32 from vector<16xi32>
        %add3A_243 = arith.addi %add3A_200, %reduce_max3A_242 : i32
        %jit3A_244 = arith.constant -1.000000e+30 : f32
        %broadcast_in_dim3A_245 = vector.broadcast %jit3A_244 : f32 to vector<16xf32>
        %select_n3A_246 = arith.select %gt3A_212, %broadcast_in_dim3A_245, %get3A_210 : vector<16xi1>, vector<16xf32>
        %max3A_247 = arith.maximumf %max3A_204, %select_n3A_246 : vector<16xf32>
        %mul3A_248 = arith.constant 128 : i32
        %mul3A_249 = arith.muli %scan3A_101, %mul3A_248 : i32
        %add3A_250 = arith.constant 48 : i32
        %add3A_251 = arith.addi %mul3A_249, %add3A_250 : i32
        %get3A_252 = arith.index_cast %add3A_251 : i32 to index
        %get3A_253 = tpu.vector_load %arg4[%get3A_252] {strides = array<i32>} : memref<32768xf32, #tpu.memory_space<vmem>>, vector<16xf32>,
        %gt3A_254 = vector.broadcast %sub3A_69 : f32 to vector<16xf32>
        %gt3A_255 = arith.cmpf ogt, %get3A_253, %gt3A_254 : vector<16xf32>
        %jit3A_256 = arith.constant 1 : i32
        %jit3A_257 = arith.constant 0 : i32
        %broadcast_in_dim3A_258 = vector.broadcast %jit3A_256 : i32 to vector<16xi32>
        %broadcast_in_dim3A_259 = vector.broadcast %jit3A_257 : i32 to vector<16xi32>
        %select_n3A_260 = arith.select %gt3A_255, %broadcast_in_dim3A_258, %broadcast_in_dim3A_259 : vector<16xi1>, vector<16xi32>
        %broadcast_in_dim3A_261 = arith.constant true
        %broadcast_in_dim3A_262 = vector.broadcast %broadcast_in_dim3A_261 : i1 to vector<16xi1>
        %masked_cumsum3A_263 = tpu.scan <sum>, %select_n3A_260 masked %broadcast_in_dim3A_262 : vector<16xi32>, vector<16xi1> -> vector<16xi32>
        %broadcast_in_dim3A_264 = vector.broadcast %add3A_243 : i32 to vector<16xi32>
        %add3A_265 = arith.addi %broadcast_in_dim3A_264, %masked_cumsum3A_263 : vector<16xi32>
        %sub3A_266 = arith.constant 1 : i32
        %sub3A_267 = vector.broadcast %sub3A_266 : i32 to vector<16xi32>
        %sub3A_268 = arith.subi %add3A_265, %sub3A_267 : vector<16xi32>
        %min3A_269 = arith.constant 8207 : i32
        %min3A_270 = vector.broadcast %min3A_269 : i32 to vector<16xi32>
        %min3A_271 = arith.minsi %sub3A_268, %min3A_270 : vector<16xi32>
        tpu.vector_store_idx %arg7[%min3A_271], %get3A_253 masked %gt3A_255 : memref<8208xf32, #tpu.memory_space<vmem>>[vector<16xi32>], vector<16xf32>, vector<16xi1>
        %mul3A_272 = arith.constant 128 : i32
        %mul3A_273 = arith.muli %scan3A_101, %mul3A_272 : i32
        %add3A_274 = arith.constant 48 : i32
        %add3A_275 = arith.addi %mul3A_273, %add3A_274 : i32
        %add3A_276 = vector.broadcast %add3A_275 : i32 to vector<16xi32>
        %add3A_277 = arith.addi %iota3A, %add3A_276 : vector<16xi32>
        tpu.vector_store_idx %arg8[%min3A_271], %add3A_277 masked %gt3A_255 : memref<8208xi32, #tpu.memory_space<vmem>>[vector<16xi32>], vector<16xi32>, vector<16xi1>
        %reduce_max3A_278 = arith.constant true
        %reduce_max3A_279 = vector.broadcast %reduce_max3A_278 : i1 to vector<16xi1>
        %reduce_max3A_280 = arith.constant -2147483648 : i32
        %reduce_max3A_281 = vector.broadcast %reduce_max3A_280 : i32 to vector<16xi32>
        %reduce_max3A_282 = arith.xori %masked_cumsum3A_263, %reduce_max3A_281 : vector<16xi32>
        %reduce_max3A_283 = tpu.scan <max>, %reduce_max3A_282 masked %reduce_max3A_279 : vector<16xi32>, vector<16xi1> -> vector<16xi32>
        %reduce_max3A_284 = arith.xori %reduce_max3A_283, %reduce_max3A_281 : vector<16xi32>
        %reduce_max3A_285 = vector.extract %reduce_max3A_284[15] : i32 from vector<16xi32>
        %add3A_286 = arith.addi %add3A_243, %reduce_max3A_285 : i32
        %jit3A_287 = arith.constant -1.000000e+30 : f32
        %broadcast_in_dim3A_288 = vector.broadcast %jit3A_287 : f32 to vector<16xf32>
        %select_n3A_289 = arith.select %gt3A_255, %broadcast_in_dim3A_288, %get3A_253 : vector<16xi1>, vector<16xf32>
        %max3A_290 = arith.maximumf %max3A_247, %select_n3A_289 : vector<16xf32>
        %mul3A_291 = arith.constant 128 : i32
        %mul3A_292 = arith.muli %scan3A_101, %mul3A_291 : i32
        %add3A_293 = arith.constant 64 : i32
        %add3A_294 = arith.addi %mul3A_292, %add3A_293 : i32
        %get3A_295 = arith.index_cast %add3A_294 : i32 to index
        %get3A_296 = tpu.vector_load %arg4[%get3A_295] {strides = array<i32>} : memref<32768xf32, #tpu.memory_space<vmem>>, vector<16xf32>,
        %gt3A_297 = vector.broadcast %sub3A_69 : f32 to vector<16xf32>
        %gt3A_298 = arith.cmpf ogt, %get3A_296, %gt3A_297 : vector<16xf32>
        %jit3A_299 = arith.constant 1 : i32
        %jit3A_300 = arith.constant 0 : i32
        %broadcast_in_dim3A_301 = vector.broadcast %jit3A_299 : i32 to vector<16xi32>
        %broadcast_in_dim3A_302 = vector.broadcast %jit3A_300 : i32 to vector<16xi32>
        %select_n3A_303 = arith.select %gt3A_298, %broadcast_in_dim3A_301, %broadcast_in_dim3A_302 : vector<16xi1>, vector<16xi32>
        %broadcast_in_dim3A_304 = arith.constant true
        %broadcast_in_dim3A_305 = vector.broadcast %broadcast_in_dim3A_304 : i1 to vector<16xi1>
        %masked_cumsum3A_306 = tpu.scan <sum>, %select_n3A_303 masked %broadcast_in_dim3A_305 : vector<16xi32>, vector<16xi1> -> vector<16xi32>
        %broadcast_in_dim3A_307 = vector.broadcast %add3A_286 : i32 to vector<16xi32>
        %add3A_308 = arith.addi %broadcast_in_dim3A_307, %masked_cumsum3A_306 : vector<16xi32>
        %sub3A_309 = arith.constant 1 : i32
        %sub3A_310 = vector.broadcast %sub3A_309 : i32 to vector<16xi32>
        %sub3A_311 = arith.subi %add3A_308, %sub3A_310 : vector<16xi32>
        %min3A_312 = arith.constant 8207 : i32
        %min3A_313 = vector.broadcast %min3A_312 : i32 to vector<16xi32>
        %min3A_314 = arith.minsi %sub3A_311, %min3A_313 : vector<16xi32>
        tpu.vector_store_idx %arg7[%min3A_314], %get3A_296 masked %gt3A_298 : memref<8208xf32, #tpu.memory_space<vmem>>[vector<16xi32>], vector<16xf32>, vector<16xi1>
        %mul3A_315 = arith.constant 128 : i32
        %mul3A_316 = arith.muli %scan3A_101, %mul3A_315 : i32
        %add3A_317 = arith.constant 64 : i32
        %add3A_318 = arith.addi %mul3A_316, %add3A_317 : i32
        %add3A_319 = vector.broadcast %add3A_318 : i32 to vector<16xi32>
        %add3A_320 = arith.addi %iota3A, %add3A_319 : vector<16xi32>
        tpu.vector_store_idx %arg8[%min3A_314], %add3A_320 masked %gt3A_298 : memref<8208xi32, #tpu.memory_space<vmem>>[vector<16xi32>], vector<16xi32>, vector<16xi1>
        %reduce_max3A_321 = arith.constant true
        %reduce_max3A_322 = vector.broadcast %reduce_max3A_321 : i1 to vector<16xi1>
        %reduce_max3A_323 = arith.constant -2147483648 : i32
        %reduce_max3A_324 = vector.broadcast %reduce_max3A_323 : i32 to vector<16xi32>
        %reduce_max3A_325 = arith.xori %masked_cumsum3A_306, %reduce_max3A_324 : vector<16xi32>
        %reduce_max3A_326 = tpu.scan <max>, %reduce_max3A_325 masked %reduce_max3A_322 : vector<16xi32>, vector<16xi1> -> vector<16xi32>
        %reduce_max3A_327 = arith.xori %reduce_max3A_326, %reduce_max3A_324 : vector<16xi32>
        %reduce_max3A_328 = vector.extract %reduce_max3A_327[15] : i32 from vector<16xi32>
        %add3A_329 = arith.addi %add3A_286, %reduce_max3A_328 : i32
        %jit3A_330 = arith.constant -1.000000e+30 : f32
        %broadcast_in_dim3A_331 = vector.broadcast %jit3A_330 : f32 to vector<16xf32>
        %select_n3A_332 = arith.select %gt3A_298, %broadcast_in_dim3A_331, %get3A_296 : vector<16xi1>, vector<16xf32>
        %max3A_333 = arith.maximumf %max3A_290, %select_n3A_332 : vector<16xf32>
        %mul3A_334 = arith.constant 128 : i32
        %mul3A_335 = arith.muli %scan3A_101, %mul3A_334 : i32
        %add3A_336 = arith.constant 80 : i32
        %add3A_337 = arith.addi %mul3A_335, %add3A_336 : i32
        %get3A_338 = arith.index_cast %add3A_337 : i32 to index
        %get3A_339 = tpu.vector_load %arg4[%get3A_338] {strides = array<i32>} : memref<32768xf32, #tpu.memory_space<vmem>>, vector<16xf32>,
        %gt3A_340 = vector.broadcast %sub3A_69 : f32 to vector<16xf32>
        %gt3A_341 = arith.cmpf ogt, %get3A_339, %gt3A_340 : vector<16xf32>
        %jit3A_342 = arith.constant 1 : i32
        %jit3A_343 = arith.constant 0 : i32
        %broadcast_in_dim3A_344 = vector.broadcast %jit3A_342 : i32 to vector<16xi32>
        %broadcast_in_dim3A_345 = vector.broadcast %jit3A_343 : i32 to vector<16xi32>
        %select_n3A_346 = arith.select %gt3A_341, %broadcast_in_dim3A_344, %broadcast_in_dim3A_345 : vector<16xi1>, vector<16xi32>
        %broadcast_in_dim3A_347 = arith.constant true
        %broadcast_in_dim3A_348 = vector.broadcast %broadcast_in_dim3A_347 : i1 to vector<16xi1>
        %masked_cumsum3A_349 = tpu.scan <sum>, %select_n3A_346 masked %broadcast_in_dim3A_348 : vector<16xi32>, vector<16xi1> -> vector<16xi32>
        %broadcast_in_dim3A_350 = vector.broadcast %add3A_329 : i32 to vector<16xi32>
        %add3A_351 = arith.addi %broadcast_in_dim3A_350, %masked_cumsum3A_349 : vector<16xi32>
        %sub3A_352 = arith.constant 1 : i32
        %sub3A_353 = vector.broadcast %sub3A_352 : i32 to vector<16xi32>
        %sub3A_354 = arith.subi %add3A_351, %sub3A_353 : vector<16xi32>
        %min3A_355 = arith.constant 8207 : i32
        %min3A_356 = vector.broadcast %min3A_355 : i32 to vector<16xi32>
        %min3A_357 = arith.minsi %sub3A_354, %min3A_356 : vector<16xi32>
        tpu.vector_store_idx %arg7[%min3A_357], %get3A_339 masked %gt3A_341 : memref<8208xf32, #tpu.memory_space<vmem>>[vector<16xi32>], vector<16xf32>, vector<16xi1>
        %mul3A_358 = arith.constant 128 : i32
        %mul3A_359 = arith.muli %scan3A_101, %mul3A_358 : i32
        %add3A_360 = arith.constant 80 : i32
        %add3A_361 = arith.addi %mul3A_359, %add3A_360 : i32
        %add3A_362 = vector.broadcast %add3A_361 : i32 to vector<16xi32>
        %add3A_363 = arith.addi %iota3A, %add3A_362 : vector<16xi32>
        tpu.vector_store_idx %arg8[%min3A_357], %add3A_363 masked %gt3A_341 : memref<8208xi32, #tpu.memory_space<vmem>>[vector<16xi32>], vector<16xi32>, vector<16xi1>
        %reduce_max3A_364 = arith.constant true
        %reduce_max3A_365 = vector.broadcast %reduce_max3A_364 : i1 to vector<16xi1>
        %reduce_max3A_366 = arith.constant -2147483648 : i32
        %reduce_max3A_367 = vector.broadcast %reduce_max3A_366 : i32 to vector<16xi32>
        %reduce_max3A_368 = arith.xori %masked_cumsum3A_349, %reduce_max3A_367 : vector<16xi32>
        %reduce_max3A_369 = tpu.scan <max>, %reduce_max3A_368 masked %reduce_max3A_365 : vector<16xi32>, vector<16xi1> -> vector<16xi32>
        %reduce_max3A_370 = arith.xori %reduce_max3A_369, %reduce_max3A_367 : vector<16xi32>
        %reduce_max3A_371 = vector.extract %reduce_max3A_370[15] : i32 from vector<16xi32>
        %add3A_372 = arith.addi %add3A_329, %reduce_max3A_371 : i32
        %jit3A_373 = arith.constant -1.000000e+30 : f32
        %broadcast_in_dim3A_374 = vector.broadcast %jit3A_373 : f32 to vector<16xf32>
        %select_n3A_375 = arith.select %gt3A_341, %broadcast_in_dim3A_374, %get3A_339 : vector<16xi1>, vector<16xf32>
        %max3A_376 = arith.maximumf %max3A_333, %select_n3A_375 : vector<16xf32>
        %mul3A_377 = arith.constant 128 : i32
        %mul3A_378 = arith.muli %scan3A_101, %mul3A_377 : i32
        %add3A_379 = arith.constant 96 : i32
        %add3A_380 = arith.addi %mul3A_378, %add3A_379 : i32
        %get3A_381 = arith.index_cast %add3A_380 : i32 to index
        %get3A_382 = tpu.vector_load %arg4[%get3A_381] {strides = array<i32>} : memref<32768xf32, #tpu.memory_space<vmem>>, vector<16xf32>,
        %gt3A_383 = vector.broadcast %sub3A_69 : f32 to vector<16xf32>
        %gt3A_384 = arith.cmpf ogt, %get3A_382, %gt3A_383 : vector<16xf32>
        %jit3A_385 = arith.constant 1 : i32
        %jit3A_386 = arith.constant 0 : i32
        %broadcast_in_dim3A_387 = vector.broadcast %jit3A_385 : i32 to vector<16xi32>
        %broadcast_in_dim3A_388 = vector.broadcast %jit3A_386 : i32 to vector<16xi32>
        %select_n3A_389 = arith.select %gt3A_384, %broadcast_in_dim3A_387, %broadcast_in_dim3A_388 : vector<16xi1>, vector<16xi32>
        %broadcast_in_dim3A_390 = arith.constant true
        %broadcast_in_dim3A_391 = vector.broadcast %broadcast_in_dim3A_390 : i1 to vector<16xi1>
        %masked_cumsum3A_392 = tpu.scan <sum>, %select_n3A_389 masked %broadcast_in_dim3A_391 : vector<16xi32>, vector<16xi1> -> vector<16xi32>
        %broadcast_in_dim3A_393 = vector.broadcast %add3A_372 : i32 to vector<16xi32>
        %add3A_394 = arith.addi %broadcast_in_dim3A_393, %masked_cumsum3A_392 : vector<16xi32>
        %sub3A_395 = arith.constant 1 : i32
        %sub3A_396 = vector.broadcast %sub3A_395 : i32 to vector<16xi32>
        %sub3A_397 = arith.subi %add3A_394, %sub3A_396 : vector<16xi32>
        %min3A_398 = arith.constant 8207 : i32
        %min3A_399 = vector.broadcast %min3A_398 : i32 to vector<16xi32>
        %min3A_400 = arith.minsi %sub3A_397, %min3A_399 : vector<16xi32>
        tpu.vector_store_idx %arg7[%min3A_400], %get3A_382 masked %gt3A_384 : memref<8208xf32, #tpu.memory_space<vmem>>[vector<16xi32>], vector<16xf32>, vector<16xi1>
        %mul3A_401 = arith.constant 128 : i32
        %mul3A_402 = arith.muli %scan3A_101, %mul3A_401 : i32
        %add3A_403 = arith.constant 96 : i32
        %add3A_404 = arith.addi %mul3A_402, %add3A_403 : i32
        %add3A_405 = vector.broadcast %add3A_404 : i32 to vector<16xi32>
        %add3A_406 = arith.addi %iota3A, %add3A_405 : vector<16xi32>
        tpu.vector_store_idx %arg8[%min3A_400], %add3A_406 masked %gt3A_384 : memref<8208xi32, #tpu.memory_space<vmem>>[vector<16xi32>], vector<16xi32>, vector<16xi1>
        %reduce_max3A_407 = arith.constant true
        %reduce_max3A_408 = vector.broadcast %reduce_max3A_407 : i1 to vector<16xi1>
        %reduce_max3A_409 = arith.constant -2147483648 : i32
        %reduce_max3A_410 = vector.broadcast %reduce_max3A_409 : i32 to vector<16xi32>
        %reduce_max3A_411 = arith.xori %masked_cumsum3A_392, %reduce_max3A_410 : vector<16xi32>
        %reduce_max3A_412 = tpu.scan <max>, %reduce_max3A_411 masked %reduce_max3A_408 : vector<16xi32>, vector<16xi1> -> vector<16xi32>
        %reduce_max3A_413 = arith.xori %reduce_max3A_412, %reduce_max3A_410 : vector<16xi32>
        %reduce_max3A_414 = vector.extract %reduce_max3A_413[15] : i32 from vector<16xi32>
        %add3A_415 = arith.addi %add3A_372, %reduce_max3A_414 : i32
        %jit3A_416 = arith.constant -1.000000e+30 : f32
        %broadcast_in_dim3A_417 = vector.broadcast %jit3A_416 : f32 to vector<16xf32>
        %select_n3A_418 = arith.select %gt3A_384, %broadcast_in_dim3A_417, %get3A_382 : vector<16xi1>, vector<16xf32>
        %max3A_419 = arith.maximumf %max3A_376, %select_n3A_418 : vector<16xf32>
        %mul3A_420 = arith.constant 128 : i32
        %mul3A_421 = arith.muli %scan3A_101, %mul3A_420 : i32
        %add3A_422 = arith.constant 112 : i32
        %add3A_423 = arith.addi %mul3A_421, %add3A_422 : i32
        %get3A_424 = arith.index_cast %add3A_423 : i32 to index
        %get3A_425 = tpu.vector_load %arg4[%get3A_424] {strides = array<i32>} : memref<32768xf32, #tpu.memory_space<vmem>>, vector<16xf32>,
        %gt3A_426 = vector.broadcast %sub3A_69 : f32 to vector<16xf32>
        %gt3A_427 = arith.cmpf ogt, %get3A_425, %gt3A_426 : vector<16xf32>
        %jit3A_428 = arith.constant 1 : i32
        %jit3A_429 = arith.constant 0 : i32
        %broadcast_in_dim3A_430 = vector.broadcast %jit3A_428 : i32 to vector<16xi32>
        %broadcast_in_dim3A_431 = vector.broadcast %jit3A_429 : i32 to vector<16xi32>
        %select_n3A_432 = arith.select %gt3A_427, %broadcast_in_dim3A_430, %broadcast_in_dim3A_431 : vector<16xi1>, vector<16xi32>
        %broadcast_in_dim3A_433 = arith.constant true
        %broadcast_in_dim3A_434 = vector.broadcast %broadcast_in_dim3A_433 : i1 to vector<16xi1>
        %masked_cumsum3A_435 = tpu.scan <sum>, %select_n3A_432 masked %broadcast_in_dim3A_434 : vector<16xi32>, vector<16xi1> -> vector<16xi32>
        %broadcast_in_dim3A_436 = vector.broadcast %add3A_415 : i32 to vector<16xi32>
        %add3A_437 = arith.addi %broadcast_in_dim3A_436, %masked_cumsum3A_435 : vector<16xi32>
        %sub3A_438 = arith.constant 1 : i32
        %sub3A_439 = vector.broadcast %sub3A_438 : i32 to vector<16xi32>
        %sub3A_440 = arith.subi %add3A_437, %sub3A_439 : vector<16xi32>
        %min3A_441 = arith.constant 8207 : i32
        %min3A_442 = vector.broadcast %min3A_441 : i32 to vector<16xi32>
        %min3A_443 = arith.minsi %sub3A_440, %min3A_442 : vector<16xi32>
        tpu.vector_store_idx %arg7[%min3A_443], %get3A_425 masked %gt3A_427 : memref<8208xf32, #tpu.memory_space<vmem>>[vector<16xi32>], vector<16xf32>, vector<16xi1>
        %mul3A_444 = arith.constant 128 : i32
        %mul3A_445 = arith.muli %scan3A_101, %mul3A_444 : i32
        %add3A_446 = arith.constant 112 : i32
        %add3A_447 = arith.addi %mul3A_445, %add3A_446 : i32
        %add3A_448 = vector.broadcast %add3A_447 : i32 to vector<16xi32>
        %add3A_449 = arith.addi %iota3A, %add3A_448 : vector<16xi32>
        tpu.vector_store_idx %arg8[%min3A_443], %add3A_449 masked %gt3A_427 : memref<8208xi32, #tpu.memory_space<vmem>>[vector<16xi32>], vector<16xi32>, vector<16xi1>
        %reduce_max3A_450 = arith.constant true
        %reduce_max3A_451 = vector.broadcast %reduce_max3A_450 : i1 to vector<16xi1>
        %reduce_max3A_452 = arith.constant -2147483648 : i32
        %reduce_max3A_453 = vector.broadcast %reduce_max3A_452 : i32 to vector<16xi32>
        %reduce_max3A_454 = arith.xori %masked_cumsum3A_435, %reduce_max3A_453 : vector<16xi32>
        %reduce_max3A_455 = tpu.scan <max>, %reduce_max3A_454 masked %reduce_max3A_451 : vector<16xi32>, vector<16xi1> -> vector<16xi32>
        %reduce_max3A_456 = arith.xori %reduce_max3A_455, %reduce_max3A_453 : vector<16xi32>
        %reduce_max3A_457 = vector.extract %reduce_max3A_456[15] : i32 from vector<16xi32>
        %add3A_458 = arith.addi %add3A_415, %reduce_max3A_457 : i32
        %jit3A_459 = arith.constant -1.000000e+30 : f32
        %broadcast_in_dim3A_460 = vector.broadcast %jit3A_459 : f32 to vector<16xf32>
        %select_n3A_461 = arith.select %gt3A_427, %broadcast_in_dim3A_460, %get3A_425 : vector<16xi1>, vector<16xf32>
        %max3A_462 = arith.maximumf %max3A_419, %select_n3A_461 : vector<16xf32>
        scf.yield %add3A_458, %max3A_462 : i32, vector<16xf32>
      } else {
        %max3A = arith.maximumf %scan3A_103, %get3A_106 : vector<16xf32>
        scf.yield %scan3A_102, %max3A : i32, vector<16xf32>
      }
      scf.yield %cond3A_121#0, %cond3A_121#1 : i32, vector<16xf32>
    }
    %scan3A_76 = arith.constant 256 : i32
    %reduce_max3A_77 = arith.constant true
    %reduce_max3A_78 = vector.broadcast %reduce_max3A_77 : i1 to vector<16xi1>
    %reduce_max3A_79 = tpu.scan <max>, %scan3A_75#1 masked %reduce_max3A_78 : vector<16xf32>, vector<16xi1> -> vector<16xf32>
    %reduce_max3A_80 = vector.extract %reduce_max3A_79[15] : f32 from vector<16xf32>
    %lt3A_81 = arith.constant 8192 : i32
    %lt3A_82 = arith.cmpi slt, %scan3A_75#0, %lt3A_81 : i32
    %jit3A_83 = arith.constant 8192 : i32
    %select_n3A_84 = arith.select %lt3A_82, %scan3A_75#0, %jit3A_83 : i32
    %swap3A_85 = arith.index_cast %select_n3A_84 : i32 to index
    %swap3A_86 = tpu.vector_load %arg7[%swap3A_85] {strides = array<i32>} : memref<8208xf32, #tpu.memory_space<vmem>>, vector<16xf32>,
    tpu.vector_store %arg7[%swap3A_85], %broadcast_in_dim3A_3 {strides = array<i32>} : memref<8208xf32, #tpu.memory_space<vmem>>, vector<16xf32>,
    %le3A_87 = arith.constant 8192 : i32
    %le3A_88 = arith.cmpi sle, %scan3A_75#0, %le3A_87 : i32
    %add3A_89 = arith.constant 15 : i32
    %add3A_90 = arith.addi %scan3A_75#0, %add3A_89 : i32
    %shift_right_logical3A_91 = arith.constant 4 : i32
    %shift_right_logical3A_92 = arith.shrui %add3A_90, %shift_right_logical3A_91 : i32
    %convert_element_type3A_93 = arith.extui %le3A_88 : i1 to i32
    %cond3A_94 = arith.constant 0 : i32
    %cond3A_95 = arith.cmpi ne, %convert_element_type3A_93, %cond3A_94 : i32
    scf.if %cond3A_95 {
      %scan3A_101 = arith.constant 0 : i32
      %scan3A_102 = arith.constant 30 : i32
      %scan3A_103 = arith.addi %scan3A_101, %scan3A_102 : i32
      %scan3A_104 = arith.constant 1 : i32
      %scan3A_105:2 = scf.for %scan3A_170 = %scan3A_101 to %scan3A_103 step %scan3A_104 iter_args(%scan3A_171 = %sub3A_69, %scan3A_172 = %reduce_max3A_67) -> (f32, f32)  : i32 {
        %add3A_173 = arith.addf %scan3A_171, %scan3A_172 : f32
        %mul3A_174 = arith.constant 5.000000e-01 : f32
        %mul3A_175 = arith.mulf %mul3A_174, %add3A_173 : f32
        %while3A_176 = arith.constant 0 : i32
        %while3A_177 = arith.subi %shift_right_logical3A_92, %while3A_176 : i32
        %while3A_178 = arith.addi %while3A_176, %while3A_177 : i32
        %while3A_179 = arith.constant 1 : i32
        %while3A_180 = arith.divsi %while3A_177, %while3A_179 : i32
        %while3A_181 = arith.muli %while3A_180, %while3A_179 : i32
        %while3A_182 = arith.addi %while3A_176, %while3A_181 : i32
        %while3A_183 = arith.constant 1 : i32
        %while3A_184 = scf.for %while3A_194 = %while3A_176 to %while3A_182 step %while3A_183 iter_args(%while3A_195 = %broadcast_in_dim3A_1) -> (vector<16xf32>)  : i32 {
          %mul3A_196 = arith.constant 16 : i32
          %mul3A_197 = arith.muli %while3A_194, %mul3A_196 : i32
          %get3A = arith.index_cast %mul3A_197 : i32 to index
          %get3A_198 = tpu.vector_load %arg7[%get3A] {strides = array<i32>} : memref<8208xf32, #tpu.memory_space<vmem>>, vector<16xf32>,
          %sub3A_199 = vector.broadcast %mul3A_175 : f32 to vector<16xf32>
          %sub3A_200 = arith.subf %get3A_198, %sub3A_199 : vector<16xf32>
          %max3A_201 = arith.constant 0.000000e+00 : f32
          %max3A_202 = vector.broadcast %max3A_201 : f32 to vector<16xf32>
          %max3A_203 = arith.maximumf %sub3A_200, %max3A_202 : vector<16xf32>
          %add3A_204 = arith.addf %while3A_195, %max3A_203 : vector<16xf32>
          scf.yield %add3A_204 : vector<16xf32>
        }
        %while3A_185 = arith.constant 1 : i32
        %while3A_186 = scf.for %while3A_194 = %while3A_182 to %while3A_178 step %while3A_185 iter_args(%while3A_195 = %while3A_184) -> (vector<16xf32>)  : i32 {
          %mul3A_196 = arith.constant 16 : i32
          %mul3A_197 = arith.muli %while3A_194, %mul3A_196 : i32
          %get3A = arith.index_cast %mul3A_197 : i32 to index
          %get3A_198 = tpu.vector_load %arg7[%get3A] {strides = array<i32>} : memref<8208xf32, #tpu.memory_space<vmem>>, vector<16xf32>,
          %sub3A_199 = vector.broadcast %mul3A_175 : f32 to vector<16xf32>
          %sub3A_200 = arith.subf %get3A_198, %sub3A_199 : vector<16xf32>
          %max3A_201 = arith.constant 0.000000e+00 : f32
          %max3A_202 = vector.broadcast %max3A_201 : f32 to vector<16xf32>
          %max3A_203 = arith.maximumf %sub3A_200, %max3A_202 : vector<16xf32>
          %add3A_204 = arith.addf %while3A_195, %max3A_203 : vector<16xf32>
          scf.yield %add3A_204 : vector<16xf32>
        }
        %reduce_sum3A_187 = arith.constant true
        %reduce_sum3A_188 = vector.broadcast %reduce_sum3A_187 : i1 to vector<16xi1>
        %reduce_sum3A_189 = tpu.scan <sum>, %while3A_186 masked %reduce_sum3A_188 : vector<16xf32>, vector<16xi1> -> vector<16xf32>
        %reduce_sum3A_190 = vector.extract %reduce_sum3A_189[15] : f32 from vector<16xf32>
        %ge3A = arith.constant 5.000000e-01 : f32
        %ge3A_191 = arith.cmpf oge, %reduce_sum3A_190, %ge3A : f32
        %select_n3A_192 = arith.select %ge3A_191, %mul3A_175, %scan3A_171 : f32
        %select_n3A_193 = arith.select %ge3A_191, %scan3A_172, %mul3A_175 : f32
        scf.yield %select_n3A_192, %select_n3A_193 : f32, f32
      }
      %scan3A_106 = arith.constant 30 : i32
      %while3A = arith.constant 0 : i32
      %while3A_107 = arith.subi %shift_right_logical3A_92, %while3A : i32
      %while3A_108 = arith.addi %while3A, %while3A_107 : i32
      %while3A_109 = arith.constant 1 : i32
      %while3A_110 = arith.divsi %while3A_107, %while3A_109 : i32
      %while3A_111 = arith.muli %while3A_110, %while3A_109 : i32
      %while3A_112 = arith.addi %while3A, %while3A_111 : i32
      %while3A_113 = arith.constant 1 : i32
      %while3A_114:3 = scf.for %while3A_170 = %while3A to %while3A_112 step %while3A_113 iter_args(%while3A_171 = %broadcast_in_dim3A_1, %while3A_172 = %broadcast_in_dim3A_1, %while3A_173 = %broadcast_in_dim3A_3) -> (vector<16xf32>, vector<16xf32>, vector<16xf32>)  : i32 {
        %mul3A_174 = arith.constant 16 : i32
        %mul3A_175 = arith.muli %while3A_170, %mul3A_174 : i32
        %get3A = arith.index_cast %mul3A_175 : i32 to index
        %get3A_176 = tpu.vector_load %arg7[%get3A] {strides = array<i32>} : memref<8208xf32, #tpu.memory_space<vmem>>, vector<16xf32>,
        %sub3A_177 = vector.broadcast %reduce_max3A_67 : f32 to vector<16xf32>
        %sub3A_178 = arith.subf %get3A_176, %sub3A_177 : vector<16xf32>
        %gt3A = vector.broadcast %scan3A_105#0 : f32 to vector<16xf32>
        %gt3A_179 = arith.cmpf ogt, %get3A_176, %gt3A : vector<16xf32>
        %jit3A_180 = arith.constant 1.000000e+00 : f32
        %jit3A_181 = arith.constant 0.000000e+00 : f32
        %broadcast_in_dim3A_182 = vector.broadcast %jit3A_180 : f32 to vector<16xf32>
        %broadcast_in_dim3A_183 = vector.broadcast %jit3A_181 : f32 to vector<16xf32>
        %select_n3A_184 = arith.select %gt3A_179, %broadcast_in_dim3A_182, %broadcast_in_dim3A_183 : vector<16xi1>, vector<16xf32>
        %add3A_185 = arith.addf %while3A_171, %select_n3A_184 : vector<16xf32>
        %jit3A_186 = arith.constant 0.000000e+00 : f32
        %broadcast_in_dim3A_187 = vector.broadcast %jit3A_186 : f32 to vector<16xf32>
        %select_n3A_188 = arith.select %gt3A_179, %sub3A_178, %broadcast_in_dim3A_187 : vector<16xi1>, vector<16xf32>
        %add3A_189 = arith.addf %while3A_172, %select_n3A_188 : vector<16xf32>
        %jit3A_190 = arith.constant -1.000000e+30 : f32
        %broadcast_in_dim3A_191 = vector.broadcast %jit3A_190 : f32 to vector<16xf32>
        %select_n3A_192 = arith.select %gt3A_179, %broadcast_in_dim3A_191, %sub3A_178 : vector<16xi1>, vector<16xf32>
        %max3A_193 = arith.maximumf %while3A_173, %select_n3A_192 : vector<16xf32>
        scf.yield %add3A_185, %add3A_189, %max3A_193 : vector<16xf32>, vector<16xf32>, vector<16xf32>
      }
      %while3A_115 = arith.constant 1 : i32
      %while3A_116:3 = scf.for %while3A_170 = %while3A_112 to %while3A_108 step %while3A_115 iter_args(%while3A_171 = %while3A_114#0, %while3A_172 = %while3A_114#1, %while3A_173 = %while3A_114#2) -> (vector<16xf32>, vector<16xf32>, vector<16xf32>)  : i32 {
        %mul3A_174 = arith.constant 16 : i32
        %mul3A_175 = arith.muli %while3A_170, %mul3A_174 : i32
        %get3A = arith.index_cast %mul3A_175 : i32 to index
        %get3A_176 = tpu.vector_load %arg7[%get3A] {strides = array<i32>} : memref<8208xf32, #tpu.memory_space<vmem>>, vector<16xf32>,
        %sub3A_177 = vector.broadcast %reduce_max3A_67 : f32 to vector<16xf32>
        %sub3A_178 = arith.subf %get3A_176, %sub3A_177 : vector<16xf32>
        %gt3A = vector.broadcast %scan3A_105#0 : f32 to vector<16xf32>
        %gt3A_179 = arith.cmpf ogt, %get3A_176, %gt3A : vector<16xf32>
        %jit3A_180 = arith.constant 1.000000e+00 : f32
        %jit3A_181 = arith.constant 0.000000e+00 : f32
        %broadcast_in_dim3A_182 = vector.broadcast %jit3A_180 : f32 to vector<16xf32>
        %broadcast_in_dim3A_183 = vector.broadcast %jit3A_181 : f32 to vector<16xf32>
        %select_n3A_184 = arith.select %gt3A_179, %broadcast_in_dim3A_182, %broadcast_in_dim3A_183 : vector<16xi1>, vector<16xf32>
        %add3A_185 = arith.addf %while3A_171, %select_n3A_184 : vector<16xf32>
        %jit3A_186 = arith.constant 0.000000e+00 : f32
        %broadcast_in_dim3A_187 = vector.broadcast %jit3A_186 : f32 to vector<16xf32>
        %select_n3A_188 = arith.select %gt3A_179, %sub3A_178, %broadcast_in_dim3A_187 : vector<16xi1>, vector<16xf32>
        %add3A_189 = arith.addf %while3A_172, %select_n3A_188 : vector<16xf32>
        %jit3A_190 = arith.constant -1.000000e+30 : f32
        %broadcast_in_dim3A_191 = vector.broadcast %jit3A_190 : f32 to vector<16xf32>
        %select_n3A_192 = arith.select %gt3A_179, %broadcast_in_dim3A_191, %sub3A_178 : vector<16xi1>, vector<16xf32>
        %max3A_193 = arith.maximumf %while3A_173, %select_n3A_192 : vector<16xf32>
        scf.yield %add3A_185, %add3A_189, %max3A_193 : vector<16xf32>, vector<16xf32>, vector<16xf32>
      }
      %reduce_sum3A = arith.constant true
      %reduce_sum3A_117 = vector.broadcast %reduce_sum3A : i1 to vector<16xi1>
      %reduce_sum3A_118 = tpu.scan <sum>, %while3A_116#0 masked %reduce_sum3A_117 : vector<16xf32>, vector<16xi1> -> vector<16xf32>
      %reduce_sum3A_119 = vector.extract %reduce_sum3A_118[15] : f32 from vector<16xf32>
      %reduce_sum3A_120 = arith.constant true
      %reduce_sum3A_121 = vector.broadcast %reduce_sum3A_120 : i1 to vector<16xi1>
      %reduce_sum3A_122 = tpu.scan <sum>, %while3A_116#1 masked %reduce_sum3A_121 : vector<16xf32>, vector<16xi1> -> vector<16xf32>
      %reduce_sum3A_123 = vector.extract %reduce_sum3A_122[15] : f32 from vector<16xf32>
      %reduce_max3A_124 = arith.constant true
      %reduce_max3A_125 = vector.broadcast %reduce_max3A_124 : i1 to vector<16xi1>
      %reduce_max3A_126 = tpu.scan <max>, %while3A_116#2 masked %reduce_max3A_125 : vector<16xf32>, vector<16xi1> -> vector<16xf32>
      %reduce_max3A_127 = vector.extract %reduce_max3A_126[15] : f32 from vector<16xf32>
      %sub3A_128 = arith.subf %reduce_max3A_80, %reduce_max3A_67 : f32
      %max3A = arith.maximumf %reduce_max3A_127, %sub3A_128 : f32
      %add3A_129 = arith.addf %reduce_sum3A_123, %max3A : f32
      %sub3A_130 = arith.constant 5.000000e-01 : f32
      %sub3A_131 = arith.subf %add3A_129, %sub3A_130 : f32
      %broadcast_in_dim3A_132 = vector.broadcast %sub3A_131 : f32 to vector<16xf32>
      %add3A_133 = arith.constant 1.000000e+00 : f32
      %add3A_134 = arith.addf %reduce_sum3A_119, %add3A_133 : f32
      %broadcast_in_dim3A_135 = vector.broadcast %add3A_134 : f32 to vector<16xf32>
      %add3A_136 = arith.addf %max3A, %reduce_max3A_67 : f32
      %broadcast_in_dim3A_137 = vector.broadcast %add3A_136 : f32 to vector<16xf32>
      %div3A = arith.divf %broadcast_in_dim3A_132, %broadcast_in_dim3A_135 : vector<16xf32>
      %sub3A_138 = arith.subf %broadcast_in_dim3A_137, %div3A : vector<16xf32>
      %while3A_139 = arith.constant 0 : i32
      %while3A_140 = arith.subi %shift_right_logical3A_92, %while3A_139 : i32
      %while3A_141 = arith.addi %while3A_139, %while3A_140 : i32
      %while3A_142 = arith.constant 1 : i32
      %while3A_143 = arith.divsi %while3A_140, %while3A_142 : i32
      %while3A_144 = arith.muli %while3A_143, %while3A_142 : i32
      %while3A_145 = arith.addi %while3A_139, %while3A_144 : i32
      %while3A_146 = arith.constant 1 : i32
      %while3A_147 = scf.for %while3A_170 = %while3A_139 to %while3A_145 step %while3A_146 iter_args(%while3A_171 = %broadcast_in_dim3A_1) -> (vector<16xf32>)  : i32 {
        %mul3A_172 = arith.constant 16 : i32
        %mul3A_173 = arith.muli %while3A_170, %mul3A_172 : i32
        %get3A = arith.index_cast %mul3A_173 : i32 to index
        %get3A_174 = tpu.vector_load %arg7[%get3A] {strides = array<i32>} : memref<8208xf32, #tpu.memory_space<vmem>>, vector<16xf32>,
        %sub3A_175 = arith.subf %get3A_174, %sub3A_138 : vector<16xf32>
        %gt3A = arith.constant 0.000000e+00 : f32
        %gt3A_176 = vector.broadcast %gt3A : f32 to vector<16xf32>
        %gt3A_177 = arith.cmpf ogt, %sub3A_175, %gt3A_176 : vector<16xf32>
        %bitcast3A = vector.bitcast %sub3A_175 : vector<16xf32> to vector<16xi32>
        %shift_right_arithmetic3A = arith.constant 1 : i32
        %shift_right_arithmetic3A_178 = vector.broadcast %shift_right_arithmetic3A : i32 to vector<16xi32>
        %shift_right_arithmetic3A_179 = arith.shrsi %bitcast3A, %shift_right_arithmetic3A_178 : vector<16xi32>
        %add3A_180 = arith.constant 532487670 : i32
        %add3A_181 = vector.broadcast %add3A_180 : i32 to vector<16xi32>
        %add3A_182 = arith.addi %shift_right_arithmetic3A_179, %add3A_181 : vector<16xi32>
        %bitcast3A_183 = vector.bitcast %add3A_182 : vector<16xi32> to vector<16xf32>
        %div3A_184 = arith.divf %sub3A_175, %bitcast3A_183 : vector<16xf32>
        %add3A_185 = arith.addf %bitcast3A_183, %div3A_184 : vector<16xf32>
        %mul3A_186 = arith.constant 5.000000e-01 : f32
        %mul3A_187 = vector.broadcast %mul3A_186 : f32 to vector<16xf32>
        %mul3A_188 = arith.mulf %mul3A_187, %add3A_185 : vector<16xf32>
        %div3A_189 = arith.divf %sub3A_175, %mul3A_188 : vector<16xf32>
        %add3A_190 = arith.addf %mul3A_188, %div3A_189 : vector<16xf32>
        %mul3A_191 = arith.constant 5.000000e-01 : f32
        %mul3A_192 = vector.broadcast %mul3A_191 : f32 to vector<16xf32>
        %mul3A_193 = arith.mulf %mul3A_192, %add3A_190 : vector<16xf32>
        %div3A_194 = arith.divf %sub3A_175, %mul3A_193 : vector<16xf32>
        %add3A_195 = arith.addf %mul3A_193, %div3A_194 : vector<16xf32>
        %mul3A_196 = arith.constant 5.000000e-01 : f32
        %mul3A_197 = vector.broadcast %mul3A_196 : f32 to vector<16xf32>
        %mul3A_198 = arith.mulf %mul3A_197, %add3A_195 : vector<16xf32>
        %jit3A_199 = arith.constant 0.000000e+00 : f32
        %broadcast_in_dim3A_200 = vector.broadcast %jit3A_199 : f32 to vector<16xf32>
        %select_n3A_201 = arith.select %gt3A_177, %mul3A_198, %broadcast_in_dim3A_200 : vector<16xi1>, vector<16xf32>
        %mul3A_202 = arith.constant 16 : i32
        %mul3A_203 = arith.muli %while3A_170, %mul3A_202 : i32
        %swap3A_204 = arith.index_cast %mul3A_203 : i32 to index
        %swap3A_205 = tpu.vector_load %arg7[%swap3A_204] {strides = array<i32>} : memref<8208xf32, #tpu.memory_space<vmem>>, vector<16xf32>,
        tpu.vector_store %arg7[%swap3A_204], %select_n3A_201 {strides = array<i32>} : memref<8208xf32, #tpu.memory_space<vmem>>, vector<16xf32>,
        %add3A_206 = arith.addf %while3A_171, %select_n3A_201 : vector<16xf32>
        scf.yield %add3A_206 : vector<16xf32>
      }
      %while3A_148 = arith.constant 1 : i32
      %while3A_149 = scf.for %while3A_170 = %while3A_145 to %while3A_141 step %while3A_148 iter_args(%while3A_171 = %while3A_147) -> (vector<16xf32>)  : i32 {
        %mul3A_172 = arith.constant 16 : i32
        %mul3A_173 = arith.muli %while3A_170, %mul3A_172 : i32
        %get3A = arith.index_cast %mul3A_173 : i32 to index
        %get3A_174 = tpu.vector_load %arg7[%get3A] {strides = array<i32>} : memref<8208xf32, #tpu.memory_space<vmem>>, vector<16xf32>,
        %sub3A_175 = arith.subf %get3A_174, %sub3A_138 : vector<16xf32>
        %gt3A = arith.constant 0.000000e+00 : f32
        %gt3A_176 = vector.broadcast %gt3A : f32 to vector<16xf32>
        %gt3A_177 = arith.cmpf ogt, %sub3A_175, %gt3A_176 : vector<16xf32>
        %bitcast3A = vector.bitcast %sub3A_175 : vector<16xf32> to vector<16xi32>
        %shift_right_arithmetic3A = arith.constant 1 : i32
        %shift_right_arithmetic3A_178 = vector.broadcast %shift_right_arithmetic3A : i32 to vector<16xi32>
        %shift_right_arithmetic3A_179 = arith.shrsi %bitcast3A, %shift_right_arithmetic3A_178 : vector<16xi32>
        %add3A_180 = arith.constant 532487670 : i32
        %add3A_181 = vector.broadcast %add3A_180 : i32 to vector<16xi32>
        %add3A_182 = arith.addi %shift_right_arithmetic3A_179, %add3A_181 : vector<16xi32>
        %bitcast3A_183 = vector.bitcast %add3A_182 : vector<16xi32> to vector<16xf32>
        %div3A_184 = arith.divf %sub3A_175, %bitcast3A_183 : vector<16xf32>
        %add3A_185 = arith.addf %bitcast3A_183, %div3A_184 : vector<16xf32>
        %mul3A_186 = arith.constant 5.000000e-01 : f32
        %mul3A_187 = vector.broadcast %mul3A_186 : f32 to vector<16xf32>
        %mul3A_188 = arith.mulf %mul3A_187, %add3A_185 : vector<16xf32>
        %div3A_189 = arith.divf %sub3A_175, %mul3A_188 : vector<16xf32>
        %add3A_190 = arith.addf %mul3A_188, %div3A_189 : vector<16xf32>
        %mul3A_191 = arith.constant 5.000000e-01 : f32
        %mul3A_192 = vector.broadcast %mul3A_191 : f32 to vector<16xf32>
        %mul3A_193 = arith.mulf %mul3A_192, %add3A_190 : vector<16xf32>
        %div3A_194 = arith.divf %sub3A_175, %mul3A_193 : vector<16xf32>
        %add3A_195 = arith.addf %mul3A_193, %div3A_194 : vector<16xf32>
        %mul3A_196 = arith.constant 5.000000e-01 : f32
        %mul3A_197 = vector.broadcast %mul3A_196 : f32 to vector<16xf32>
        %mul3A_198 = arith.mulf %mul3A_197, %add3A_195 : vector<16xf32>
        %jit3A_199 = arith.constant 0.000000e+00 : f32
        %broadcast_in_dim3A_200 = vector.broadcast %jit3A_199 : f32 to vector<16xf32>
        %select_n3A_201 = arith.select %gt3A_177, %mul3A_198, %broadcast_in_dim3A_200 : vector<16xi1>, vector<16xf32>
        %mul3A_202 = arith.constant 16 : i32
        %mul3A_203 = arith.muli %while3A_170, %mul3A_202 : i32
        %swap3A_204 = arith.index_cast %mul3A_203 : i32 to index
        %swap3A_205 = tpu.vector_load %arg7[%swap3A_204] {strides = array<i32>} : memref<8208xf32, #tpu.memory_space<vmem>>, vector<16xf32>,
        tpu.vector_store %arg7[%swap3A_204], %select_n3A_201 {strides = array<i32>} : memref<8208xf32, #tpu.memory_space<vmem>>, vector<16xf32>,
        %add3A_206 = arith.addf %while3A_171, %select_n3A_201 : vector<16xf32>
        scf.yield %add3A_206 : vector<16xf32>
      }
      %broadcast_in_dim3A_150 = arith.constant 1.000000e+00 : f32
      %broadcast_in_dim3A_151 = vector.broadcast %broadcast_in_dim3A_150 : f32 to vector<16xf32>
      %reduce_sum3A_152 = arith.constant true
      %reduce_sum3A_153 = vector.broadcast %reduce_sum3A_152 : i1 to vector<16xi1>
      %reduce_sum3A_154 = tpu.scan <sum>, %while3A_149 masked %reduce_sum3A_153 : vector<16xf32>, vector<16xi1> -> vector<16xf32>
      %reduce_sum3A_155 = vector.extract %reduce_sum3A_154[15] : f32 from vector<16xf32>
      %broadcast_in_dim3A_156 = vector.broadcast %reduce_sum3A_155 : f32 to vector<16xf32>
      %div3A_157 = arith.divf %broadcast_in_dim3A_151, %broadcast_in_dim3A_156 : vector<16xf32>
      %while3A_158 = arith.constant 0 : i32
      %while3A_159 = arith.constant 0 : i32
      %while3A_160 = arith.subi %shift_right_logical3A_92, %while3A_158 : i32
      %while3A_161 = arith.addi %while3A_158, %while3A_160 : i32
      %while3A_162 = arith.constant 1 : i32
      %while3A_163 = arith.divsi %while3A_160, %while3A_162 : i32
      %while3A_164 = arith.muli %while3A_163, %while3A_162 : i32
      %while3A_165 = arith.addi %while3A_158, %while3A_164 : i32
      %while3A_166 = arith.constant 1 : i32
      %while3A_167 = scf.for %while3A_170 = %while3A_158 to %while3A_165 step %while3A_166 iter_args(%while3A_171 = %while3A_159) -> (i32)  : i32 {
        %mul3A_172 = arith.constant 16 : i32
        %mul3A_173 = arith.muli %while3A_170, %mul3A_172 : i32
        %get3A = arith.index_cast %mul3A_173 : i32 to index
        %get3A_174 = tpu.vector_load %arg7[%get3A] {strides = array<i32>} : memref<8208xf32, #tpu.memory_space<vmem>>, vector<16xf32>,
        %mul3A_175 = arith.mulf %get3A_174, %div3A_157 : vector<16xf32>
        %mul3A_176 = arith.constant 16 : i32
        %mul3A_177 = arith.muli %while3A_170, %mul3A_176 : i32
        %get3A_178 = arith.index_cast %mul3A_177 : i32 to index
        %get3A_179 = tpu.vector_load %arg8[%get3A_178] {strides = array<i32>} : memref<8208xi32, #tpu.memory_space<vmem>>, vector<16xi32>,
        %mul3A_180 = arith.constant 16 : i32
        %mul3A_181 = arith.muli %while3A_170, %mul3A_180 : i32
        %add3A_182 = vector.broadcast %mul3A_181 : i32 to vector<16xi32>
        %add3A_183 = arith.addi %iota3A, %add3A_182 : vector<16xi32>
        %lt3A_184 = vector.broadcast %scan3A_75#0 : i32 to vector<16xi32>
        %lt3A_185 = arith.cmpi slt, %add3A_183, %lt3A_184 : vector<16xi32>
        tpu.vector_store_idx %arg5[%get3A_179], %mul3A_175 masked %lt3A_185 : memref<32768xf32, #tpu.memory_space<vmem>>[vector<16xi32>], vector<16xf32>, vector<16xi1>
        %while3A_186 = arith.constant 0 : i32
        scf.yield %while3A_186 : i32
      }
      %while3A_168 = arith.constant 1 : i32
      %while3A_169 = scf.for %while3A_170 = %while3A_165 to %while3A_161 step %while3A_168 iter_args(%while3A_171 = %while3A_167) -> (i32)  : i32 {
        %mul3A_172 = arith.constant 16 : i32
        %mul3A_173 = arith.muli %while3A_170, %mul3A_172 : i32
        %get3A = arith.index_cast %mul3A_173 : i32 to index
        %get3A_174 = tpu.vector_load %arg7[%get3A] {strides = array<i32>} : memref<8208xf32, #tpu.memory_space<vmem>>, vector<16xf32>,
        %mul3A_175 = arith.mulf %get3A_174, %div3A_157 : vector<16xf32>
        %mul3A_176 = arith.constant 16 : i32
        %mul3A_177 = arith.muli %while3A_170, %mul3A_176 : i32
        %get3A_178 = arith.index_cast %mul3A_177 : i32 to index
        %get3A_179 = tpu.vector_load %arg8[%get3A_178] {strides = array<i32>} : memref<8208xi32, #tpu.memory_space<vmem>>, vector<16xi32>,
        %mul3A_180 = arith.constant 16 : i32
        %mul3A_181 = arith.muli %while3A_170, %mul3A_180 : i32
        %add3A_182 = vector.broadcast %mul3A_181 : i32 to vector<16xi32>
        %add3A_183 = arith.addi %iota3A, %add3A_182 : vector<16xi32>
        %lt3A_184 = vector.broadcast %scan3A_75#0 : i32 to vector<16xi32>
        %lt3A_185 = arith.cmpi slt, %add3A_183, %lt3A_184 : vector<16xi32>
        tpu.vector_store_idx %arg5[%get3A_179], %mul3A_175 masked %lt3A_185 : memref<32768xf32, #tpu.memory_space<vmem>>[vector<16xi32>], vector<16xf32>, vector<16xi1>
        %while3A_186 = arith.constant 0 : i32
        scf.yield %while3A_186 : i32
      }
    } else {
    }
    %not3A_96 = arith.constant true
    %not3A_97 = arith.xori %le3A_88, %not3A_96 : i1
    %convert_element_type3A_98 = arith.extui %not3A_97 : i1 to i32
    %cond3A_99 = arith.constant 0 : i32
    %cond3A_100 = arith.cmpi ne, %convert_element_type3A_98, %cond3A_99 : i32
    scf.if %cond3A_100 {
      %scan3A_101 = arith.constant 0 : i32
      %scan3A_102 = arith.constant 30 : i32
      %scan3A_103 = arith.addi %scan3A_101, %scan3A_102 : i32
      %scan3A_104 = arith.constant 1 : i32
      %scan3A_105:2 = scf.for %scan3A_155 = %scan3A_101 to %scan3A_103 step %scan3A_104 iter_args(%scan3A_156 = %sub3A_69, %scan3A_157 = %reduce_max3A_67) -> (f32, f32)  : i32 {
        %add3A_158 = arith.addf %scan3A_156, %scan3A_157 : f32
        %mul3A_159 = arith.constant 5.000000e-01 : f32
        %mul3A_160 = arith.mulf %mul3A_159, %add3A_158 : f32
        %scan3A_161 = arith.constant 0 : i32
        %scan3A_162 = arith.constant 2048 : i32
        %scan3A_163 = arith.addi %scan3A_161, %scan3A_162 : i32
        %scan3A_164 = arith.constant 1 : i32
        %scan3A_165 = scf.for %scan3A_174 = %scan3A_161 to %scan3A_163 step %scan3A_164 iter_args(%scan3A_175 = %broadcast_in_dim3A_1) -> (vector<16xf32>)  : i32 {
          %mul3A_176 = arith.constant 16 : i32
          %mul3A_177 = arith.muli %scan3A_174, %mul3A_176 : i32
          %get3A = arith.index_cast %mul3A_177 : i32 to index
          %get3A_178 = tpu.vector_load %arg4[%get3A] {strides = array<i32>} : memref<32768xf32, #tpu.memory_space<vmem>>, vector<16xf32>,
          %sub3A_179 = vector.broadcast %mul3A_160 : f32 to vector<16xf32>
          %sub3A_180 = arith.subf %get3A_178, %sub3A_179 : vector<16xf32>
          %max3A = arith.constant 0.000000e+00 : f32
          %max3A_181 = vector.broadcast %max3A : f32 to vector<16xf32>
          %max3A_182 = arith.maximumf %sub3A_180, %max3A_181 : vector<16xf32>
          %add3A_183 = arith.addf %scan3A_175, %max3A_182 : vector<16xf32>
          scf.yield %add3A_183 : vector<16xf32>
        }
        %scan3A_166 = arith.constant 2048 : i32
        %reduce_sum3A_167 = arith.constant true
        %reduce_sum3A_168 = vector.broadcast %reduce_sum3A_167 : i1 to vector<16xi1>
        %reduce_sum3A_169 = tpu.scan <sum>, %scan3A_165 masked %reduce_sum3A_168 : vector<16xf32>, vector<16xi1> -> vector<16xf32>
        %reduce_sum3A_170 = vector.extract %reduce_sum3A_169[15] : f32 from vector<16xf32>
        %ge3A = arith.constant 5.000000e-01 : f32
        %ge3A_171 = arith.cmpf oge, %reduce_sum3A_170, %ge3A : f32
        %select_n3A_172 = arith.select %ge3A_171, %mul3A_160, %scan3A_156 : f32
        %select_n3A_173 = arith.select %ge3A_171, %scan3A_157, %mul3A_160 : f32
        scf.yield %select_n3A_172, %select_n3A_173 : f32, f32
      }
      %scan3A_106 = arith.constant 30 : i32
      %scan3A_107 = arith.constant 0 : i32
      %scan3A_108 = arith.constant 2048 : i32
      %scan3A_109 = arith.addi %scan3A_107, %scan3A_108 : i32
      %scan3A_110 = arith.constant 1 : i32
      %scan3A_111:3 = scf.for %scan3A_155 = %scan3A_107 to %scan3A_109 step %scan3A_110 iter_args(%scan3A_156 = %broadcast_in_dim3A_1, %scan3A_157 = %broadcast_in_dim3A_1, %scan3A_158 = %broadcast_in_dim3A_3) -> (vector<16xf32>, vector<16xf32>, vector<16xf32>)  : i32 {
        %mul3A_159 = arith.constant 16 : i32
        %mul3A_160 = arith.muli %scan3A_155, %mul3A_159 : i32
        %get3A = arith.index_cast %mul3A_160 : i32 to index
        %get3A_161 = tpu.vector_load %arg4[%get3A] {strides = array<i32>} : memref<32768xf32, #tpu.memory_space<vmem>>, vector<16xf32>,
        %sub3A_162 = vector.broadcast %reduce_max3A_67 : f32 to vector<16xf32>
        %sub3A_163 = arith.subf %get3A_161, %sub3A_162 : vector<16xf32>
        %gt3A = vector.broadcast %scan3A_105#0 : f32 to vector<16xf32>
        %gt3A_164 = arith.cmpf ogt, %get3A_161, %gt3A : vector<16xf32>
        %jit3A_165 = arith.constant 1.000000e+00 : f32
        %jit3A_166 = arith.constant 0.000000e+00 : f32
        %broadcast_in_dim3A_167 = vector.broadcast %jit3A_165 : f32 to vector<16xf32>
        %broadcast_in_dim3A_168 = vector.broadcast %jit3A_166 : f32 to vector<16xf32>
        %select_n3A_169 = arith.select %gt3A_164, %broadcast_in_dim3A_167, %broadcast_in_dim3A_168 : vector<16xi1>, vector<16xf32>
        %add3A_170 = arith.addf %scan3A_156, %select_n3A_169 : vector<16xf32>
        %jit3A_171 = arith.constant 0.000000e+00 : f32
        %broadcast_in_dim3A_172 = vector.broadcast %jit3A_171 : f32 to vector<16xf32>
        %select_n3A_173 = arith.select %gt3A_164, %sub3A_163, %broadcast_in_dim3A_172 : vector<16xi1>, vector<16xf32>
        %add3A_174 = arith.addf %scan3A_157, %select_n3A_173 : vector<16xf32>
        %jit3A_175 = arith.constant -1.000000e+30 : f32
        %broadcast_in_dim3A_176 = vector.broadcast %jit3A_175 : f32 to vector<16xf32>
        %select_n3A_177 = arith.select %gt3A_164, %broadcast_in_dim3A_176, %sub3A_163 : vector<16xi1>, vector<16xf32>
        %max3A = arith.maximumf %scan3A_158, %select_n3A_177 : vector<16xf32>
        scf.yield %add3A_170, %add3A_174, %max3A : vector<16xf32>, vector<16xf32>, vector<16xf32>
      }
      %scan3A_112 = arith.constant 2048 : i32
      %reduce_sum3A = arith.constant true
      %reduce_sum3A_113 = vector.broadcast %reduce_sum3A : i1 to vector<16xi1>
      %reduce_sum3A_114 = tpu.scan <sum>, %scan3A_111#0 masked %reduce_sum3A_113 : vector<16xf32>, vector<16xi1> -> vector<16xf32>
      %reduce_sum3A_115 = vector.extract %reduce_sum3A_114[15] : f32 from vector<16xf32>
      %reduce_sum3A_116 = arith.constant true
      %reduce_sum3A_117 = vector.broadcast %reduce_sum3A_116 : i1 to vector<16xi1>
      %reduce_sum3A_118 = tpu.scan <sum>, %scan3A_111#1 masked %reduce_sum3A_117 : vector<16xf32>, vector<16xi1> -> vector<16xf32>
      %reduce_sum3A_119 = vector.extract %reduce_sum3A_118[15] : f32 from vector<16xf32>
      %reduce_max3A_120 = arith.constant true
      %reduce_max3A_121 = vector.broadcast %reduce_max3A_120 : i1 to vector<16xi1>
      %reduce_max3A_122 = tpu.scan <max>, %scan3A_111#2 masked %reduce_max3A_121 : vector<16xf32>, vector<16xi1> -> vector<16xf32>
      %reduce_max3A_123 = vector.extract %reduce_max3A_122[15] : f32 from vector<16xf32>
      %add3A_124 = arith.addf %reduce_sum3A_119, %reduce_max3A_123 : f32
      %sub3A_125 = arith.constant 5.000000e-01 : f32
      %sub3A_126 = arith.subf %add3A_124, %sub3A_125 : f32
      %broadcast_in_dim3A_127 = vector.broadcast %sub3A_126 : f32 to vector<16xf32>
      %add3A_128 = arith.constant 1.000000e+00 : f32
      %add3A_129 = arith.addf %reduce_sum3A_115, %add3A_128 : f32
      %broadcast_in_dim3A_130 = vector.broadcast %add3A_129 : f32 to vector<16xf32>
      %add3A_131 = arith.addf %reduce_max3A_123, %reduce_max3A_67 : f32
      %broadcast_in_dim3A_132 = vector.broadcast %add3A_131 : f32 to vector<16xf32>
      %div3A = arith.divf %broadcast_in_dim3A_127, %broadcast_in_dim3A_130 : vector<16xf32>
      %sub3A_133 = arith.subf %broadcast_in_dim3A_132, %div3A : vector<16xf32>
      %scan3A_134 = arith.constant 0 : i32
      %scan3A_135 = arith.constant 2048 : i32
      %scan3A_136 = arith.addi %scan3A_134, %scan3A_135 : i32
      %scan3A_137 = arith.constant 1 : i32
      %scan3A_138 = scf.for %scan3A_155 = %scan3A_134 to %scan3A_136 step %scan3A_137 iter_args(%scan3A_156 = %broadcast_in_dim3A_1) -> (vector<16xf32>)  : i32 {
        %mul3A_157 = arith.constant 16 : i32
        %mul3A_158 = arith.muli %scan3A_155, %mul3A_157 : i32
        %get3A = arith.index_cast %mul3A_158 : i32 to index
        %get3A_159 = tpu.vector_load %arg4[%get3A] {strides = array<i32>} : memref<32768xf32, #tpu.memory_space<vmem>>, vector<16xf32>,
        %sub3A_160 = arith.subf %get3A_159, %sub3A_133 : vector<16xf32>
        %gt3A = arith.constant 0.000000e+00 : f32
        %gt3A_161 = vector.broadcast %gt3A : f32 to vector<16xf32>
        %gt3A_162 = arith.cmpf ogt, %sub3A_160, %gt3A_161 : vector<16xf32>
        %bitcast3A = vector.bitcast %sub3A_160 : vector<16xf32> to vector<16xi32>
        %shift_right_arithmetic3A = arith.constant 1 : i32
        %shift_right_arithmetic3A_163 = vector.broadcast %shift_right_arithmetic3A : i32 to vector<16xi32>
        %shift_right_arithmetic3A_164 = arith.shrsi %bitcast3A, %shift_right_arithmetic3A_163 : vector<16xi32>
        %add3A_165 = arith.constant 532487670 : i32
        %add3A_166 = vector.broadcast %add3A_165 : i32 to vector<16xi32>
        %add3A_167 = arith.addi %shift_right_arithmetic3A_164, %add3A_166 : vector<16xi32>
        %bitcast3A_168 = vector.bitcast %add3A_167 : vector<16xi32> to vector<16xf32>
        %div3A_169 = arith.divf %sub3A_160, %bitcast3A_168 : vector<16xf32>
        %add3A_170 = arith.addf %bitcast3A_168, %div3A_169 : vector<16xf32>
        %mul3A_171 = arith.constant 5.000000e-01 : f32
        %mul3A_172 = vector.broadcast %mul3A_171 : f32 to vector<16xf32>
        %mul3A_173 = arith.mulf %mul3A_172, %add3A_170 : vector<16xf32>
        %div3A_174 = arith.divf %sub3A_160, %mul3A_173 : vector<16xf32>
        %add3A_175 = arith.addf %mul3A_173, %div3A_174 : vector<16xf32>
        %mul3A_176 = arith.constant 5.000000e-01 : f32
        %mul3A_177 = vector.broadcast %mul3A_176 : f32 to vector<16xf32>
        %mul3A_178 = arith.mulf %mul3A_177, %add3A_175 : vector<16xf32>
        %div3A_179 = arith.divf %sub3A_160, %mul3A_178 : vector<16xf32>
        %add3A_180 = arith.addf %mul3A_178, %div3A_179 : vector<16xf32>
        %mul3A_181 = arith.constant 5.000000e-01 : f32
        %mul3A_182 = vector.broadcast %mul3A_181 : f32 to vector<16xf32>
        %mul3A_183 = arith.mulf %mul3A_182, %add3A_180 : vector<16xf32>
        %jit3A_184 = arith.constant 0.000000e+00 : f32
        %broadcast_in_dim3A_185 = vector.broadcast %jit3A_184 : f32 to vector<16xf32>
        %select_n3A_186 = arith.select %gt3A_162, %mul3A_183, %broadcast_in_dim3A_185 : vector<16xi1>, vector<16xf32>
        %mul3A_187 = arith.constant 16 : i32
        %mul3A_188 = arith.muli %scan3A_155, %mul3A_187 : i32
        %swap3A_189 = arith.index_cast %mul3A_188 : i32 to index
        %swap3A_190 = tpu.vector_load %arg5[%swap3A_189] {strides = array<i32>} : memref<32768xf32, #tpu.memory_space<vmem>>, vector<16xf32>,
        tpu.vector_store %arg5[%swap3A_189], %select_n3A_186 {strides = array<i32>} : memref<32768xf32, #tpu.memory_space<vmem>>, vector<16xf32>,
        %add3A_191 = arith.addf %scan3A_156, %select_n3A_186 : vector<16xf32>
        scf.yield %add3A_191 : vector<16xf32>
      }
      %scan3A_139 = arith.constant 2048 : i32
      %broadcast_in_dim3A_140 = arith.constant 1.000000e+00 : f32
      %broadcast_in_dim3A_141 = vector.broadcast %broadcast_in_dim3A_140 : f32 to vector<16xf32>
      %reduce_sum3A_142 = arith.constant true
      %reduce_sum3A_143 = vector.broadcast %reduce_sum3A_142 : i1 to vector<16xi1>
      %reduce_sum3A_144 = tpu.scan <sum>, %scan3A_138 masked %reduce_sum3A_143 : vector<16xf32>, vector<16xi1> -> vector<16xf32>
      %reduce_sum3A_145 = vector.extract %reduce_sum3A_144[15] : f32 from vector<16xf32>
      %broadcast_in_dim3A_146 = vector.broadcast %reduce_sum3A_145 : f32 to vector<16xf32>
      %div3A_147 = arith.divf %broadcast_in_dim3A_141, %broadcast_in_dim3A_146 : vector<16xf32>
      %scan3A_148 = arith.constant 0 : i32
      %scan3A_149 = arith.constant 0 : i32
      %scan3A_150 = arith.constant 2048 : i32
      %scan3A_151 = arith.addi %scan3A_149, %scan3A_150 : i32
      %scan3A_152 = arith.constant 1 : i32
      %scan3A_153 = scf.for %scan3A_155 = %scan3A_149 to %scan3A_151 step %scan3A_152 iter_args(%scan3A_156 = %scan3A_148) -> (i32)  : i32 {
        %mul3A_157 = arith.constant 16 : i32
        %mul3A_158 = arith.muli %scan3A_155, %mul3A_157 : i32
        %get3A = arith.index_cast %mul3A_158 : i32 to index
        %get3A_159 = tpu.vector_load %arg5[%get3A] {strides = array<i32>} : memref<32768xf32, #tpu.memory_space<vmem>>, vector<16xf32>,
        %mul3A_160 = arith.mulf %get3A_159, %div3A_147 : vector<16xf32>
        %mul3A_161 = arith.constant 16 : i32
        %mul3A_162 = arith.muli %scan3A_155, %mul3A_161 : i32
        %swap3A_163 = arith.index_cast %mul3A_162 : i32 to index
        %swap3A_164 = tpu.vector_load %arg5[%swap3A_163] {strides = array<i32>} : memref<32768xf32, #tpu.memory_space<vmem>>, vector<16xf32>,
        tpu.vector_store %arg5[%swap3A_163], %mul3A_160 {strides = array<i32>} : memref<32768xf32, #tpu.memory_space<vmem>>, vector<16xf32>,
        %scan3A_165 = arith.constant 0 : i32
        scf.yield %scan3A_165 : i32
      }
      %scan3A_154 = arith.constant 2048 : i32
    } else {
    }
    "tpu.region"() ({
      %run_scoped3A = tpu.sem_alloc : memref<!tpu.dma_semaphore, #tpu.memory_space<semaphore_mem>>
      %dma_start3A = arith.constant 0 : i32
      %dma_start3A_101 = tpu.memref_slice %arg3[%add3A_57, %dma_start3A] : memref<64x32768xf32, #tpu.memory_space<hbm>> -> memref<1x32768xf32, #tpu.memory_space<hbm>>
      %dma_start3A_102 = tpu.memref_squeeze %dma_start3A_101 : memref<1x32768xf32, #tpu.memory_space<hbm>> -> memref<32768xf32, #tpu.memory_space<hbm>>
      %dma_start3A_103 = arith.constant 0 : i32
      %dma_start3A_104 = tpu.memref_slice %arg3[%add3A_57, %dma_start3A_103] : memref<64x32768xf32, #tpu.memory_space<hbm>> -> memref<1x32768xf32, #tpu.memory_space<hbm>>
      %dma_start3A_105 = tpu.memref_squeeze %dma_start3A_104 : memref<1x32768xf32, #tpu.memory_space<hbm>> -> memref<32768xf32, #tpu.memory_space<hbm>>
      tpu.enqueue_dma source(%arg5 : memref<32768xf32, #tpu.memory_space<vmem>>) target(%dma_start3A_105 : memref<32768xf32, #tpu.memory_space<hbm>>) target_semaphore(%run_scoped3A : memref<!tpu.dma_semaphore, #tpu.memory_space<semaphore_mem>>)
      %dma_wait3A = arith.constant 0 : i32
      %dma_wait3A_106 = tpu.memref_slice %arg3[%add3A_57, %dma_wait3A] : memref<64x32768xf32, #tpu.memory_space<hbm>> -> memref<1x32768xf32, #tpu.memory_space<hbm>>
      %dma_wait3A_107 = tpu.memref_squeeze %dma_wait3A_106 : memref<1x32768xf32, #tpu.memory_space<hbm>> -> memref<32768xf32, #tpu.memory_space<hbm>>
      %dma_wait3A_108 = arith.constant 0 : i32
      %dma_wait3A_109 = tpu.memref_slice %arg3[%add3A_57, %dma_wait3A_108] : memref<64x32768xf32, #tpu.memory_space<hbm>> -> memref<1x32768xf32, #tpu.memory_space<hbm>>
      %dma_wait3A_110 = tpu.memref_squeeze %dma_wait3A_109 : memref<1x32768xf32, #tpu.memory_space<hbm>> -> memref<32768xf32, #tpu.memory_space<hbm>>
      tpu.wait_dma2 semaphore(%run_scoped3A : memref<!tpu.dma_semaphore, #tpu.memory_space<semaphore_mem>>) src(%arg5 : memref<32768xf32, #tpu.memory_space<vmem>>) dst(%dma_wait3A_110 : memref<32768xf32, #tpu.memory_space<hbm>>)
      tpu.yield
    }) : () -> ()
    return
  }
}

</mosaic_0001>

<sc_bundles>
// kernel: kernel.3.cloned.1.call-start
scs
__scs_entry_jumppad:
0x0: {  	(pc) =	sbr.rel $0x88, $3  }
0x1: {  	(tag) =	ssettag $0x0;
	lr =	simm.s32 $0x1  }
0x2: {  	[smem:$0x3FA0] =	sst lr;
	_ =	strace $0xD0000000  }
0x3: {  	_ = 	snop  }
0x4: {  	_ = 	snop  }
0x5: {  	_ = 	snop  }
0x6: {  	_ = 	snop  }
0x7: {  	_ = 	snop  }
__scs_overlays_trampoline_lowered:
0x8: {  	[smem:$0x3FAF] =	sst s0  }
0x9: {  	[smem:$0x3FB0] =	sst s1  }
0xa: {  	[smem:$0x3FB1] =	sst s2  }
0xb: {  	[smem:$0x3FB2] =	sst s3  }
0xc: {  	[smem:$0x3FB3] =	sst s4  }
0xd: {  	[smem:$0x3FB4] =	sst s5  }
0xe: {  	[smem:$0x3FB5] =	sst s6  }
0xf: {  	[smem:$0x3FB6] =	sst s7  }
0x10: {  	[smem:$0x3FB7] =	sst s8  }
0x11: {  	[smem:$0x3FB8] =	sst s9;
	s0 =	simm.s32 @!p0 $0x0  }
0x12: {  	s1 =	sld [smem:$0x3F9E];
	s0 =	simm.s32 @p0 $0x1  }
0x13: {  	[smem:$0x3FB9] =	sst s0;
	s0 =	simm.s32 @!p1 $0x0  }
0x14: {  	s2 =	sld [smem:$0x3F9D];
	s0 =	simm.s32 @p1 $0x1  }
0x15: {  	[smem:$0x3FBA] =	sst s0;
	s0 =	simm.s32 @!p2 $0x0  }
0x16: {  	s3 =	sld [smem:$0x3FDB];
	s0 =	simm.s32 @p2 $0x1  }
0x17: {  	s4 =	simm.s32 $0x1BF5;
	[smem:$0x3FBC] =	sst s0  }
0x18: {  	s0 =	sld [smem:$0x3F9F];
	_ =	swait.ge [sflag:s4], $0x0  }
0x19: {  	s7 =	sld [smem:$0x3FA0]  }
0x1a: {  	s8 =	sadd.s32 $0xFFFFE003, lr  }
0x1b: {  	s9 =	sadd.s32 $0xFFFFFEF7, lr;
	s5 =	simm.s32 $0xFFFFFFFF;
	p2 =	slt.u32 s8, $0xFFFFF086  }
0x1c: {  	p1 =	slt.u32 s9, $0xF7A;
	s5 =	simm.s32 @!p2 $0x0  }
0x1d: {  	s5 =	simm.s32 @p1 $0x1;
	p0 =	seq.s32 s7, s2  }
0x1e: {  	s7 =	smul.u32 @!p0 $0xF7A, s2;
	p2 =	seq.s32 @!p0 s5, $0x0  }
0x1f: {  	s9 =	smul.u32 $0xF7A, s1;
	s8 =	simm.s32 @!p0 $0x1BF5;
	p2 =	por !p2, p0  }
0x20: {  	[sflag:s8] =	ssyncset.s32 @!p0 $0xFFFFF086;
	s6 =	sadd.s32 @!p0 s3, s7;
	s7 =	simm.s32 @!p0 $0x108  }
0x21: {  	s3 =	sadd.s32 s3, s9;
	s6 =	sadd.s32 @!p0 $0x88, s6;
	s7 =	simm.s32 @p2 $0x1082  }
0x22: {  	[simem:s7], [sflag:s8] =	dma.local @!p0 [hbm:s6], $0xF7A  }
0x23: {  	s9 =	sor.u32 $0xD0000000, s2;
	s6 =	simm.s32 $0x108;
	_ =	swait.ge @!p0 [sflag:s8], $0x0  }
0x24: {  	s3 =	sadd.s32 $0x88, s3;
	s6 =	simm.s32 @!p1 $0x1082;
	[sflag:s4] =	ssyncset.s32 $0xFFFFF086  }
0x25: {  	[simem:s6], [sflag:s4] =	dma.local [hbm:s3], $0xF7A  }
0x26: {  	[smem:$0x3FA0] =	sst s1;
	(tag) =	ssettag s2;
	_ =	strace s9  }
0x27: {  	s1 =	sld [smem:$0x3FB0]  }
0x28: {  	s2 =	sld [smem:$0x3FB1]  }
0x29: {  	s4 =	sld [smem:$0x3FB3]  }
0x2a: {  	p0 =	seq.s32 s5, $0x0;
	s5 =	sld [smem:$0x3FB4]  }
0x2b: {  	s6 =	sld [smem:$0x3FB5]  }
0x2c: {  	s7 =	sld [smem:$0x3FB6]  }
0x2d: {  	s3 =	simm.s32 $0x108;
	s8 =	sld [smem:$0x3FB7]  }
0x2e: {  	s3 =	simm.s32 @!p0 $0x1082;
	s9 =	sld [smem:$0x3FB8]  }
0x2f: {  	lr =	sadd.s32 s0, s3;
	s0 =	sld [smem:$0x3FAF]  }
0x30: {  	s3 =	sld [smem:$0x3FB2]  }
0x31: {  	[smem:$0x3FBB] =	sst s10  }
0x32: {  	s10 =	sld [smem:$0x3FB9];
	_ =	sdelay $0x3  }
0x33: {  	p0 =	seq.s32 s10, $0x1;
	s10 =	sld [smem:$0x3FBB];
	_ =	sdelay $0x3  }
0x34: {  	[smem:$0x3FBB] =	sst s10  }
0x35: {  	s10 =	sld [smem:$0x3FBA];
	_ =	sdelay $0x3  }
0x36: {  	p1 =	seq.s32 s10, $0x1;
	s10 =	sld [smem:$0x3FBB];
	_ =	sdelay $0x3  }
0x37: {  	[smem:$0x3FBB] =	sst s10  }
0x38: {  	s10 =	sld [smem:$0x3FBC]  }
0x39: {  	_ = 	snop;
	(pc) =	sbr.ind lr, $3  }
0x3a: {  	_ = 	snop  }
0x3b: {  	_ = 	snop  }
0x3c: {  	p2 =	seq.s32 s10, $0x1;
	s10 =	sld [smem:$0x3FBB]  }
0x3d: {  	_ =	shalt  }
0x3e: {  	_ =	shalt  }
0x3f: {  	_ =	shalt  }
0x40: {  	_ =	shalt  }
0x41: {  	_ =	shalt  }
0x42: {  	_ =	shalt  }
0x43: {  	_ =	shalt  }
0x44: {  	_ =	shalt  }
0x45: {  	_ =	shalt  }
0x46: {  	_ =	shalt  }
0x47: {  	_ =	shalt  }
0x48: {  	_ =	shalt  }
0x49: {  	_ =	shalt  }
0x4a: {  	_ =	shalt  }
0x4b: {  	_ =	shalt  }
0x4c: {  	_ =	shalt  }
0x4d: {  	_ =	shalt  }
0x4e: {  	_ =	shalt  }
0x4f: {  	_ =	shalt  }
0x50: {  	_ =	shalt  }
0x51: {  	_ =	shalt  }
0x52: {  	_ =	shalt  }
0x53: {  	_ =	shalt  }
0x54: {  	_ =	shalt  }
0x55: {  	_ =	shalt  }
0x56: {  	_ =	shalt  }
0x57: {  	_ =	shalt  }
0x58: {  	_ =	shalt  }
0x59: {  	_ =	shalt  }
0x5a: {  	_ =	shalt  }
0x5b: {  	_ =	shalt  }
0x5c: {  	_ =	shalt  }
0x5d: {  	_ =	shalt  }
0x5e: {  	_ =	shalt  }
0x5f: {  	_ =	shalt  }
0x60: {  	_ =	shalt  }
0x61: {  	_ =	shalt  }
0x62: {  	_ =	shalt  }
0x63: {  	_ =	shalt  }
0x64: {  	_ =	shalt  }
0x65: {  	_ =	shalt  }
0x66: {  	_ =	shalt  }
0x67: {  	_ =	shalt  }
0x68: {  	_ =	shalt  }
0x69: {  	_ =	shalt  }
0x6a: {  	_ =	shalt  }
0x6b: {  	_ =	shalt  }
0x6c: {  	_ =	shalt  }
0x6d: {  	_ =	shalt  }
0x6e: {  	_ =	shalt  }
0x6f: {  	_ =	shalt  }
0x70: {  	_ =	shalt  }
0x71: {  	_ =	shalt  }
0x72: {  	_ =	shalt  }
0x73: {  	_ =	shalt  }
0x74: {  	_ =	shalt  }
0x75: {  	_ =	shalt  }
0x76: {  	_ =	shalt  }
0x77: {  	_ =	shalt  }
0x78: {  	_ =	shalt  }
0x79: {  	_ =	shalt  }
0x7a: {  	_ =	shalt  }
0x7b: {  	_ =	shalt  }
0x7c: {  	_ =	shalt  }
0x7d: {  	_ =	shalt  }
0x7e: {  	_ =	shalt  }
0x7f: {  	_ =	shalt  }
0x80: {  	_ =	shalt  }
0x81: {  	_ =	shalt  }
0x82: {  	_ =	shalt  }
0x83: {  	_ =	shalt  }
0x84: {  	_ =	shalt  }
0x85: {  	_ =	shalt  }
0x86: {  	_ =	shalt  }
0x87: {  	_ =	shalt  }
.Lfunc_end0:
.L_simem_size_0:
called_computation_lowered:
.L_overlay_start_0:
0x88: {  	s2 =	sld [smem:$0x3FD9]  }
0x89: {  	s3 =	sld [smem:$0x3FFE];
	_ =	sdelay $0x1  }
0x8a: {  	s1 =	srdreg.scid  }
0x8b: {  	s0 =	sand.u32 $0x1, s1  }
0x8c: {  	s18 =	sshll.u32 s0, $0xA;
	s2 =	sadd.s32 s3, s2  }
0x8d: {  	s2 =	sadd.s32 s2, s18  }
0x8e: {  	[smem:$0x3FC7] =	sst s2  }
0x8f: {  	_ = 	snop  }
0x90: {  	s2 =	sld [smem:$0x3FC9]  }
0x91: {  	s19 =	sld [smem:$0x3FD0];
	(tm) =	ssettm $0x1  }
0x92: {  	s4 =	sld [smem:$0x3FFB];
	_ =	sdelay $0x3  }
0x93: {  	_ =	strace s4  }
0x94: {  	s4 =	sld [smem:$0x3FFC];
	_ =	sdelay $0x3  }
0x95: {  	_ =	strace s4  }
0x96: {  	s4 =	sld [smem:$0x3FFD];
	_ =	sdelay $0x3  }
0x97: {  	_ =	strace s4  }
0x98: {  	_ =	strace $0x8FFFFFFF  }
0x99: {  	s20 =	sld [smem:$0x3FDB];
	_ =	sdelay $0x1  }
0x9a: {  	s5 =	simm.s32 $_scs_section_size  }
0x9b: {  	s6 =	simm.s32 $_size__tile_overlayer_lowered;
	s7 =	simm.s32 $_tile_overlayer_lowered  }
0x9c: {  	s23 =	simm.s32 $0x1BFF;
	s22 =	sshll.u32 s7, $0x1;
	s4 =	sadd.s32 s5, s20  }
0x9d: {  	s8 =	simm.s32 $0x0;
	s21 =	sshll.u32 s6, $0x1;
	s6 =	sadd.s32 s22, s4  }
0x9e: {  	[timem:s8], [sflag:s23] =	dma.local [hbm:s6], s21  }
0x9f: {  	_ =	swait.ge [sflag:s23], s21  }
0xa0: {  	s5 =	ssub.s32 $0x0, s21;
	[sflag:s23] =	ssyncset.done $0x0  }
0xa1: {  	[sflag:s23] =	ssyncadd.s32 s5;
	_ =	sdelay $0x1  }
0xa2: {  	s24 =	simm.s32 $0x1B8B  }
0xa3: {  	_ =	swait.ge [sflag:s24], $0x1  }
0xa4: {  	[sflag:s24] =	ssyncset.done $0x0  }
0xa5: {  	s25 =	simm.s32 $0x1B8E;
	[sflag:s24] =	ssyncadd.s32 $0xFFFFFFFF  }
0xa6: {  	s26 =	simm.s32 $execute0_lowered;
	[smem:$0x3FD2] =	sst s25  }
0xa7: {  	s5 =	sshll.u32 s26, $0x1;
	_ =	strace $0x80000046;
	[dreg:$0x1] =	wrdreg $0xFFFFFFFF  }
0xa8: {  	s28 =	simm.s32 $_size_execute0_lowered;
	s4 =	sadd.s32 s4, s5;
	[dreg:$0x0] =	wrdreg $0x0  }
0xa9: {  	s5 =	sshll.u32 s28, $0x1;
	[dreg:$0x2] =	wrdreg s4  }
0xaa: {  	[dreg:$0x3] =	wrdreg s5  }
0xab: {  	[dreg:$0x4] =	wrdreg $0xC0  }
0xac: {  	_ =	task [dreg:s8], $0x5FFFF  }
0xad: {  	[dreg:$0x1] =	wrdreg $0xFFFFFFFF  }
0xae: {  	[dreg:$0x0] =	wrdreg $0x60  }
0xaf: {  	[dreg:$0x2] =	wrdreg s2  }
0xb0: {  	[dreg:$0x3] =	wrdreg s19  }
0xb1: {  	[dreg:$0x4] =	wrdreg $0x9  }
0xb2: {  	_ =	task.clear_ibuf [dreg:s8], $0x5FFFF;
	_ =	strace $0x90000046  }
0xb3: {  	s29 =	simm.s32 $0x9;
	_ =	strace $0x80000048  }
0xb4: {  	_ =	swait.ge [sflag:s29], $0x1  }
0xb5: {  	[sflag:s29] =	ssyncadd.s32 $0xFFFFFFFF  }
0xb6: {  	_ =	strace $0x90000048  }
0xb7: {  	_ =	sfence  }
0xb8: {  	s30 =	sld [smem:$0x0];
	_ =	sdelay $0x2  }
0xb9: {  	s31 =	sshll.u32 s1, $0xD;
	s1 =	sshrl.u32 s1, $0x2  }
0xba: {  	s3 =	sand.u32 $0x4000, s31;
	s1 =	sadd.s32 s1, s30  }
0xbb: {  	s0 =	sor.u32 s3, s0;
	s1 =	sshll.u32 s1, $0x11  }
0xbc: {  	s0 =	sor.u32 s1, s0  }
0xbd: {  	s0 =	sadd.s32 $0x8F2B, s0  }
0xbe: {  	[sflag:s0] =	ssyncadd.remote.s32 $0x1  }
0xbf: {  	_ =	sfence.sel $0xFFFF  }
0xc0: {  	[dreg:$0x0] =	wrdreg $0xFFFFFFFF;
	(pc) =	sbr.abs _section_cstart, $3  }
0xc1: {  	[dreg:$0x1] =	wrdreg $0xFFFFFFFF  }
0xc2: {  	_ =	task.clear_ibuf [dreg:s8], $0x2FFFF;
	_ =	strace $0x9FFFFFFF  }
0xc3: {  	(tm) =	ssettm $0x7FFFFFFF  }
tec
execute0_lowered:
.L_overlay_start_1:
0x0: {  	(tag) =	ssettag $0x1  }
0x1: {  	s5 =	rddreg [dreg:$0x0]  }
0x2: {  	s6 =	rddreg [dreg:$0x1]  }
0x3: {  	s0 =	rddreg [dreg:$0x2];
	s3 =	srdreg.scid;
	s2 =	simm.s32 $0x0  }
0x4: {  	s1 =	stileid.u32;
	s10 =	simm.s32 $0x1;
	s11 =	simm.s32 $0x11000  }
0x5: {  	s12 =	simm.s32 $0x13080;
	s13 =	simm.s32 $0x8000;
	s3 =	sand.u32 $0x1, s3  }
0x6: {  	[smem:$0x7FF] =	sst s2;
	s7 =	sshll.u32 s1, $0x6;
	s8 =	sshll.u32 s1, $0xE  }
0x7: {  	s4 =	ssub.s32 $0x2, s3;
	s3 =	sshll.u32 s3, $0x5;
	s7 =	sand.u32 $0x40, s7  }
.Ltmp0:
0x8: {  	s8 =	sand.u32 $0x38000, s8;
	s3 =	sor.u32 s3, s7;
	(pc) =	sbr.rel .LBB2_1-.Ltmp0, $4  }
0x9: {  	_ =	strace $0x80000047;
	s9 =	sshrl.u32 s4, $0x1;
	s8 =	sor.u32 s8, s3  }
0xa: {  	s31 =	ssub.s32 s4, s9;
	s9 =	simm.s32 $0x400;
	s3 =	sadd.s32 s5, s8  }
0xb: {  	v0 =	vimm.f32 $0.0e+00;
	s4 =	sadd.s32 s6, s8;
	s8 =	sor.u32 $0x10, s8;
	s7 =	smax.u32 s31, $0x1  }
0xc: {  	v1 =	vimm.s32 $0x0;
	v2 =	vlaneseq.u32;
	v3 =	vimm.f32 $-1.000000020e+30;
	s5 =	sadd.s32 s5, s8;
	s6 =	sadd.s32 s6, s8;
	s8 =	simm.s32 $0x80  }
.LBB2_82:
0xd: {  	v7 =	vld [tilespmem:s14+$0x0];
	v8 =	vor.u32 s16, v2  }
0xe: {  	vm0 =	vlt.s32 v8, v5;
	_ =	sdelay $0x3  }
0xf: {  	v4 =	vmul.f32 v7, v4;
	_ =	sdelay $0x1  }
0x10: {  	[tilespmem:v6+s13+$0x0] =	vst.idx.msk vm0, v4  }
.LBB2_83:
0x11: {  	s2 =	sadd.s32 $0x1, s2  }
0x12: {  	p0 =	sne.s32 s2, s7  }
.Ltmp1:
0x13: {  	_ = 	snop;
	(pc) =	sbr.rel @!p0 .LBB2_84-.Ltmp1, $4  }
0x14: {  	[hbm4b:s6+s8] =	stream.strided.scatter [tilespmem:s13], [sflag:$0x1], $0x8000, s9, s8, $0x38;
	[tilespmem:$0x15100] =	vst v63  }
0x15: {  	_ =	swait.ge [sflag:s10], $0x8000  }
0x16: {  	[sflag:s10] =	ssyncset.done $0x0  }
0x17: {  	[sflag:s10] =	ssyncadd.s32 $0xFFFF8000  }
.LBB2_1:
0x18: {  	s14 =	simm.s32 $0x40;
	s15 =	simm.s32 $0x0  }
.LBB2_2:
0x19: {  	p0 =	sne.s32 s14, $0x1FFC0;
	[tilespmem:s15+$0x8000] =	vst v0;
	s15 =	smov.u32 s14;
	s14 =	sadd.s32 $0x40, s14  }
.Ltmp2:
0x1a: {  	(pc) =	sbr.rel @p0 .LBB2_2-.Ltmp2, $2  }
0x1b: {  	_ =	sdelay $0x2  }
0x1c: {  	s15 =	sshra.s32 s15, $0x2  }
0x1d: {  	[tilespmem:s15+$0x8000] =	vst v0;
	s14 =	simm.s32 $0x0  }
0x1e: {  	[tilespmem:s14], [sflag:$0x1] =	stream.strided.gather [hbm4b:s3+s8], $0x8000, s9, s8, $0x38;
	[tilespmem:$0x15100] =	vst v63  }
0x1f: {  	_ =	swait.ge [sflag:s10], $0x8000  }
0x20: {  	[sflag:s10] =	ssyncset.done $0x0  }
0x21: {  	s15 =	simm.s32 $0x40;
	[sflag:s10] =	ssyncadd.s32 $0xFFFF8000  }
0x22: {  	v4 =	vimm.f32 $-1.000000020e+30;
	s16 =	simm.s32 $0x40;
	v5 =	vld [tilespmem:s15+$0xFFFFFFC0]  }
.LBB2_4:
0x23: {  	p0 =	sne.s32 s16, $0x3FC0;
	v6 =	vld [tilespmem:s15+$0xFFFFFFD0]  }
0x24: {  	v7 =	vld [tilespmem:s15+$0xFFFFFFE0]  }
0x25: {  	v8 =	vld [tilespmem:s15+$0xFFFFFFF0]  }
0x26: {  	v9 =	vld [tilespmem:s15+$0x0]  }
0x27: {  	v5 =	vmax.f32 v5, $-1.000000020e+30;
	v10 =	vld [tilespmem:s15+$0x10]  }
0x28: {  	v5 =	vmax.f32 v5, v6;
	v6 =	vld [tilespmem:s15+$0x20]  }
0x29: {  	v5 =	vmax.f32 v5, v7;
	v7 =	vld [tilespmem:s15+$0x30]  }
0x2a: {  	v5 =	vmax.f32 v5, v8  }
0x2b: {  	v5 =	vmax.f32 v5, v9  }
.Ltmp3:
0x2c: {  	v5 =	vmax.f32 v5, v10;
	(pc) =	sbr.rel @p0 .LBB2_4-.Ltmp3, $4  }
0x2d: {  	v5 =	vmax.f32 v5, v6  }
0x2e: {  	s17 =	sshra.s32 s14, $0x2;
	s14 =	smov.u32 s16;
	v5 =	vmax.f32 v5, v7  }
0x2f: {  	s15 =	sadd.s32 $0x80, s15;
	[tilespmem:s17+$0x10000] =	vst v5;
	v4 =	vmax.f32 v4, v5  }
0x30: {  	s16 =	sadd.s32 $0x40, s16;
	v5 =	vld [tilespmem:s15+$0xFFFFFFC0]  }
0x31: {  	v6 =	vld [tilespmem:s15+$0xFFFFFFD0]  }
0x32: {  	v7 =	vld [tilespmem:s15+$0xFFFFFFE0]  }
0x33: {  	v8 =	vld [tilespmem:s15+$0xFFFFFFF0]  }
0x34: {  	v9 =	vld [tilespmem:s15+$0x0]  }
0x35: {  	v10 =	vld [tilespmem:s15+$0x10];
	v5 =	vmax.f32 v5, $-1.000000020e+30  }
0x36: {  	v5 =	vmax.f32 v5, v6;
	v6 =	vld [tilespmem:s15+$0x20]  }
0x37: {  	v5 =	vmax.f32 v5, v7;
	v7 =	vld [tilespmem:s15+$0x30]  }
0x38: {  	v5 =	vmax.f32 v5, v8  }
0x39: {  	v5 =	vmax.f32 v5, v9  }
0x3a: {  	v5 =	vmax.f32 v5, v10  }
0x3b: {  	v5 =	vmax.f32 v5, v6  }
0x3c: {  	v5 =	vmax.f32 v5, v7  }
0x3d: {  	v4 =	vmax.f32 v4, v5  }
0x3e: {  	(xrf0) =	vmax.scan.msk.f32 $0xffff, v4;
	_ =	sdelay $0x5  }
0x3f: {  	v4, _, _ =	vpop (xrf0)  }
0x40: {  	(v2sf) =	vpush v4, $0xF;
	_ =	sdelay $0xd  }
.Ltmp4:
0x41: {  	_ = 	snop;
	(pc) =	sbr.rel .LBB2_6-.Ltmp4, $4  }
0x42: {  	s16 =	spop (v2sf)  }
0x43: {  	s17 =	sadd.f32 $-5.000000000e-01, s16  }
0x44: {  	s31 =	sshra.s32 s14, $0x2;
	s14 =	simm.s32 $0x0  }
0x45: {  	s18 =	simm.s32 $0x10000;
	s19 =	simm.s32 $0x40;
	s15 =	simm.s32 $0x70;
	v6 =	vimm.f32 $-1.000000020e+30;
	[tilespmem:s31+$0x10000] =	vst v5;
	v5 =	vmov s17  }
.LBB2_8:
0x46: {  	v6 =	vmax.f32 v6, v7  }
.LBB2_9:
0x47: {  	s15 =	sadd.s32 $0x80, s15  }
0x48: {  	p0 =	sne.s32 s15, $0x8070  }
.Ltmp5:
0x49: {  	_ = 	snop;
	(pc) =	sbr.rel @!p0 .LBB2_10-.Ltmp5, $2  }
0x4a: {  	_ =	sdelay $0x2  }
0x4b: {  	s18 =	sadd.s32 $0x10, s18;
	s19 =	sadd.s32 $0x80, s19  }
.LBB2_6:
0x4c: {  	v7 =	vld [tilespmem:s18+$0x0];
	_ =	sdelay $0x4  }
0x4d: {  	vm0 =	vgt.f32 v7, v5  }
0x4e: {  	v8 =	vsel vm0, $0x3F800000, v0  }
0x4f: {  	(xrf0) =	vmax.scan.msk.f32 $0xffff, v8;
	_ =	sdelay $0x5  }
0x50: {  	v8, _, _ =	vpop (xrf0)  }
0x51: {  	(v2sf) =	vpush v8, $0xF;
	_ =	sdelay $0xe  }
0x52: {  	s20 =	spop (v2sf)  }
0x53: {  	p0 =	sgt.f32 s20, $0.0e+00  }
.Ltmp6:
0x54: {  	_ = 	snop;
	(pc) =	sbr.rel @!p0 .LBB2_8-.Ltmp6, $1  }
0x55: {  	_ =	sdelay $0x3  }
0x56: {  	v7 =	vld [tilespmem:s19+$0xFFFFFFC0];
	_ =	sdelay $0x4  }
0x57: {  	vm0 =	vgt.f32 v7, v5  }
0x58: {  	v8 =	vsel vm0, $0x1, v1  }
0x59: {  	(xrf0) =	vadd.scan.msk.s32 $0xffff, v8;
	_ =	sdelay $0x2  }
0x5a: {  	v8 =	vmov s14  }
0x5b: {  	v8 =	vadd.s32 $0xFFFFFFFF, v8  }
0x5c: {  	v8 =	vbroadcast v8, $0x0  }
0x5d: {  	v9, _, _ =	vpop (xrf0)  }
0x5e: {  	v8 =	vadd.s32 v9, v8;
	v9 =	vxor.u32 $0x80000000, v9  }
0x5f: {  	vm1 =	vlt.s32 v8, $0x200F;
	(xrf0) =	vmax.scan.msk.u32 $0xffff, v9  }
0x60: {  	v8 =	vnsel vm1, $0x200F, v8;
	_ =	sdelay $0x3  }
0x61: {  	s20 =	sadd.s32 $0xFFFFFF90, s15  }
0x62: {  	v34 =	vor.u32 s20, v2;
	[tilespmem:v8+s11+$0x0] =	vst.idx.msk vm0, v7;
	v10, _, _ =	vpop (xrf0)  }
0x63: {  	[tilespmem:v8+s12+$0x0] =	vst.idx.msk vm0, v34;
	(v2sf) =	vpush v10, $0xF  }
0x64: {  	v8 =	vld [tilespmem:s19+$0xFFFFFFD0];
	_ =	sdelay $0x4  }
0x65: {  	vm15 =	vgt.f32 v8, v5  }
0x66: {  	v35 =	vsel vm15, $0x1, v1  }
0x67: {  	(xrf0) =	vadd.scan.msk.s32 $0xffff, v35;
	_ =	sdelay $0x5  }
0x68: {  	v9, _, _ =	vpop (xrf0)  }
0x69: {  	s26 =	spop (v2sf);
	v36 =	vxor.u32 $0x80000000, v9  }
0x6a: {  	s28 =	sadd.s32 s26, s14;
	(xrf0) =	vmax.scan.msk.u32 $0xffff, v36  }
0x6b: {  	s14 =	sadd.s32 $0x80000000, s28  }
0x6c: {  	v37 =	vmov s14  }
0x6d: {  	v10 =	vadd.s32 $0xFFFFFFFF, v37  }
0x6e: {  	v10 =	vbroadcast v10, $0x0;
	_ =	sdelay $0x1  }
0x6f: {  	v9 =	vadd.s32 v9, v10;
	v38, _, _ =	vpop (xrf0)  }
0x70: {  	vm2 =	vlt.s32 v9, $0x200F;
	(v2sf) =	vpush v38, $0xF  }
0x71: {  	v9 =	vnsel vm2, $0x200F, v9;
	_ =	sdelay $0x3  }
0x72: {  	s29 =	sadd.s32 $0xFFFFFFA0, s15  }
0x73: {  	v39 =	vor.u32 s29, v2;
	[tilespmem:v9+s11+$0x0] =	vst.idx.msk vm15, v8  }
0x74: {  	[tilespmem:v9+s12+$0x0] =	vst.idx.msk vm15, v39  }
0x75: {  	v9 =	vld [tilespmem:s19+$0xFFFFFFE0];
	_ =	sdelay $0x4  }
0x76: {  	vm9 =	vgt.f32 v9, v5  }
0x77: {  	v40 =	vsel vm9, $0x1, v1  }
0x78: {  	s30 =	spop (v2sf);
	(xrf0) =	vadd.scan.msk.s32 $0xffff, v40  }
0x79: {  	s14 =	sadd.s32 s30, s14  }
0x7a: {  	s14 =	sadd.s32 $0x80000000, s14  }
0x7b: {  	v41 =	vmov s14  }
0x7c: {  	v10 =	vadd.s32 $0xFFFFFFFF, v41  }
0x7d: {  	v10 =	vbroadcast v10, $0x0  }
0x7e: {  	v11, _, _ =	vpop (xrf0)  }
0x7f: {  	v10 =	vadd.s32 v11, v10;
	v11 =	vxor.u32 $0x80000000, v11  }
0x80: {  	vm3 =	vlt.s32 v10, $0x200F;
	(xrf0) =	vmax.scan.msk.u32 $0xffff, v11  }
0x81: {  	v10 =	vnsel vm3, $0x200F, v10;
	_ =	sdelay $0x3  }
0x82: {  	s31 =	sadd.s32 $0xFFFFFFB0, s15  }
0x83: {  	v42 =	vor.u32 s31, v2;
	[tilespmem:v10+s11+$0x0] =	vst.idx.msk vm9, v9;
	v12, _, _ =	vpop (xrf0)  }
0x84: {  	[tilespmem:v10+s12+$0x0] =	vst.idx.msk vm9, v42;
	(v2sf) =	vpush v12, $0xF  }
0x85: {  	v10 =	vld [tilespmem:s19+$0xFFFFFFF0];
	_ =	sdelay $0x4  }
0x86: {  	vm10 =	vgt.f32 v10, v5  }
0x87: {  	v43 =	vsel vm10, $0x1, v1  }
0x88: {  	(xrf0) =	vadd.scan.msk.s32 $0xffff, v43;
	_ =	sdelay $0x5  }
0x89: {  	v11, _, _ =	vpop (xrf0)  }
0x8a: {  	s21 =	spop (v2sf);
	v44 =	vxor.u32 $0x80000000, v11  }
0x8b: {  	s14 =	sadd.s32 s21, s14;
	(xrf0) =	vmax.scan.msk.u32 $0xffff, v44  }
0x8c: {  	s14 =	sadd.s32 $0x80000000, s14  }
0x8d: {  	v45 =	vmov s14  }
0x8e: {  	v12 =	vadd.s32 $0xFFFFFFFF, v45  }
0x8f: {  	v12 =	vbroadcast v12, $0x0;
	_ =	sdelay $0x1  }
0x90: {  	v11 =	vadd.s32 v11, v12;
	v46, _, _ =	vpop (xrf0)  }
0x91: {  	vm4 =	vlt.s32 v11, $0x200F;
	(v2sf) =	vpush v46, $0xF  }
0x92: {  	v11 =	vnsel vm4, $0x200F, v11;
	_ =	sdelay $0x3  }
0x93: {  	s22 =	sadd.s32 $0xFFFFFFC0, s15  }
0x94: {  	v47 =	vor.u32 s22, v2;
	[tilespmem:v11+s11+$0x0] =	vst.idx.msk vm10, v10  }
0x95: {  	[tilespmem:v11+s12+$0x0] =	vst.idx.msk vm10, v47  }
0x96: {  	v11 =	vld [tilespmem:s19+$0x0];
	_ =	sdelay $0x4  }
0x97: {  	vm11 =	vgt.f32 v11, v5  }
0x98: {  	v48 =	vsel vm11, $0x1, v1  }
0x99: {  	s23 =	spop (v2sf);
	(xrf0) =	vadd.scan.msk.s32 $0xffff, v48  }
0x9a: {  	s14 =	sadd.s32 s23, s14  }
0x9b: {  	s14 =	sadd.s32 $0x80000000, s14  }
0x9c: {  	v49 =	vmov s14  }
0x9d: {  	v12 =	vadd.s32 $0xFFFFFFFF, v49  }
0x9e: {  	v12 =	vbroadcast v12, $0x0  }
0x9f: {  	v13, _, _ =	vpop (xrf0)  }
0xa0: {  	v12 =	vadd.s32 v13, v12;
	v13 =	vxor.u32 $0x80000000, v13  }
0xa1: {  	vm5 =	vlt.s32 v12, $0x200F;
	(xrf0) =	vmax.scan.msk.u32 $0xffff, v13  }
0xa2: {  	v12 =	vnsel vm5, $0x200F, v12;
	_ =	sdelay $0x3  }
0xa3: {  	s24 =	sadd.s32 $0xFFFFFFD0, s15  }
0xa4: {  	v50 =	vor.u32 s24, v2;
	[tilespmem:v12+s11+$0x0] =	vst.idx.msk vm11, v11;
	v14, _, _ =	vpop (xrf0)  }
0xa5: {  	[tilespmem:v12+s12+$0x0] =	vst.idx.msk vm11, v50;
	(v2sf) =	vpush v14, $0xF  }
0xa6: {  	v12 =	vld [tilespmem:s19+$0x10];
	_ =	sdelay $0x4  }
0xa7: {  	vm12 =	vgt.f32 v12, v5  }
0xa8: {  	v51 =	vsel vm12, $0x1, v1  }
0xa9: {  	(xrf0) =	vadd.scan.msk.s32 $0xffff, v51;
	_ =	sdelay $0x5  }
0xaa: {  	v13, _, _ =	vpop (xrf0)  }
0xab: {  	s25 =	spop (v2sf);
	v52 =	vxor.u32 $0x80000000, v13  }
0xac: {  	s14 =	sadd.s32 s25, s14;
	(xrf0) =	vmax.scan.msk.u32 $0xffff, v52  }
0xad: {  	s14 =	sadd.s32 $0x80000000, s14  }
0xae: {  	v53 =	vmov s14  }
0xaf: {  	v14 =	vadd.s32 $0xFFFFFFFF, v53  }
0xb0: {  	v14 =	vbroadcast v14, $0x0;
	_ =	sdelay $0x1  }
0xb1: {  	v13 =	vadd.s32 v13, v14;
	v54, _, _ =	vpop (xrf0)  }
0xb2: {  	vm6 =	vlt.s32 v13, $0x200F;
	(v2sf) =	vpush v54, $0xF  }
0xb3: {  	v13 =	vnsel vm6, $0x200F, v13;
	_ =	sdelay $0x3  }
0xb4: {  	s26 =	sadd.s32 $0xFFFFFFE0, s15  }
0xb5: {  	v55 =	vor.u32 s26, v2;
	[tilespmem:v13+s11+$0x0] =	vst.idx.msk vm12, v12  }
0xb6: {  	[tilespmem:v13+s12+$0x0] =	vst.idx.msk vm12, v55  }
0xb7: {  	v13 =	vld [tilespmem:s19+$0x20];
	_ =	sdelay $0x4  }
0xb8: {  	vm13 =	vgt.f32 v13, v5  }
0xb9: {  	v56 =	vsel vm13, $0x1, v1  }
0xba: {  	s28 =	spop (v2sf);
	(xrf0) =	vadd.scan.msk.s32 $0xffff, v56  }
0xbb: {  	s14 =	sadd.s32 s28, s14  }
0xbc: {  	s14 =	sadd.s32 $0x80000000, s14  }
0xbd: {  	v57 =	vmov s14  }
0xbe: {  	v14 =	vadd.s32 $0xFFFFFFFF, v57  }
0xbf: {  	v14 =	vbroadcast v14, $0x0  }
0xc0: {  	v15, _, _ =	vpop (xrf0)  }
0xc1: {  	v14 =	vadd.s32 v15, v14  }
0xc2: {  	vm7 =	vlt.s32 v14, $0x200F  }
0xc3: {  	v14 =	vnsel vm7, $0x200F, v14;
	_ =	sdelay $0x3  }
0xc4: {  	s29 =	sadd.s32 $0xFFFFFFF0, s15  }
0xc5: {  	v16 =	vor.u32 s29, v2;
	[tilespmem:v14+s11+$0x0] =	vst.idx.msk vm13, v13  }
0xc6: {  	[tilespmem:v14+s12+$0x0] =	vst.idx.msk vm13, v16  }
0xc7: {  	v14 =	vld [tilespmem:s19+$0x30]  }
0xc8: {  	v15 =	vxor.u32 $0x80000000, v15  }
0xc9: {  	(xrf0) =	vmax.scan.msk.u32 $0xffff, v15;
	_ =	sdelay $0x2  }
0xca: {  	vm14 =	vgt.f32 v14, v5  }
0xcb: {  	v58 =	vsel vm14, $0x1, v1  }
0xcc: {  	(xrf0) =	vadd.scan.msk.s32 $0xffff, v58  }
0xcd: {  	v59, _, _ =	vpop (xrf0)  }
0xce: {  	(v2sf) =	vpush v59, $0xF;
	_ =	sdelay $0x3  }
0xcf: {  	v60, _, _ =	vpop (xrf0)  }
0xd0: {  	v61 =	vxor.u32 $0x80000000, v60  }
0xd1: {  	(xrf0) =	vmax.scan.msk.u32 $0xffff, v61;
	_ =	sdelay $0x5  }
0xd2: {  	v16, _, _ =	vpop (xrf0)  }
0xd3: {  	(v2sf) =	vpush v16, $0xF;
	_ =	sdelay $0x1  }
0xd4: {  	s30 =	spop (v2sf)  }
0xd5: {  	s14 =	sadd.s32 s30, s14  }
0xd6: {  	s14 =	sadd.s32 $0x80000000, s14  }
0xd7: {  	v62 =	vmov s14  }
0xd8: {  	v16 =	vadd.s32 $0xFFFFFFFF, v62  }
0xd9: {  	v16 =	vbroadcast v16, $0x0;
	_ =	sdelay $0x1  }
0xda: {  	v7 =	vsel vm0, $0xF149F2CA, v7;
	v15 =	vadd.s32 v60, v16  }
0xdb: {  	v6 =	vmax.f32 v6, v7;
	v7 =	vsel vm15, $0xF149F2CA, v8;
	vm15 =	vlt.s32 v15, $0x200F  }
0xdc: {  	v6 =	vmax.f32 v6, v7;
	v8 =	vsel vm9, $0xF149F2CA, v9;
	v63 =	vnsel vm15, $0x200F, v15  }
0xdd: {  	v6 =	vmax.f32 v6, v8;
	v7 =	vsel vm10, $0xF149F2CA, v10  }
.Ltmp7:
0xde: {  	v6 =	vmax.f32 v6, v7;
	v8 =	vsel vm11, $0xF149F2CA, v11;
	(pc) =	sbr.rel .LBB2_9-.Ltmp7, $4  }
0xdf: {  	v6 =	vmax.f32 v6, v8;
	v7 =	vsel vm12, $0xF149F2CA, v12  }
0xe0: {  	v6 =	vmax.f32 v6, v7;
	v7 =	vsel vm13, $0xF149F2CA, v13;
	s31 =	spop (v2sf)  }
0xe1: {  	v6 =	vmax.f32 v6, v7;
	v7 =	vor.u32 s15, v2;
	v8 =	vsel vm14, $0xF149F2CA, v14;
	[tilespmem:v63+s11+$0x0] =	vst.idx.msk vm14, v14;
	s14 =	sadd.s32 s31, s14  }
0xe2: {  	v6 =	vmax.f32 v6, v8;
	[tilespmem:v63+s12+$0x0] =	vst.idx.msk vm14, v7;
	s14 =	sadd.s32 $0x80000000, s14  }
.LBB2_10:
0xe3: {  	(xrf0) =	vmax.scan.msk.f32 $0xffff, v6;
	_ =	sdelay $0x5  }
0xe4: {  	v5, _, _ =	vpop (xrf0)  }
0xe5: {  	(v2sf) =	vpush v5, $0xF;
	_ =	sdelay $0x8  }
0xe6: {  	p0 =	slt.s32 s14, $0x2000;
	s15 =	smov.u32 s14  }
0xe7: {  	s15 =	simm.s32 @!p0 $0x2000;
	p0 =	slt.s32 s14, $0x2001  }
.Ltmp8:
0xe8: {  	_ = 	snop;
	(pc) =	sbr.rel @p0 .LBB2_11-.Ltmp8, $3  }
0xe9: {  	_ =	sdelay $0x1  }
0xea: {  	s19 =	sadd.s32 $0xF, s14;
	s20 =	smov.u32 s16;
	s21 =	smov.u32 s16  }
0xeb: {  	[tilespmem:s15+$0x11000] =	vst v3;
	s15 =	sshrl.u32 s19, $0x4;
	s19 =	simm.s32 $0x0;
	s18 =	spop (v2sf)  }
.LBB2_28:
0xec: {  	s18 =	sadd.f32 s21, s17;
	_ =	sdelay $0x1  }
0xed: {  	s18 =	smul.f32 $5.000000000e-01, s18  }
0xee: {  	s22 =	simm.s32 $0x0  }
0xef: {  	v5 =	vimm.f32 $0.0e+00;
	s20 =	simm.s32 $0x40;
	v7 =	vld [tilespmem:s22+$0x0];
	v6 =	vmov s18  }
.LBB2_29:
0xf0: {  	_ =	sdelay $0x1  }
0xf1: {  	p1 =	sne.s32 s20, $0x1FFC0  }
.Ltmp9:
0xf2: {  	_ = 	snop;
	(pc) =	sbr.rel @p1 .LBB2_29-.Ltmp9, $3  }
0xf3: {  	v8 =	vsub.f32 v7, v6;
	_ =	sdelay $0x1  }
0xf4: {  	s22 =	sshra.s32 s20, $0x2;
	v8 =	vmax.f32 v8, $0.0e+00  }
0xf5: {  	s20 =	sadd.s32 $0x40, s20;
	v7 =	vld [tilespmem:s22+$0x0];
	v5 =	vadd.f32 v8, v5  }
0xf6: {  	_ =	sdelay $0x3  }
0xf7: {  	v6 =	vsub.f32 v7, v6;
	_ =	sdelay $0x1  }
0xf8: {  	v6 =	vmax.f32 v6, $0.0e+00  }
0xf9: {  	v5 =	vadd.f32 v6, v5;
	_ =	sdelay $0x1  }
0xfa: {  	(xrf2) =	vadd.scan.msk.f32 $0xffff, v5;
	_ =	sdelay $0x9  }
0xfb: {  	v5, _, _ =	vpop (xrf2)  }
0xfc: {  	(v2sf) =	vpush v5, $0xF;
	_ =	sdelay $0xe  }
0xfd: {  	s20 =	spop (v2sf)  }
0xfe: {  	p1 =	sge.f32 s20, $5.000000000e-01  }
0xff: {  	s19 =	sadd.s32 $0x1, s19  }
0x100: {  	s17 =	smov.u32 @p1 s18;
	s18 =	smov.u32 @p1 s21;
	p1 =	seq.s32 s19, $0x1E  }
.Ltmp10:
0x101: {  	_ = 	snop;
	(pc) =	sbr.rel @!p1 .LBB2_28-.Ltmp10, $2  }
0x102: {  	_ =	sdelay $0x2  }
0x103: {  	s21 =	smov.u32 s18  }
0x104: {  	v5 =	vbroadcast v4, $0xF;
	v7 =	vmov s17;
	s18 =	simm.s32 $0x0  }
0x105: {  	v6 =	vimm.f32 $0.0e+00;
	v4 =	vimm.f32 $-1.000000020e+30;
	s17 =	simm.s32 $0x40;
	v8 =	vimm.f32 $0.0e+00;
	v9 =	vld [tilespmem:s18+$0x0]  }
.LBB2_32:
0x106: {  	_ =	sdelay $0x1  }
0x107: {  	p1 =	sne.s32 s17, $0x1FFC0  }
.Ltmp11:
0x108: {  	_ = 	snop;
	(pc) =	sbr.rel @p1 .LBB2_32-.Ltmp11, $4  }
0x109: {  	v10 =	vsub.f32 v9, v5  }
0x10a: {  	vm0 =	vgt.f32 v9, v7  }
0x10b: {  	s18 =	sshra.s32 s17, $0x2;
	v11 =	vsel vm0, $0x3F800000, v0;
	v12 =	vnsel vm0, $0x0, v10;
	v10 =	vsel vm0, $0xF149F2CA, v10  }
0x10c: {  	s17 =	sadd.s32 $0x40, s17;
	v9 =	vld [tilespmem:s18+$0x0];
	v6 =	vadd.f32 v11, v6;
	v8 =	vadd.f32 v12, v8;
	v4 =	vmax.f32 v4, v10  }
0x10d: {  	_ =	sdelay $0x3  }
0x10e: {  	vm0 =	vgt.f32 v9, v7  }
0x10f: {  	v7 =	vsel vm0, $0x3F800000, v0  }
0x110: {  	v6 =	vadd.f32 v7, v6;
	_ =	sdelay $0x1  }
0x111: {  	(xrf2) =	vadd.scan.msk.f32 $0xffff, v6;
	_ =	sdelay $0x2  }
0x112: {  	v5 =	vsub.f32 v9, v5;
	_ =	sdelay $0x1  }
0x113: {  	v6 =	vnsel vm0, $0x0, v5  }
0x114: {  	v6 =	vadd.f32 v6, v8;
	_ =	sdelay $0x1  }
0x115: {  	(xrf2) =	vadd.scan.msk.f32 $0xffff, v6;
	_ =	sdelay $0x1  }
0x116: {  	v6, _, _ =	vpop (xrf2)  }
0x117: {  	v5 =	vsel vm0, $0xF149F2CA, v5;
	(v2sf) =	vpush v6, $0xF  }
0x118: {  	v4 =	vmax.f32 v4, v5  }
0x119: {  	(xrf0) =	vmax.scan.msk.f32 $0xffff, v4;
	_ =	sdelay $0x4  }
0x11a: {  	v4, _, _ =	vpop (xrf2)  }
0x11b: {  	(v2sf) =	vpush v4, $0xF;
	v4, _, _ =	vpop (xrf0)  }
0x11c: {  	(v2sf) =	vpush v4, $0xF;
	_ =	sdelay $0x5  }
0x11d: {  	s17 =	spop (v2sf)  }
0x11e: {  	s17 =	sadd.f32 $1.000000000e+00, s17;
	_ =	sdelay $0x1  }
0x11f: {  	v4 =	vmov s17  }
0x120: {  	(erf) = vrcp.f32 v4;
	_ =	sdelay $0x3  }
0x121: {  	s31 =	spop (v2sf)  }
0x122: {  	s18 =	spop (v2sf)  }
0x123: {  	s17 =	sadd.f32 s18, s31;
	_ =	sdelay $0x1  }
0x124: {  	s19 =	sadd.f32 $-5.000000000e-01, s17;
	s17 =	simm.s32 $0x0  }
0x125: {  	v5 =	vld [tilespmem:s17+$0x0];
	v4 =	vpop (erf)  }
0x126: {  	s16 =	sadd.f32 s18, s16;
	v4 =	vmul.f32 s19, v4;
	_ =	sdelay $0x1  }
0x127: {  	v12 =	vsub.f32 s16, v4;
	_ =	sdelay $0x1  }
0x128: {  	v6 =	vsub.f32 v5, v12;
	_ =	sdelay $0x1  }
0x129: {  	v4 =	vshra.s32 v6, $0x1  }
0x12a: {  	v5 =	vadd.s32 $0x1FBD1DF6, v4  }
0x12b: {  	s18 =	simm.s32 $0x10;
	(erf) = vrcp.f32 v5  }
0x12c: {  	v4 =	vld [tilespmem:s18+$0x0];
	_ =	sdelay $0x1  }
0x12d: {  	s16 =	simm.s32 $0x20  }
0x12e: {  	v8 =	vld [tilespmem:s16+$0x0];
	_ =	sdelay $0x1  }
0x12f: {  	v7 =	vsub.f32 v4, v12;
	_ =	sdelay $0x1  }
0x130: {  	v4 =	vshra.s32 v7, $0x1  }
0x131: {  	v9 =	vadd.s32 $0x1FBD1DF6, v4;
	v4 =	vsub.f32 v8, v12;
	v10 =	vpop (erf)  }
0x132: {  	(erf) = vrcp.f32 v9;
	v8 =	vmul.f32 v10, v6  }
0x133: {  	s19 =	simm.s32 $0x30;
	v11 =	vshra.s32 v4, $0x1  }
0x134: {  	v10 =	vld [tilespmem:s19+$0x0];
	v11 =	vadd.s32 $0x1FBD1DF6, v11;
	v5 =	vadd.f32 v5, v8  }
0x135: {  	(erf) = vrcp.f32 v11  }
0x136: {  	v13 =	vmul.f32 $5.000000000e-01, v5;
	_ =	sdelay $0x1  }
0x137: {  	(erf) = vrcp.f32 v13  }
0x138: {  	v5 =	vsub.f32 v10, v12  }
0x139: {  	s20 =	simm.s32 $0x40  }
0x13a: {  	v14 =	vld [tilespmem:s20+$0x0];
	v8 =	vpop (erf);
	v10 =	vshra.s32 v5, $0x1  }
0x13b: {  	v8 =	vmul.f32 v8, v7;
	v10 =	vadd.s32 $0x1FBD1DF6, v10  }
0x13c: {  	(erf) = vrcp.f32 v10  }
0x13d: {  	v8 =	vadd.f32 v9, v8;
	v9 =	vpop (erf)  }
0x13e: {  	v9 =	vmul.f32 v9, v4  }
0x13f: {  	v15 =	vmul.f32 $5.000000000e-01, v8;
	v8 =	vsub.f32 v14, v12  }
0x140: {  	s21 =	simm.s32 $0x50;
	v9 =	vadd.f32 v11, v9;
	v16 =	vpop (erf)  }
0x141: {  	v14 =	vld [tilespmem:s21+$0x0];
	(erf) = vrcp.f32 v15;
	v11 =	vmul.f32 v16, v6;
	v16 =	vshra.s32 v8, $0x1  }
0x142: {  	v16 =	vadd.s32 $0x1FBD1DF6, v16  }
0x143: {  	(erf) = vrcp.f32 v16  }
0x144: {  	v11 =	vadd.f32 v11, v13  }
0x145: {  	v19 =	vmul.f32 $5.000000000e-01, v9;
	v13 =	vpop (erf)  }
0x146: {  	v9 =	vsub.f32 v14, v12;
	v14 =	vmul.f32 $5.000000000e-01, v11;
	v11 =	vmul.f32 v13, v5  }
0x147: {  	(erf) = vrcp.f32 v19  }
0x148: {  	s22 =	simm.s32 $0x60;
	v13 =	vshra.s32 v9, $0x1;
	(erf) = vrcp.f32 v14  }
0x149: {  	v17 =	vld [tilespmem:s22+$0x0];
	v20 =	vadd.s32 $0x1FBD1DF6, v13  }
0x14a: {  	v10 =	vadd.f32 v10, v11;
	(erf) = vrcp.f32 v20;
	v11 =	vpop (erf)  }
0x14b: {  	v11 =	vmul.f32 v11, v7  }
0x14c: {  	s23 =	simm.s32 $0x70;
	v13 =	vpop (erf)  }
0x14d: {  	v21 =	vld [tilespmem:s23+$0x0];
	v18 =	vmul.f32 $5.000000000e-01, v10;
	v11 =	vadd.f32 v11, v15;
	v15 =	vmul.f32 v13, v8  }
0x14e: {  	v10 =	vsub.f32 v17, v12  }
0x14f: {  	(erf) = vrcp.f32 v18;
	v15 =	vadd.f32 v16, v15  }
0x150: {  	v22 =	vshra.s32 v10, $0x1;
	v17 =	vpop (erf);
	v13 =	vmul.f32 $5.000000000e-01, v11  }
0x151: {  	v23 =	vmul.f32 v17, v4;
	v17 =	vadd.s32 $0x1FBD1DF6, v22;
	v16 =	vpop (erf)  }
0x152: {  	v11 =	vsub.f32 v21, v12;
	(erf) = vrcp.f32 v13;
	v21 =	vmul.f32 v16, v6  }
0x153: {  	v19 =	vadd.f32 v23, v19;
	(erf) = vrcp.f32 v17;
	v16 =	vmul.f32 $5.000000000e-01, v15;
	v15 =	vpop (erf)  }
0x154: {  	v23 =	vmul.f32 v15, v9  }
0x155: {  	s24 =	simm.s32 $0x80;
	v15 =	vmul.f32 $5.000000000e-01, v19  }
0x156: {  	v24 =	vadd.f32 v21, v14;
	(erf) = vrcp.f32 v16;
	v21 =	vld [tilespmem:s24+$0x0]  }
0x157: {  	v22 =	vshra.s32 v11, $0x1;
	v14 =	vimm.f32 $0.0e+00;
	(erf) = vrcp.f32 v15  }
0x158: {  	s25 =	simm.s32 $0x240;
	v19 =	vadd.s32 $0x1FBD1DF6, v22;
	v22 =	vadd.f32 v20, v23;
	v20 =	vmul.f32 $5.000000000e-01, v24;
	v23 =	vpop (erf)  }
.LBB2_34:
0x159: {  	(erf) = vrcp.f32 v19;
	v23 =	vmul.f32 v23, v5;
	vm0 =	vgt.f32 v6, $0.0e+00;
	v6 =	vmovc v7;
	v7 =	vmovc v4  }
0x15a: {  	p1 =	sne.s32 s25, $0x1FFC0;
	v4 =	vmovc v5;
	v5 =	vmovc v8;
	v8 =	vmov v9;
	v9 =	vmov v10;
	v10 =	vmov v11  }
0x15b: {  	v11 =	vsub.f32 v21, v12;
	v26 =	vmul.f32 $5.000000000e-01, v22;
	v21 =	vpop (erf);
	v20 =	vnsel vm0, $0x0, v20  }
.Ltmp12:
0x15c: {  	s26 =	sshra.s32 s25, $0x2;
	v24 =	vpop (erf);
	v23 =	vadd.f32 v23, v18;
	v25 =	vmul.f32 v21, v6;
	[tilespmem:s17+$0x8000] =	vst v20;
	v14 =	vadd.f32 v20, v14;
	s17 =	smov.u32 s18;
	(pc) =	sbr.rel @p1 .LBB2_34-.Ltmp12, $4  }
0x15d: {  	v22 =	vmovc v17;
	v18 =	vmovc v16;
	s18 =	smov.u32 s16;
	s16 =	smov.u32 s19;
	s19 =	smov.u32 s20;
	v21 =	vld [tilespmem:s26+$0x0];
	v20 =	vshra.s32 v11, $0x1;
	v24 =	vmul.f32 v24, v9;
	v16 =	vmov v26  }
0x15e: {  	v17 =	vmovc v19;
	s20 =	smov.u32 s21;
	s21 =	smov.u32 s22;
	s22 =	smov.u32 s23;
	(erf) = vrcp.f32 v16;
	v25 =	vadd.f32 v25, v13;
	v13 =	vmovc v15;
	v15 =	vmul.f32 $5.000000000e-01, v23  }
0x15f: {  	s23 =	smov.u32 s24;
	s24 =	smov.u32 s26;
	v19 =	vadd.s32 $0x1FBD1DF6, v20  }
0x160: {  	s25 =	sadd.s32 $0x40, s25;
	v22 =	vadd.f32 v22, v24;
	v23 =	vpop (erf);
	(erf) = vrcp.f32 v15;
	v20 =	vmul.f32 $5.000000000e-01, v25  }
0x161: {  	v23 =	vmul.f32 v23, v5;
	_ =	sdelay $0x1  }
0x162: {  	v18 =	vadd.f32 v23, v18  }
0x163: {  	v12 =	vsub.f32 v21, v12;
	v35 =	vmul.f32 $5.000000000e-01, v22  }
0x164: {  	(erf) = vrcp.f32 v19;
	v18 =	vmul.f32 $5.000000000e-01, v18  }
0x165: {  	v36 =	vshra.s32 v12, $0x1;
	(erf) = vrcp.f32 v35  }
0x166: {  	v22 =	vadd.s32 $0x1FBD1DF6, v36;
	(erf) = vrcp.f32 v18  }
0x167: {  	(erf) = vrcp.f32 v22;
	_ =	sdelay $0x1  }
0x168: {  	v37 =	vpop (erf)  }
0x169: {  	v24 =	vpop (erf)  }
0x16a: {  	v25 =	vpop (erf)  }
0x16b: {  	v26 =	vpop (erf)  }
0x16c: {  	v24 =	vmul.f32 v24, v10;
	v27 =	vpop (erf)  }
0x16d: {  	v25 =	vmul.f32 v25, v8;
	v28 =	vpop (erf)  }
0x16e: {  	v17 =	vadd.f32 v17, v24;
	v38 =	vmul.f32 v27, v11;
	v39 =	vpop (erf)  }
0x16f: {  	v16 =	vadd.f32 v25, v16;
	v40 =	vmul.f32 v28, v9;
	v41 =	vpop (erf)  }
0x170: {  	v17 =	vmul.f32 $5.000000000e-01, v17;
	v42 =	vadd.f32 v19, v38;
	v43 =	vmul.f32 v41, v12  }
0x171: {  	v16 =	vmul.f32 $5.000000000e-01, v16;
	v21 =	vadd.f32 v40, v35  }
0x172: {  	(erf) = vrcp.f32 v17;
	v19 =	vmul.f32 $5.000000000e-01, v42;
	v22 =	vadd.f32 v22, v43  }
0x173: {  	(erf) = vrcp.f32 v16;
	v21 =	vmul.f32 $5.000000000e-01, v21  }
0x174: {  	(erf) = vrcp.f32 v19;
	v22 =	vmul.f32 $5.000000000e-01, v22  }
0x175: {  	(erf) = vrcp.f32 v21  }
0x176: {  	(erf) = vrcp.f32 v22;
	_ =	sdelay $0x4  }
0x177: {  	v44 =	vpop (erf)  }
0x178: {  	v24 =	vmul.f32 v44, v10;
	v45 =	vpop (erf)  }
0x179: {  	v46 =	vpop (erf)  }
0x17a: {  	v17 =	vadd.f32 v24, v17;
	v47 =	vmul.f32 v46, v11;
	v48 =	vpop (erf)  }
0x17b: {  	v29 =	vpop (erf)  }
0x17c: {  	v17 =	vmul.f32 $5.000000000e-01, v17;
	v19 =	vadd.f32 v47, v19;
	v49 =	vmul.f32 v29, v12  }
0x17d: {  	v23 =	vmul.f32 v37, v7  }
0x17e: {  	(erf) = vrcp.f32 v17;
	v19 =	vmul.f32 $5.000000000e-01, v19;
	v22 =	vadd.f32 v49, v22  }
0x17f: {  	vm0 =	vgt.f32 v6, $0.0e+00;
	v6 =	vadd.f32 v23, v13;
	v50 =	vmul.f32 v26, v4  }
0x180: {  	(erf) = vrcp.f32 v19;
	v22 =	vmul.f32 $5.000000000e-01, v22  }
0x181: {  	vm8 =	vgt.f32 v7, $0.0e+00;
	v20 =	vnsel vm0, $0x0, v20;
	v6 =	vmul.f32 $5.000000000e-01, v6  }
0x182: {  	v7 =	vadd.f32 v50, v15;
	v52 =	vmul.f32 v39, v5;
	(erf) = vrcp.f32 v22  }
0x183: {  	vm9 =	vgt.f32 v4, $0.0e+00;
	v51 =	vadd.f32 v20, v14;
	v6 =	vnsel vm8, $0x0, v6  }
0x184: {  	v7 =	vmul.f32 $5.000000000e-01, v7;
	v4 =	vadd.f32 v52, v18;
	v53 =	vmul.f32 v45, v8  }
0x185: {  	vm10 =	vgt.f32 v5, $0.0e+00;
	v13 =	vadd.f32 v6, v51;
	v55 =	vmul.f32 v48, v9  }
0x186: {  	v7 =	vnsel vm9, $0x0, v7;
	v4 =	vmul.f32 $5.000000000e-01, v4;
	v54 =	vadd.f32 v53, v16  }
0x187: {  	vm11 =	vgt.f32 v8, $0.0e+00;
	v13 =	vadd.f32 v7, v13;
	v56 =	vadd.f32 v55, v21;
	v57 =	vpop (erf)  }
0x188: {  	v4 =	vnsel vm10, $0x0, v4;
	v5 =	vmul.f32 $5.000000000e-01, v54;
	v58 =	vmul.f32 v57, v10  }
0x189: {  	vm12 =	vgt.f32 v9, $0.0e+00;
	v13 =	vadd.f32 v4, v13;
	v14 =	vmul.f32 $5.000000000e-01, v56;
	v59 =	vpop (erf)  }
0x18a: {  	v5 =	vnsel vm11, $0x0, v5;
	v8 =	vadd.f32 v58, v17;
	v60 =	vmul.f32 v59, v11  }
0x18b: {  	v13 =	vadd.f32 v5, v13;
	v14 =	vnsel vm12, $0x0, v14;
	v61 =	vpop (erf)  }
0x18c: {  	v8 =	vmul.f32 $5.000000000e-01, v8;
	v9 =	vadd.f32 v60, v19;
	v15 =	vmul.f32 v61, v12  }
0x18d: {  	vm13 =	vgt.f32 v10, $0.0e+00;
	v13 =	vadd.f32 v14, v13  }
0x18e: {  	v8 =	vnsel vm13, $0x0, v8;
	v9 =	vmul.f32 $5.000000000e-01, v9;
	v62 =	vadd.f32 v15, v22  }
0x18f: {  	vm14 =	vgt.f32 v11, $0.0e+00;
	v13 =	vadd.f32 v8, v13  }
0x190: {  	v9 =	vnsel vm14, $0x0, v9;
	v10 =	vmul.f32 $5.000000000e-01, v62  }
0x191: {  	vm15 =	vgt.f32 v12, $0.0e+00;
	v63 =	vadd.f32 v9, v13  }
0x192: {  	v10 =	vnsel vm15, $0x0, v10  }
0x193: {  	v11 =	vadd.f32 v10, v63;
	_ =	sdelay $0x1  }
0x194: {  	(xrf2) =	vadd.scan.msk.f32 $0xffff, v11;
	_ =	sdelay $0x9  }
0x195: {  	v11, _, _ =	vpop (xrf2)  }
0x196: {  	v11 =	vbroadcast v11, $0xF;
	_ =	sdelay $0x1  }
0x197: {  	(erf) = vrcp.f32 v11  }
0x198: {  	[tilespmem:s17+$0x8000] =	vst v20  }
0x199: {  	[tilespmem:s18+$0x8000] =	vst v6  }
0x19a: {  	[tilespmem:s16+$0x8000] =	vst v7  }
0x19b: {  	[tilespmem:s19+$0x8000] =	vst v4  }
0x19c: {  	[tilespmem:s20+$0x8000] =	vst v5  }
0x19d: {  	[tilespmem:s21+$0x8000] =	vst v14  }
0x19e: {  	[tilespmem:s22+$0x8000] =	vst v8  }
0x19f: {  	[tilespmem:s23+$0x8000] =	vst v9  }
0x1a0: {  	s17 =	simm.s32 $0x40;
	s16 =	simm.s32 $0x0;
	[tilespmem:s24+$0x8000] =	vst v10;
	v4 =	vpop (erf)  }
.LBB2_36:
0x1a1: {  	p1 =	sne.s32 s17, $0x1FFC0;
	v5 =	vld [tilespmem:s16+$0x8000];
	_ =	sdelay $0x2  }
.Ltmp13:
0x1a2: {  	(pc) =	sbr.rel @p1 .LBB2_36-.Ltmp13, $3  }
0x1a3: {  	_ = 	snop  }
0x1a4: {  	v5 =	vmul.f32 v5, v4;
	_ =	sdelay $0x1  }
0x1a5: {  	[tilespmem:s16+$0x8000] =	vst v5;
	s16 =	sshra.s32 s17, $0x2;
	s17 =	sadd.s32 $0x40, s17  }
0x1a6: {  	v5 =	vld [tilespmem:s16+$0x8000];
	_ =	sdelay $0x2  }
.Ltmp14:
0x1a7: {  	_ = 	snop;
	(pc) =	sbr.rel .LBB2_38-.Ltmp14, $3  }
0x1a8: {  	_ = 	snop  }
0x1a9: {  	v4 =	vmul.f32 v5, v4;
	_ =	sdelay $0x1  }
0x1aa: {  	[tilespmem:s16+$0x8000] =	vst v4  }
.LBB2_12:
0x1ab: {  	v5 =	vimm.f32 $0.0e+00  }
.LBB2_18:
0x1ac: {  	(xrf2) =	vadd.scan.msk.f32 $0xffff, v5;
	_ =	sdelay $0x9  }
0x1ad: {  	v5, _, _ =	vpop (xrf2)  }
0x1ae: {  	(v2sf) =	vpush v5, $0xF;
	_ =	sdelay $0xe  }
0x1af: {  	s22 =	spop (v2sf)  }
0x1b0: {  	p2 =	sge.f32 s22, $5.000000000e-01  }
0x1b1: {  	s19 =	sadd.s32 $0x1, s19  }
0x1b2: {  	s17 =	smov.u32 @p2 s21;
	s21 =	smov.u32 @p2 s20;
	p2 =	seq.s32 s19, $0x1E  }
.Ltmp15:
0x1b3: {  	_ = 	snop;
	(pc) =	sbr.rel @p2 .LBB2_13-.Ltmp15, $2  }
0x1b4: {  	_ =	sdelay $0x2  }
0x1b5: {  	s20 =	smov.u32 s21  }
.LBB2_11:
0x1b6: {  	p1 =	seq.s32 s15, $0x0  }
.Ltmp16:
0x1b7: {  	_ = 	snop;
	(pc) =	sbr.rel @p1 .LBB2_12-.Ltmp16, $3  }
0x1b8: {  	_ = 	snop  }
0x1b9: {  	s21 =	sadd.f32 s20, s17;
	_ =	sdelay $0x1  }
0x1ba: {  	s21 =	smul.f32 $5.000000000e-01, s21  }
0x1bb: {  	s22 =	simm.s32 $0x11000  }
0x1bc: {  	p2 =	sne.s32 s15, $0x1;
	v7 =	vld [tilespmem:s22+$0x0]  }
.Ltmp17:
0x1bd: {  	_ = 	snop;
	(pc) =	sbr.rel @!p2 .LBB2_17-.Ltmp17, $3  }
0x1be: {  	_ =	sdelay $0x1  }
0x1bf: {  	v6 =	vmov s21  }
0x1c0: {  	v5 =	vimm.f32 $0.0e+00;
	s23 =	simm.s32 $0x11010;
	s22 =	sadd.s32 $0xFFFFFFFF, s15;
	v7 =	vsub.f32 v7, v6  }
.LBB2_16:
0x1c1: {  	v8 =	vld [tilespmem:s23+$0x0];
	p2 =	sne.s32 s22, $0x1;
	s22 =	sadd.s32 $0xFFFFFFFF, s22  }
.Ltmp18:
0x1c2: {  	v7 =	vmax.f32 v7, $0.0e+00;
	(pc) =	sbr.rel @p2 .LBB2_16-.Ltmp18, $2  }
0x1c3: {  	v5 =	vadd.f32 v7, v5;
	_ =	sdelay $0x2  }
0x1c4: {  	s23 =	sadd.s32 $0x10, s23;
	v7 =	vsub.f32 v8, v6  }
.LBB2_17:
.Ltmp19:
0x1c5: {  	(pc) =	sbr.rel .LBB2_18-.Ltmp19, $3  }
0x1c6: {  	_ = 	snop  }
0x1c7: {  	v6 =	vmax.f32 v7, $0.0e+00  }
0x1c8: {  	v5 =	vadd.f32 v6, v5;
	_ =	sdelay $0x1  }
.LBB2_13:
.Ltmp20:
0x1c9: {  	(pc) =	sbr.rel @p1 .LBB2_14-.Ltmp20, $2  }
0x1ca: {  	_ =	sdelay $0x2  }
0x1cb: {  	v5 =	vimm.f32 $0.0e+00  }
0x1cc: {  	s31 =	simm.s32 $0x11000  }
0x1cd: {  	p2 =	sne.s32 s15, $0x1;
	v10 =	vld [tilespmem:s31+$0x0]  }
.Ltmp21:
0x1ce: {  	_ = 	snop;
	(pc) =	sbr.rel @!p2 .LBB2_21-.Ltmp21, $4  }
0x1cf: {  	_ = 	snop  }
0x1d0: {  	v8 =	vbroadcast v4, $0xF  }
0x1d1: {  	v7 =	vmov s17;
	v6 =	vimm.f32 $0.0e+00  }
0x1d2: {  	v4 =	vimm.f32 $-1.000000020e+30;
	s17 =	sadd.s32 $0xFFFFFFFF, s15;
	s19 =	simm.s32 $0x11010;
	v9 =	vimm.f32 $0.0e+00;
	v11 =	vsub.f32 v10, v8  }
.LBB2_20:
0x1d3: {  	p2 =	sne.s32 s17, $0x1;
	s17 =	sadd.s32 $0xFFFFFFFF, s17;
	vm0 =	vgt.f32 v10, v7;
	v10 =	vld [tilespmem:s19+$0x0]  }
.Ltmp22:
0x1d4: {  	v12 =	vsel vm0, $0x3F800000, v0;
	v13 =	vnsel vm0, $0x0, v11;
	v11 =	vsel vm0, $0xF149F2CA, v11;
	(pc) =	sbr.rel @p2 .LBB2_20-.Ltmp22, $2  }
0x1d5: {  	v6 =	vadd.f32 v12, v6;
	v9 =	vadd.f32 v13, v9;
	v4 =	vmax.f32 v4, v11;
	_ =	sdelay $0x2  }
0x1d6: {  	s19 =	sadd.s32 $0x10, s19;
	v11 =	vsub.f32 v10, v8  }
.LBB2_21:
.Ltmp23:
0x1d7: {  	(pc) =	sbr.rel .LBB2_22-.Ltmp23, $4  }
0x1d8: {  	_ = 	snop  }
0x1d9: {  	vm0 =	vgt.f32 v10, v7  }
0x1da: {  	v7 =	vsel vm0, $0x3F800000, v0;
	v8 =	vnsel vm0, $0x0, v11;
	v10 =	vsel vm0, $0xF149F2CA, v11  }
0x1db: {  	v7 =	vadd.f32 v7, v6;
	v6 =	vadd.f32 v8, v9;
	v4 =	vmax.f32 v4, v10  }
.LBB2_14:
0x1dc: {  	v4 =	vimm.f32 $-1.000000020e+30;
	v7 =	vimm.f32 $0.0e+00;
	v6 =	vimm.f32 $0.0e+00  }
.LBB2_22:
0x1dd: {  	_ = 	snop  }
0x1de: {  	(xrf2) =	vadd.scan.msk.f32 $0xffff, v7;
	_ =	sdelay $0x9  }
0x1df: {  	v7, _, _ =	vpop (xrf2)  }
0x1e0: {  	(v2sf) =	vpush v7, $0xF  }
0x1e1: {  	(xrf2) =	vadd.scan.msk.f32 $0xffff, v6;
	_ =	sdelay $0x4  }
0x1e2: {  	(xrf0) =	vmax.scan.msk.f32 $0xffff, v4;
	_ =	sdelay $0x4  }
0x1e3: {  	v4, _, _ =	vpop (xrf2)  }
0x1e4: {  	(v2sf) =	vpush v4, $0xF;
	v4, _, _ =	vpop (xrf0)  }
0x1e5: {  	(v2sf) =	vpush v4, $0xF;
	_ =	sdelay $0x1  }
0x1e6: {  	s17 =	spop (v2sf)  }
0x1e7: {  	s17 =	sadd.f32 $1.000000000e+00, s17;
	_ =	sdelay $0x1  }
0x1e8: {  	v4 =	vmov s17  }
0x1e9: {  	(erf) = vrcp.f32 v4;
	_ =	sdelay $0x4  }
.Ltmp24:
0x1ea: {  	_ = 	snop;
	(pc) =	sbr.rel @p1 .LBB2_38-.Ltmp24, $3  }
0x1eb: {  	_ =	sdelay $0x1  }
0x1ec: {  	s17 =	spop (v2sf)  }
0x1ed: {  	s19 =	spop (v2sf);
	v4 =	vpop (erf)  }
0x1ee: {  	s18 =	ssub.f32 s18, s16;
	_ =	sdelay $0x1  }
0x1ef: {  	s18 =	smax.f32 s19, s18  }
0x1f0: {  	s17 =	sadd.f32 s18, s17  }
0x1f1: {  	p1 =	sne.s32 s15, $0x1  }
.Ltmp25:
0x1f2: {  	s17 =	sadd.f32 $-5.000000000e-01, s17;
	(pc) =	sbr.rel @!p1 .LBB2_25-.Ltmp25, $4  }
0x1f3: {  	_ = 	snop  }
0x1f4: {  	s18 =	sadd.f32 s18, s16;
	v4 =	vmul.f32 s17, v4  }
0x1f5: {  	s16 =	simm.s32 $0x11000  }
0x1f6: {  	v6 =	vld [tilespmem:s16+$0x0];
	s17 =	simm.s32 $0x11000;
	v4 =	vsub.f32 s18, v4;
	s18 =	sadd.s32 $0xFFFFFFFF, s15  }
.LBB2_24:
0x1f7: {  	p1 =	sne.s32 s18, $0x1;
	_ =	sdelay $0x3  }
0x1f8: {  	v6 =	vsub.f32 v6, v4;
	_ =	sdelay $0x1  }
0x1f9: {  	v7 =	vshra.s32 v6, $0x1  }
0x1fa: {  	v7 =	vadd.s32 $0x1FBD1DF6, v7  }
0x1fb: {  	(erf) = vrcp.f32 v7;
	_ =	sdelay $0x8  }
0x1fc: {  	v8 =	vpop (erf)  }
0x1fd: {  	v8 =	vmul.f32 v8, v6;
	_ =	sdelay $0x1  }
0x1fe: {  	v7 =	vadd.f32 v7, v8;
	_ =	sdelay $0x1  }
0x1ff: {  	v7 =	vmul.f32 $5.000000000e-01, v7;
	_ =	sdelay $0x1  }
0x200: {  	(erf) = vrcp.f32 v7;
	_ =	sdelay $0x8  }
0x201: {  	v8 =	vpop (erf)  }
0x202: {  	v8 =	vmul.f32 v8, v6;
	_ =	sdelay $0x1  }
0x203: {  	v7 =	vadd.f32 v8, v7;
	_ =	sdelay $0x1  }
0x204: {  	v7 =	vmul.f32 $5.000000000e-01, v7;
	_ =	sdelay $0x1  }
0x205: {  	(erf) = vrcp.f32 v7;
	_ =	sdelay $0x8  }
0x206: {  	v8 =	vpop (erf)  }
0x207: {  	v8 =	vmul.f32 v8, v6;
	_ =	sdelay $0x1  }
0x208: {  	v7 =	vadd.f32 v8, v7;
	_ =	sdelay $0x1  }
.Ltmp26:
0x209: {  	v7 =	vmul.f32 $5.000000000e-01, v7;
	(pc) =	sbr.rel @p1 .LBB2_24-.Ltmp26, $4  }
0x20a: {  	vm0 =	vgt.f32 v6, $0.0e+00  }
0x20b: {  	v6 =	vnsel vm0, $0x0, v7  }
0x20c: {  	[tilespmem:s17+$0x0] =	vst v6;
	v5 =	vadd.f32 v6, v5;
	s17 =	sadd.s32 $0x10, s17  }
0x20d: {  	s18 =	sadd.s32 $0xFFFFFFFF, s18;
	v6 =	vld [tilespmem:s17+$0x0]  }
.LBB2_25:
0x20e: {  	_ =	sdelay $0x3  }
0x20f: {  	v4 =	vsub.f32 v6, v4;
	_ =	sdelay $0x1  }
0x210: {  	v6 =	vshra.s32 v4, $0x1  }
0x211: {  	v6 =	vadd.s32 $0x1FBD1DF6, v6  }
0x212: {  	(erf) = vrcp.f32 v6;
	_ =	sdelay $0x8  }
0x213: {  	v7 =	vpop (erf)  }
0x214: {  	v7 =	vmul.f32 v7, v4;
	_ =	sdelay $0x1  }
0x215: {  	v6 =	vadd.f32 v6, v7;
	_ =	sdelay $0x1  }
0x216: {  	v6 =	vmul.f32 $5.000000000e-01, v6;
	_ =	sdelay $0x1  }
0x217: {  	(erf) = vrcp.f32 v6;
	_ =	sdelay $0x8  }
0x218: {  	v7 =	vpop (erf)  }
0x219: {  	v7 =	vmul.f32 v7, v4;
	_ =	sdelay $0x1  }
0x21a: {  	v6 =	vadd.f32 v7, v6;
	_ =	sdelay $0x1  }
0x21b: {  	v6 =	vmul.f32 $5.000000000e-01, v6;
	_ =	sdelay $0x1  }
0x21c: {  	(erf) = vrcp.f32 v6;
	_ =	sdelay $0x8  }
0x21d: {  	v7 =	vpop (erf)  }
0x21e: {  	v7 =	vmul.f32 v7, v4;
	_ =	sdelay $0x1  }
0x21f: {  	v6 =	vadd.f32 v7, v6;
	_ =	sdelay $0x1  }
0x220: {  	v6 =	vmul.f32 $5.000000000e-01, v6  }
0x221: {  	vm0 =	vgt.f32 v4, $0.0e+00  }
0x222: {  	v4 =	vnsel vm0, $0x0, v6  }
0x223: {  	v5 =	vadd.f32 v4, v5;
	_ =	sdelay $0x1  }
0x224: {  	(xrf2) =	vadd.scan.msk.f32 $0xffff, v5;
	_ =	sdelay $0x9  }
0x225: {  	v5, _, _ =	vpop (xrf2)  }
0x226: {  	v5 =	vbroadcast v5, $0xF;
	_ =	sdelay $0x1  }
0x227: {  	(erf) = vrcp.f32 v5;
	_ =	sdelay $0x3  }
0x228: {  	p1 =	seq.s32 s15, $0x1  }
.Ltmp27:
0x229: {  	_ = 	snop;
	(pc) =	sbr.rel @p1 .LBB2_27-.Ltmp27, $3  }
0x22a: {  	_ =	sdelay $0x1  }
0x22b: {  	[tilespmem:s17+$0x0] =	vst v4;
	s17 =	simm.s32 $0x13080  }
0x22c: {  	s18 =	simm.s32 $0x0;
	s19 =	sadd.s32 $0xFFFFFFFF, s15;
	v6 =	vld [tilespmem:s17+$0x0];
	v5 =	vmov s14;
	v4 =	vpop (erf)  }
.LBB2_26:
0x22d: {  	p1 =	seq.s32 s19, $0x1;
	v7 =	vld [tilespmem:s16+$0x0];
	v8 =	vor.u32 s18, v2  }
0x22e: {  	vm0 =	vlt.s32 v8, v5;
	_ =	sdelay $0x2  }
.Ltmp28:
0x22f: {  	(pc) =	sbr.rel @!p1 .LBB2_26-.Ltmp28, $3  }
0x230: {  	v7 =	vmul.f32 v7, v4;
	_ =	sdelay $0x1  }
0x231: {  	s17 =	sadd.s32 $0x10, s17;
	[tilespmem:v6+s13+$0x0] =	vst.idx.msk vm0, v7  }
0x232: {  	s19 =	sadd.s32 $0xFFFFFFFF, s19;
	s16 =	sadd.s32 $0x10, s16;
	s18 =	sadd.s32 $0x10, s18;
	v6 =	vld [tilespmem:s17+$0x0]  }
.LBB2_27:
0x233: {  	_ = 	snop  }
0x234: {  	v7 =	vld [tilespmem:s16+$0x0];
	v8 =	vor.u32 s18, v2  }
0x235: {  	vm0 =	vlt.s32 v8, v5;
	_ =	sdelay $0x3  }
0x236: {  	v4 =	vmul.f32 v7, v4;
	_ =	sdelay $0x1  }
0x237: {  	[tilespmem:v6+s13+$0x0] =	vst.idx.msk vm0, v4  }
.LBB2_38:
0x238: {  	p1 =	sgt.s32 s14, $0x2000  }
0x239: {  	p2 =	seq.s32 @!p1 s15, $0x0  }
0x23a: {  	p1 =	por p1, p2  }
.Ltmp29:
0x23b: {  	_ = 	snop;
	(pc) =	sbr.rel @p1 .LBB2_42-.Ltmp29, $4  }
0x23c: {  	[hbm4b:s4+s8] =	stream.strided.scatter [tilespmem:s13], [sflag:$0x1], $0x8000, s9, s8, $0x38;
	[tilespmem:$0x15100] =	vst v63  }
0x23d: {  	_ =	swait.ge [sflag:s10], $0x8000  }
0x23e: {  	[sflag:s10] =	ssyncset.done $0x0  }
0x23f: {  	[sflag:s10] =	ssyncadd.s32 $0xFFFF8000  }
0x240: {  	p1 =	sne.s32 s15, $0x1  }
.Ltmp30:
0x241: {  	_ = 	snop;
	(pc) =	sbr.rel @!p1 .LBB2_41-.Ltmp30, $3  }
0x242: {  	_ =	sdelay $0x1  }
0x243: {  	s16 =	simm.s32 $0x13080  }
0x244: {  	v4 =	vmov s14;
	s14 =	simm.s32 $0x0;
	s15 =	sadd.s32 $0xFFFFFFFF, s15;
	v5 =	vld [tilespmem:s16+$0x0]  }
.LBB2_40:
0x245: {  	p1 =	sne.s32 s15, $0x1;
	v6 =	vor.u32 s14, v2  }
0x246: {  	vm0 =	vlt.s32 v6, v4;
	_ =	sdelay $0x2  }
.Ltmp31:
0x247: {  	(pc) =	sbr.rel @p1 .LBB2_40-.Ltmp31, $3  }
0x248: {  	_ =	sdelay $0x1  }
0x249: {  	s16 =	sadd.s32 $0x10, s16;
	[tilespmem:v5+s13+$0x0] =	vst.idx.msk vm0, v0  }
0x24a: {  	s15 =	sadd.s32 $0xFFFFFFFF, s15;
	s14 =	sadd.s32 $0x10, s14;
	v5 =	vld [tilespmem:s16+$0x0]  }
.LBB2_41:
0x24b: {  	_ = 	snop  }
0x24c: {  	v6 =	vor.u32 s14, v2  }
0x24d: {  	vm0 =	vlt.s32 v6, v4;
	_ =	sdelay $0x5  }
0x24e: {  	[tilespmem:v5+s13+$0x0] =	vst.idx.msk vm0, v0  }
.LBB2_42:
.Ltmp32:
0x24f: {  	(pc) =	sbr.rel @p0 .LBB2_46-.Ltmp32, $2  }
0x250: {  	_ =	sdelay $0x2  }
0x251: {  	s16 =	simm.s32 $0x0  }
0x252: {  	s14 =	simm.s32 $0x40;
	s15 =	simm.s32 $0x0  }
.LBB2_44:
0x253: {  	p0 =	sne.s32 s14, $0x1FFC0;
	[tilespmem:s15+$0x8000] =	vst v0;
	s15 =	smov.u32 s14;
	s14 =	sadd.s32 $0x40, s14  }
.Ltmp33:
0x254: {  	(pc) =	sbr.rel @p0 .LBB2_44-.Ltmp33, $2  }
0x255: {  	_ =	sdelay $0x2  }
0x256: {  	s15 =	sshra.s32 s15, $0x2  }
0x257: {  	[tilespmem:s15+$0x8000] =	vst v0  }
.LBB2_46:
0x258: {  	[tilespmem:s16], [sflag:$0x1] =	stream.strided.gather [hbm4b:s5+s8], $0x8000, s9, s8, $0x38;
	[tilespmem:$0x15100] =	vst v63  }
0x259: {  	_ =	swait.ge [sflag:s10], $0x8000  }
0x25a: {  	[sflag:s10] =	ssyncset.done $0x0  }
0x25b: {  	s14 =	simm.s32 $0x40;
	[sflag:s10] =	ssyncadd.s32 $0xFFFF8000  }
0x25c: {  	v4 =	vimm.f32 $-1.000000020e+30;
	s15 =	simm.s32 $0x40;
	v5 =	vld [tilespmem:s14+$0xFFFFFFC0]  }
.LBB2_47:
0x25d: {  	p0 =	sne.s32 s15, $0x3FC0;
	v6 =	vld [tilespmem:s14+$0xFFFFFFD0]  }
0x25e: {  	v7 =	vld [tilespmem:s14+$0xFFFFFFE0]  }
0x25f: {  	v8 =	vld [tilespmem:s14+$0xFFFFFFF0]  }
0x260: {  	v9 =	vld [tilespmem:s14+$0x0]  }
0x261: {  	v5 =	vmax.f32 v5, $-1.000000020e+30;
	v10 =	vld [tilespmem:s14+$0x10]  }
0x262: {  	v5 =	vmax.f32 v5, v6;
	v6 =	vld [tilespmem:s14+$0x20]  }
0x263: {  	v5 =	vmax.f32 v5, v7;
	v7 =	vld [tilespmem:s14+$0x30]  }
0x264: {  	v5 =	vmax.f32 v5, v8  }
0x265: {  	v5 =	vmax.f32 v5, v9  }
.Ltmp34:
0x266: {  	v5 =	vmax.f32 v5, v10;
	(pc) =	sbr.rel @p0 .LBB2_47-.Ltmp34, $4  }
0x267: {  	v5 =	vmax.f32 v5, v6  }
0x268: {  	s17 =	sshra.s32 s16, $0x2;
	s16 =	smov.u32 s15;
	v5 =	vmax.f32 v5, v7  }
0x269: {  	s14 =	sadd.s32 $0x80, s14;
	[tilespmem:s17+$0x10000] =	vst v5;
	v4 =	vmax.f32 v4, v5  }
0x26a: {  	s15 =	sadd.s32 $0x40, s15;
	v5 =	vld [tilespmem:s14+$0xFFFFFFC0]  }
0x26b: {  	v6 =	vld [tilespmem:s14+$0xFFFFFFD0]  }
0x26c: {  	v7 =	vld [tilespmem:s14+$0xFFFFFFE0]  }
0x26d: {  	v8 =	vld [tilespmem:s14+$0xFFFFFFF0]  }
0x26e: {  	v9 =	vld [tilespmem:s14+$0x0]  }
0x26f: {  	v10 =	vld [tilespmem:s14+$0x10];
	v5 =	vmax.f32 v5, $-1.000000020e+30  }
0x270: {  	v5 =	vmax.f32 v5, v6;
	v6 =	vld [tilespmem:s14+$0x20]  }
0x271: {  	v5 =	vmax.f32 v5, v7;
	v7 =	vld [tilespmem:s14+$0x30]  }
0x272: {  	v5 =	vmax.f32 v5, v8  }
0x273: {  	v5 =	vmax.f32 v5, v9  }
0x274: {  	v5 =	vmax.f32 v5, v10  }
0x275: {  	v5 =	vmax.f32 v5, v6  }
0x276: {  	v5 =	vmax.f32 v5, v7  }
0x277: {  	v4 =	vmax.f32 v4, v5  }
0x278: {  	(xrf0) =	vmax.scan.msk.f32 $0xffff, v4;
	_ =	sdelay $0x5  }
0x279: {  	v4, _, _ =	vpop (xrf0)  }
0x27a: {  	(v2sf) =	vpush v4, $0xF;
	_ =	sdelay $0xd  }
.Ltmp35:
0x27b: {  	_ = 	snop;
	(pc) =	sbr.rel .LBB2_49-.Ltmp35, $4  }
0x27c: {  	s14 =	spop (v2sf)  }
0x27d: {  	s15 =	sadd.f32 $-5.000000000e-01, s14  }
0x27e: {  	s17 =	sshra.s32 s16, $0x2;
	s16 =	simm.s32 $0x0  }
0x27f: {  	s18 =	simm.s32 $0x10000;
	s19 =	simm.s32 $0x40;
	v6 =	vimm.f32 $-1.000000020e+30;
	[tilespmem:s17+$0x10000] =	vst v5;
	s17 =	simm.s32 $0x70;
	v5 =	vmov s15  }
.LBB2_51:
0x280: {  	v6 =	vmax.f32 v6, v7  }
.LBB2_52:
0x281: {  	s17 =	sadd.s32 $0x80, s17  }
0x282: {  	p0 =	sne.s32 s17, $0x8070  }
.Ltmp36:
0x283: {  	_ = 	snop;
	(pc) =	sbr.rel @!p0 .LBB2_53-.Ltmp36, $2  }
0x284: {  	_ =	sdelay $0x2  }
0x285: {  	s18 =	sadd.s32 $0x10, s18;
	s19 =	sadd.s32 $0x80, s19  }
.LBB2_49:
0x286: {  	v7 =	vld [tilespmem:s18+$0x0];
	_ =	sdelay $0x4  }
0x287: {  	vm0 =	vgt.f32 v7, v5  }
0x288: {  	v8 =	vsel vm0, $0x3F800000, v0  }
0x289: {  	(xrf0) =	vmax.scan.msk.f32 $0xffff, v8;
	_ =	sdelay $0x5  }
0x28a: {  	v8, _, _ =	vpop (xrf0)  }
0x28b: {  	(v2sf) =	vpush v8, $0xF;
	_ =	sdelay $0xe  }
0x28c: {  	s20 =	spop (v2sf)  }
0x28d: {  	p0 =	sgt.f32 s20, $0.0e+00  }
.Ltmp37:
0x28e: {  	_ = 	snop;
	(pc) =	sbr.rel @!p0 .LBB2_51-.Ltmp37, $1  }
0x28f: {  	_ =	sdelay $0x3  }
0x290: {  	v7 =	vld [tilespmem:s19+$0xFFFFFFC0];
	_ =	sdelay $0x4  }
0x291: {  	vm0 =	vgt.f32 v7, v5  }
0x292: {  	v8 =	vsel vm0, $0x1, v1  }
0x293: {  	(xrf0) =	vadd.scan.msk.s32 $0xffff, v8;
	_ =	sdelay $0x2  }
0x294: {  	v8 =	vmov s16  }
0x295: {  	v8 =	vadd.s32 $0xFFFFFFFF, v8  }
0x296: {  	v8 =	vbroadcast v8, $0x0  }
0x297: {  	v9, _, _ =	vpop (xrf0)  }
0x298: {  	v8 =	vadd.s32 v9, v8;
	v9 =	vxor.u32 $0x80000000, v9  }
0x299: {  	vm1 =	vlt.s32 v8, $0x200F;
	(xrf0) =	vmax.scan.msk.u32 $0xffff, v9  }
0x29a: {  	v8 =	vnsel vm1, $0x200F, v8;
	_ =	sdelay $0x3  }
0x29b: {  	s20 =	sadd.s32 $0xFFFFFF90, s17  }
0x29c: {  	v34 =	vor.u32 s20, v2;
	[tilespmem:v8+s11+$0x0] =	vst.idx.msk vm0, v7;
	v10, _, _ =	vpop (xrf0)  }
0x29d: {  	[tilespmem:v8+s12+$0x0] =	vst.idx.msk vm0, v34;
	(v2sf) =	vpush v10, $0xF  }
0x29e: {  	v8 =	vld [tilespmem:s19+$0xFFFFFFD0];
	_ =	sdelay $0x4  }
0x29f: {  	vm15 =	vgt.f32 v8, v5  }
0x2a0: {  	v35 =	vsel vm15, $0x1, v1  }
0x2a1: {  	(xrf0) =	vadd.scan.msk.s32 $0xffff, v35;
	_ =	sdelay $0x5  }
0x2a2: {  	v9, _, _ =	vpop (xrf0)  }
0x2a3: {  	s26 =	spop (v2sf);
	v36 =	vxor.u32 $0x80000000, v9  }
0x2a4: {  	s28 =	sadd.s32 s26, s16;
	(xrf0) =	vmax.scan.msk.u32 $0xffff, v36  }
0x2a5: {  	s16 =	sadd.s32 $0x80000000, s28  }
0x2a6: {  	v37 =	vmov s16  }
0x2a7: {  	v10 =	vadd.s32 $0xFFFFFFFF, v37  }
0x2a8: {  	v10 =	vbroadcast v10, $0x0;
	_ =	sdelay $0x1  }
0x2a9: {  	v9 =	vadd.s32 v9, v10;
	v38, _, _ =	vpop (xrf0)  }
0x2aa: {  	vm2 =	vlt.s32 v9, $0x200F;
	(v2sf) =	vpush v38, $0xF  }
0x2ab: {  	v9 =	vnsel vm2, $0x200F, v9;
	_ =	sdelay $0x3  }
0x2ac: {  	s29 =	sadd.s32 $0xFFFFFFA0, s17  }
0x2ad: {  	v39 =	vor.u32 s29, v2;
	[tilespmem:v9+s11+$0x0] =	vst.idx.msk vm15, v8  }
0x2ae: {  	[tilespmem:v9+s12+$0x0] =	vst.idx.msk vm15, v39  }
0x2af: {  	v9 =	vld [tilespmem:s19+$0xFFFFFFE0];
	_ =	sdelay $0x4  }
0x2b0: {  	vm9 =	vgt.f32 v9, v5  }
0x2b1: {  	v40 =	vsel vm9, $0x1, v1  }
0x2b2: {  	s30 =	spop (v2sf);
	(xrf0) =	vadd.scan.msk.s32 $0xffff, v40  }
0x2b3: {  	s16 =	sadd.s32 s30, s16  }
0x2b4: {  	s16 =	sadd.s32 $0x80000000, s16  }
0x2b5: {  	v41 =	vmov s16  }
0x2b6: {  	v10 =	vadd.s32 $0xFFFFFFFF, v41  }
0x2b7: {  	v10 =	vbroadcast v10, $0x0  }
0x2b8: {  	v11, _, _ =	vpop (xrf0)  }
0x2b9: {  	v10 =	vadd.s32 v11, v10;
	v11 =	vxor.u32 $0x80000000, v11  }
0x2ba: {  	vm3 =	vlt.s32 v10, $0x200F;
	(xrf0) =	vmax.scan.msk.u32 $0xffff, v11  }
0x2bb: {  	v10 =	vnsel vm3, $0x200F, v10;
	_ =	sdelay $0x3  }
0x2bc: {  	s31 =	sadd.s32 $0xFFFFFFB0, s17  }
0x2bd: {  	v42 =	vor.u32 s31, v2;
	[tilespmem:v10+s11+$0x0] =	vst.idx.msk vm9, v9;
	v12, _, _ =	vpop (xrf0)  }
0x2be: {  	[tilespmem:v10+s12+$0x0] =	vst.idx.msk vm9, v42;
	(v2sf) =	vpush v12, $0xF  }
0x2bf: {  	v10 =	vld [tilespmem:s19+$0xFFFFFFF0];
	_ =	sdelay $0x4  }
0x2c0: {  	vm10 =	vgt.f32 v10, v5  }
0x2c1: {  	v43 =	vsel vm10, $0x1, v1  }
0x2c2: {  	(xrf0) =	vadd.scan.msk.s32 $0xffff, v43;
	_ =	sdelay $0x5  }
0x2c3: {  	v11, _, _ =	vpop (xrf0)  }
0x2c4: {  	s21 =	spop (v2sf);
	v44 =	vxor.u32 $0x80000000, v11  }
0x2c5: {  	s16 =	sadd.s32 s21, s16;
	(xrf0) =	vmax.scan.msk.u32 $0xffff, v44  }
0x2c6: {  	s16 =	sadd.s32 $0x80000000, s16  }
0x2c7: {  	v45 =	vmov s16  }
0x2c8: {  	v12 =	vadd.s32 $0xFFFFFFFF, v45  }
0x2c9: {  	v12 =	vbroadcast v12, $0x0;
	_ =	sdelay $0x1  }
0x2ca: {  	v11 =	vadd.s32 v11, v12;
	v46, _, _ =	vpop (xrf0)  }
0x2cb: {  	vm4 =	vlt.s32 v11, $0x200F;
	(v2sf) =	vpush v46, $0xF  }
0x2cc: {  	v11 =	vnsel vm4, $0x200F, v11;
	_ =	sdelay $0x3  }
0x2cd: {  	s22 =	sadd.s32 $0xFFFFFFC0, s17  }
0x2ce: {  	v47 =	vor.u32 s22, v2;
	[tilespmem:v11+s11+$0x0] =	vst.idx.msk vm10, v10  }
0x2cf: {  	[tilespmem:v11+s12+$0x0] =	vst.idx.msk vm10, v47  }
0x2d0: {  	v11 =	vld [tilespmem:s19+$0x0];
	_ =	sdelay $0x4  }
0x2d1: {  	vm11 =	vgt.f32 v11, v5  }
0x2d2: {  	v48 =	vsel vm11, $0x1, v1  }
0x2d3: {  	s23 =	spop (v2sf);
	(xrf0) =	vadd.scan.msk.s32 $0xffff, v48  }
0x2d4: {  	s16 =	sadd.s32 s23, s16  }
0x2d5: {  	s16 =	sadd.s32 $0x80000000, s16  }
0x2d6: {  	v49 =	vmov s16  }
0x2d7: {  	v12 =	vadd.s32 $0xFFFFFFFF, v49  }
0x2d8: {  	v12 =	vbroadcast v12, $0x0  }
0x2d9: {  	v13, _, _ =	vpop (xrf0)  }
0x2da: {  	v12 =	vadd.s32 v13, v12;
	v13 =	vxor.u32 $0x80000000, v13  }
0x2db: {  	vm5 =	vlt.s32 v12, $0x200F;
	(xrf0) =	vmax.scan.msk.u32 $0xffff, v13  }
0x2dc: {  	v12 =	vnsel vm5, $0x200F, v12;
	_ =	sdelay $0x3  }
0x2dd: {  	s24 =	sadd.s32 $0xFFFFFFD0, s17  }
0x2de: {  	v50 =	vor.u32 s24, v2;
	[tilespmem:v12+s11+$0x0] =	vst.idx.msk vm11, v11;
	v14, _, _ =	vpop (xrf0)  }
0x2df: {  	[tilespmem:v12+s12+$0x0] =	vst.idx.msk vm11, v50;
	(v2sf) =	vpush v14, $0xF  }
0x2e0: {  	v12 =	vld [tilespmem:s19+$0x10];
	_ =	sdelay $0x4  }
0x2e1: {  	vm12 =	vgt.f32 v12, v5  }
0x2e2: {  	v51 =	vsel vm12, $0x1, v1  }
0x2e3: {  	(xrf0) =	vadd.scan.msk.s32 $0xffff, v51;
	_ =	sdelay $0x5  }
0x2e4: {  	v13, _, _ =	vpop (xrf0)  }
0x2e5: {  	s25 =	spop (v2sf);
	v52 =	vxor.u32 $0x80000000, v13  }
0x2e6: {  	s16 =	sadd.s32 s25, s16;
	(xrf0) =	vmax.scan.msk.u32 $0xffff, v52  }
0x2e7: {  	s16 =	sadd.s32 $0x80000000, s16  }
0x2e8: {  	v53 =	vmov s16  }
0x2e9: {  	v14 =	vadd.s32 $0xFFFFFFFF, v53  }
0x2ea: {  	v14 =	vbroadcast v14, $0x0;
	_ =	sdelay $0x1  }
0x2eb: {  	v13 =	vadd.s32 v13, v14;
	v54, _, _ =	vpop (xrf0)  }
0x2ec: {  	vm6 =	vlt.s32 v13, $0x200F;
	(v2sf) =	vpush v54, $0xF  }
0x2ed: {  	v13 =	vnsel vm6, $0x200F, v13;
	_ =	sdelay $0x3  }
0x2ee: {  	s26 =	sadd.s32 $0xFFFFFFE0, s17  }
0x2ef: {  	v55 =	vor.u32 s26, v2;
	[tilespmem:v13+s11+$0x0] =	vst.idx.msk vm12, v12  }
0x2f0: {  	[tilespmem:v13+s12+$0x0] =	vst.idx.msk vm12, v55  }
0x2f1: {  	v13 =	vld [tilespmem:s19+$0x20];
	_ =	sdelay $0x4  }
0x2f2: {  	vm13 =	vgt.f32 v13, v5  }
0x2f3: {  	v56 =	vsel vm13, $0x1, v1  }
0x2f4: {  	s28 =	spop (v2sf);
	(xrf0) =	vadd.scan.msk.s32 $0xffff, v56  }
0x2f5: {  	s16 =	sadd.s32 s28, s16  }
0x2f6: {  	s16 =	sadd.s32 $0x80000000, s16  }
0x2f7: {  	v57 =	vmov s16  }
0x2f8: {  	v14 =	vadd.s32 $0xFFFFFFFF, v57  }
0x2f9: {  	v14 =	vbroadcast v14, $0x0  }
0x2fa: {  	v15, _, _ =	vpop (xrf0)  }
0x2fb: {  	v14 =	vadd.s32 v15, v14  }
0x2fc: {  	vm7 =	vlt.s32 v14, $0x200F  }
0x2fd: {  	v14 =	vnsel vm7, $0x200F, v14;
	_ =	sdelay $0x3  }
0x2fe: {  	s29 =	sadd.s32 $0xFFFFFFF0, s17  }
0x2ff: {  	v16 =	vor.u32 s29, v2;
	[tilespmem:v14+s11+$0x0] =	vst.idx.msk vm13, v13  }
0x300: {  	[tilespmem:v14+s12+$0x0] =	vst.idx.msk vm13, v16  }
0x301: {  	v14 =	vld [tilespmem:s19+$0x30]  }
0x302: {  	v15 =	vxor.u32 $0x80000000, v15  }
0x303: {  	(xrf0) =	vmax.scan.msk.u32 $0xffff, v15;
	_ =	sdelay $0x2  }
0x304: {  	vm14 =	vgt.f32 v14, v5  }
0x305: {  	v58 =	vsel vm14, $0x1, v1  }
0x306: {  	(xrf0) =	vadd.scan.msk.s32 $0xffff, v58  }
0x307: {  	v59, _, _ =	vpop (xrf0)  }
0x308: {  	(v2sf) =	vpush v59, $0xF;
	_ =	sdelay $0x3  }
0x309: {  	v60, _, _ =	vpop (xrf0)  }
0x30a: {  	v61 =	vxor.u32 $0x80000000, v60  }
0x30b: {  	(xrf0) =	vmax.scan.msk.u32 $0xffff, v61;
	_ =	sdelay $0x5  }
0x30c: {  	v16, _, _ =	vpop (xrf0)  }
0x30d: {  	(v2sf) =	vpush v16, $0xF;
	_ =	sdelay $0x1  }
0x30e: {  	s30 =	spop (v2sf)  }
0x30f: {  	s16 =	sadd.s32 s30, s16  }
0x310: {  	s16 =	sadd.s32 $0x80000000, s16  }
0x311: {  	v62 =	vmov s16  }
0x312: {  	v16 =	vadd.s32 $0xFFFFFFFF, v62  }
0x313: {  	v16 =	vbroadcast v16, $0x0;
	_ =	sdelay $0x1  }
0x314: {  	v7 =	vsel vm0, $0xF149F2CA, v7;
	v15 =	vadd.s32 v60, v16  }
0x315: {  	v6 =	vmax.f32 v6, v7;
	v7 =	vsel vm15, $0xF149F2CA, v8;
	vm15 =	vlt.s32 v15, $0x200F  }
0x316: {  	v6 =	vmax.f32 v6, v7;
	v8 =	vsel vm9, $0xF149F2CA, v9;
	v63 =	vnsel vm15, $0x200F, v15  }
0x317: {  	v6 =	vmax.f32 v6, v8;
	v7 =	vsel vm10, $0xF149F2CA, v10  }
.Ltmp38:
0x318: {  	v6 =	vmax.f32 v6, v7;
	v8 =	vsel vm11, $0xF149F2CA, v11;
	(pc) =	sbr.rel .LBB2_52-.Ltmp38, $4  }
0x319: {  	v6 =	vmax.f32 v6, v8;
	v7 =	vsel vm12, $0xF149F2CA, v12  }
0x31a: {  	v6 =	vmax.f32 v6, v7;
	v7 =	vsel vm13, $0xF149F2CA, v13;
	s31 =	spop (v2sf)  }
0x31b: {  	v6 =	vmax.f32 v6, v7;
	v7 =	vor.u32 s17, v2;
	v8 =	vsel vm14, $0xF149F2CA, v14;
	[tilespmem:v63+s11+$0x0] =	vst.idx.msk vm14, v14;
	s16 =	sadd.s32 s31, s16  }
0x31c: {  	v6 =	vmax.f32 v6, v8;
	[tilespmem:v63+s12+$0x0] =	vst.idx.msk vm14, v7;
	s16 =	sadd.s32 $0x80000000, s16  }
.LBB2_53:
0x31d: {  	(xrf0) =	vmax.scan.msk.f32 $0xffff, v6;
	_ =	sdelay $0x5  }
0x31e: {  	v5, _, _ =	vpop (xrf0)  }
0x31f: {  	(v2sf) =	vpush v5, $0xF;
	_ =	sdelay $0x8  }
0x320: {  	p0 =	slt.s32 s16, $0x2000;
	s17 =	smov.u32 s16  }
0x321: {  	s17 =	simm.s32 @!p0 $0x2000;
	p0 =	slt.s32 s16, $0x2001  }
.Ltmp39:
0x322: {  	_ = 	snop;
	(pc) =	sbr.rel @!p0 .LBB2_54-.Ltmp39, $2  }
0x323: {  	_ =	sdelay $0x2  }
0x324: {  	s19 =	simm.s32 $0x0;
	[tilespmem:s17+$0x11000] =	vst v3;
	s18 =	spop (v2sf)  }
.Ltmp40:
0x325: {  	(pc) =	sbr.rel .LBB2_68-.Ltmp40, $3  }
0x326: {  	_ =	sdelay $0x1  }
0x327: {  	s17 =	sadd.s32 $0xF, s16  }
0x328: {  	s20 =	smov.u32 s14;
	s17 =	sshrl.u32 s17, $0x4  }
.LBB2_69:
0x329: {  	v5 =	vimm.f32 $0.0e+00  }
.LBB2_73:
0x32a: {  	(xrf2) =	vadd.scan.msk.f32 $0xffff, v5;
	_ =	sdelay $0x9  }
0x32b: {  	v5, _, _ =	vpop (xrf2)  }
0x32c: {  	(v2sf) =	vpush v5, $0xF;
	_ =	sdelay $0xe  }
0x32d: {  	s22 =	spop (v2sf)  }
0x32e: {  	p1 =	sge.f32 s22, $5.000000000e-01  }
0x32f: {  	s19 =	sadd.s32 $0x1, s19  }
0x330: {  	s15 =	smov.u32 @p1 s21;
	s21 =	smov.u32 @p1 s20;
	p1 =	seq.s32 s19, $0x1E  }
.Ltmp41:
0x331: {  	_ = 	snop;
	(pc) =	sbr.rel @p1 .LBB2_65-.Ltmp41, $2  }
0x332: {  	_ =	sdelay $0x2  }
0x333: {  	s20 =	smov.u32 s21  }
.LBB2_68:
0x334: {  	p0 =	seq.s32 s17, $0x0  }
.Ltmp42:
0x335: {  	_ = 	snop;
	(pc) =	sbr.rel @p0 .LBB2_69-.Ltmp42, $3  }
0x336: {  	_ = 	snop  }
0x337: {  	s21 =	sadd.f32 s20, s15;
	_ =	sdelay $0x1  }
0x338: {  	s21 =	smul.f32 $5.000000000e-01, s21  }
0x339: {  	s22 =	simm.s32 $0x11000  }
0x33a: {  	p1 =	sne.s32 s17, $0x1;
	v7 =	vld [tilespmem:s22+$0x0]  }
.Ltmp43:
0x33b: {  	_ = 	snop;
	(pc) =	sbr.rel @!p1 .LBB2_72-.Ltmp43, $3  }
0x33c: {  	_ =	sdelay $0x1  }
0x33d: {  	v6 =	vmov s21  }
0x33e: {  	v5 =	vimm.f32 $0.0e+00;
	s23 =	simm.s32 $0x11010;
	s22 =	sadd.s32 $0xFFFFFFFF, s17;
	v7 =	vsub.f32 v7, v6  }
.LBB2_71:
0x33f: {  	v8 =	vld [tilespmem:s23+$0x0];
	p1 =	sne.s32 s22, $0x1;
	s22 =	sadd.s32 $0xFFFFFFFF, s22  }
.Ltmp44:
0x340: {  	v7 =	vmax.f32 v7, $0.0e+00;
	(pc) =	sbr.rel @p1 .LBB2_71-.Ltmp44, $2  }
0x341: {  	v5 =	vadd.f32 v7, v5;
	_ =	sdelay $0x2  }
0x342: {  	s23 =	sadd.s32 $0x10, s23;
	v7 =	vsub.f32 v8, v6  }
.LBB2_72:
.Ltmp45:
0x343: {  	(pc) =	sbr.rel .LBB2_73-.Ltmp45, $3  }
0x344: {  	_ = 	snop  }
0x345: {  	v6 =	vmax.f32 v7, $0.0e+00  }
0x346: {  	v5 =	vadd.f32 v6, v5;
	_ =	sdelay $0x1  }
.LBB2_54:
0x347: {  	s16 =	smov.u32 s14  }
.LBB2_55:
0x348: {  	s17 =	sadd.f32 s16, s15;
	_ =	sdelay $0x1  }
0x349: {  	s17 =	smul.f32 $5.000000000e-01, s17  }
0x34a: {  	s20 =	simm.s32 $0x0  }
0x34b: {  	v5 =	vimm.f32 $0.0e+00;
	s18 =	simm.s32 $0x40;
	v7 =	vld [tilespmem:s20+$0x0];
	v6 =	vmov s17  }
.LBB2_56:
0x34c: {  	_ =	sdelay $0x1  }
0x34d: {  	p0 =	sne.s32 s18, $0x1FFC0  }
.Ltmp46:
0x34e: {  	_ = 	snop;
	(pc) =	sbr.rel @p0 .LBB2_56-.Ltmp46, $3  }
0x34f: {  	v8 =	vsub.f32 v7, v6;
	_ =	sdelay $0x1  }
0x350: {  	s20 =	sshra.s32 s18, $0x2;
	v8 =	vmax.f32 v8, $0.0e+00  }
0x351: {  	s18 =	sadd.s32 $0x40, s18;
	v7 =	vld [tilespmem:s20+$0x0];
	v5 =	vadd.f32 v8, v5  }
0x352: {  	_ =	sdelay $0x3  }
0x353: {  	v6 =	vsub.f32 v7, v6;
	_ =	sdelay $0x1  }
0x354: {  	v6 =	vmax.f32 v6, $0.0e+00  }
0x355: {  	v5 =	vadd.f32 v6, v5;
	_ =	sdelay $0x1  }
0x356: {  	(xrf2) =	vadd.scan.msk.f32 $0xffff, v5;
	_ =	sdelay $0x9  }
0x357: {  	v5, _, _ =	vpop (xrf2)  }
0x358: {  	(v2sf) =	vpush v5, $0xF;
	_ =	sdelay $0xe  }
0x359: {  	s18 =	spop (v2sf)  }
0x35a: {  	p0 =	sge.f32 s18, $5.000000000e-01  }
0x35b: {  	s19 =	sadd.s32 $0x1, s19  }
0x35c: {  	s15 =	smov.u32 @p0 s17;
	s17 =	smov.u32 @p0 s16;
	p0 =	seq.s32 s19, $0x1E  }
.Ltmp47:
0x35d: {  	_ = 	snop;
	(pc) =	sbr.rel @!p0 .LBB2_55-.Ltmp47, $2  }
0x35e: {  	_ =	sdelay $0x2  }
0x35f: {  	s16 =	smov.u32 s17  }
0x360: {  	v5 =	vbroadcast v4, $0xF;
	v7 =	vmov s15;
	s16 =	simm.s32 $0x0  }
0x361: {  	v6 =	vimm.f32 $0.0e+00;
	v4 =	vimm.f32 $-1.000000020e+30;
	s15 =	simm.s32 $0x40;
	v8 =	vimm.f32 $0.0e+00;
	v9 =	vld [tilespmem:s16+$0x0]  }
.LBB2_59:
0x362: {  	_ =	sdelay $0x1  }
0x363: {  	p0 =	sne.s32 s15, $0x1FFC0  }
.Ltmp48:
0x364: {  	_ = 	snop;
	(pc) =	sbr.rel @p0 .LBB2_59-.Ltmp48, $4  }
0x365: {  	v10 =	vsub.f32 v9, v5  }
0x366: {  	vm0 =	vgt.f32 v9, v7  }
0x367: {  	s16 =	sshra.s32 s15, $0x2;
	v11 =	vsel vm0, $0x3F800000, v0;
	v12 =	vnsel vm0, $0x0, v10;
	v10 =	vsel vm0, $0xF149F2CA, v10  }
0x368: {  	s15 =	sadd.s32 $0x40, s15;
	v9 =	vld [tilespmem:s16+$0x0];
	v6 =	vadd.f32 v11, v6;
	v8 =	vadd.f32 v12, v8;
	v4 =	vmax.f32 v4, v10  }
0x369: {  	_ =	sdelay $0x3  }
0x36a: {  	vm0 =	vgt.f32 v9, v7  }
0x36b: {  	v7 =	vsel vm0, $0x3F800000, v0  }
0x36c: {  	v6 =	vadd.f32 v7, v6;
	_ =	sdelay $0x1  }
0x36d: {  	(xrf2) =	vadd.scan.msk.f32 $0xffff, v6;
	_ =	sdelay $0x2  }
0x36e: {  	v5 =	vsub.f32 v9, v5;
	_ =	sdelay $0x1  }
0x36f: {  	v6 =	vnsel vm0, $0x0, v5  }
0x370: {  	v6 =	vadd.f32 v6, v8;
	_ =	sdelay $0x1  }
0x371: {  	(xrf2) =	vadd.scan.msk.f32 $0xffff, v6;
	_ =	sdelay $0x1  }
0x372: {  	v6, _, _ =	vpop (xrf2)  }
0x373: {  	v5 =	vsel vm0, $0xF149F2CA, v5;
	(v2sf) =	vpush v6, $0xF  }
0x374: {  	v4 =	vmax.f32 v4, v5  }
0x375: {  	(xrf0) =	vmax.scan.msk.f32 $0xffff, v4;
	_ =	sdelay $0x4  }
0x376: {  	v4, _, _ =	vpop (xrf2)  }
0x377: {  	(v2sf) =	vpush v4, $0xF;
	v4, _, _ =	vpop (xrf0)  }
0x378: {  	(v2sf) =	vpush v4, $0xF;
	_ =	sdelay $0x5  }
0x379: {  	s15 =	spop (v2sf)  }
0x37a: {  	s15 =	sadd.f32 $1.000000000e+00, s15;
	_ =	sdelay $0x1  }
0x37b: {  	v4 =	vmov s15  }
0x37c: {  	(erf) = vrcp.f32 v4;
	_ =	sdelay $0x3  }
0x37d: {  	s31 =	spop (v2sf)  }
0x37e: {  	s16 =	spop (v2sf)  }
0x37f: {  	s15 =	sadd.f32 s16, s31;
	_ =	sdelay $0x1  }
0x380: {  	s17 =	sadd.f32 $-5.000000000e-01, s15;
	s15 =	simm.s32 $0x0  }
0x381: {  	v5 =	vld [tilespmem:s15+$0x0];
	v4 =	vpop (erf)  }
0x382: {  	s14 =	sadd.f32 s16, s14;
	v4 =	vmul.f32 s17, v4;
	_ =	sdelay $0x1  }
0x383: {  	v12 =	vsub.f32 s14, v4;
	_ =	sdelay $0x1  }
0x384: {  	v6 =	vsub.f32 v5, v12;
	_ =	sdelay $0x1  }
0x385: {  	v4 =	vshra.s32 v6, $0x1  }
0x386: {  	v5 =	vadd.s32 $0x1FBD1DF6, v4  }
0x387: {  	s16 =	simm.s32 $0x10;
	(erf) = vrcp.f32 v5  }
0x388: {  	v4 =	vld [tilespmem:s16+$0x0];
	_ =	sdelay $0x1  }
0x389: {  	s14 =	simm.s32 $0x20  }
0x38a: {  	v8 =	vld [tilespmem:s14+$0x0];
	_ =	sdelay $0x1  }
0x38b: {  	v7 =	vsub.f32 v4, v12;
	_ =	sdelay $0x1  }
0x38c: {  	v4 =	vshra.s32 v7, $0x1  }
0x38d: {  	v9 =	vadd.s32 $0x1FBD1DF6, v4;
	v4 =	vsub.f32 v8, v12;
	v10 =	vpop (erf)  }
0x38e: {  	(erf) = vrcp.f32 v9;
	v8 =	vmul.f32 v10, v6  }
0x38f: {  	s17 =	simm.s32 $0x30;
	v11 =	vshra.s32 v4, $0x1  }
0x390: {  	v10 =	vld [tilespmem:s17+$0x0];
	v11 =	vadd.s32 $0x1FBD1DF6, v11;
	v5 =	vadd.f32 v5, v8  }
0x391: {  	(erf) = vrcp.f32 v11  }
0x392: {  	v13 =	vmul.f32 $5.000000000e-01, v5;
	_ =	sdelay $0x1  }
0x393: {  	(erf) = vrcp.f32 v13  }
0x394: {  	v5 =	vsub.f32 v10, v12  }
0x395: {  	s18 =	simm.s32 $0x40  }
0x396: {  	v14 =	vld [tilespmem:s18+$0x0];
	v8 =	vpop (erf);
	v10 =	vshra.s32 v5, $0x1  }
0x397: {  	v8 =	vmul.f32 v8, v7;
	v10 =	vadd.s32 $0x1FBD1DF6, v10  }
0x398: {  	(erf) = vrcp.f32 v10  }
0x399: {  	v8 =	vadd.f32 v9, v8;
	v9 =	vpop (erf)  }
0x39a: {  	v9 =	vmul.f32 v9, v4  }
0x39b: {  	v15 =	vmul.f32 $5.000000000e-01, v8;
	v8 =	vsub.f32 v14, v12  }
0x39c: {  	s19 =	simm.s32 $0x50;
	v9 =	vadd.f32 v11, v9;
	v16 =	vpop (erf)  }
0x39d: {  	v14 =	vld [tilespmem:s19+$0x0];
	(erf) = vrcp.f32 v15;
	v11 =	vmul.f32 v16, v6;
	v16 =	vshra.s32 v8, $0x1  }
0x39e: {  	v16 =	vadd.s32 $0x1FBD1DF6, v16  }
0x39f: {  	(erf) = vrcp.f32 v16  }
0x3a0: {  	v11 =	vadd.f32 v11, v13  }
0x3a1: {  	v19 =	vmul.f32 $5.000000000e-01, v9;
	v13 =	vpop (erf)  }
0x3a2: {  	v9 =	vsub.f32 v14, v12;
	v14 =	vmul.f32 $5.000000000e-01, v11;
	v11 =	vmul.f32 v13, v5  }
0x3a3: {  	(erf) = vrcp.f32 v19  }
0x3a4: {  	s20 =	simm.s32 $0x60;
	v13 =	vshra.s32 v9, $0x1;
	(erf) = vrcp.f32 v14  }
0x3a5: {  	v17 =	vld [tilespmem:s20+$0x0];
	v20 =	vadd.s32 $0x1FBD1DF6, v13  }
0x3a6: {  	v10 =	vadd.f32 v10, v11;
	(erf) = vrcp.f32 v20;
	v11 =	vpop (erf)  }
0x3a7: {  	v11 =	vmul.f32 v11, v7  }
0x3a8: {  	s21 =	simm.s32 $0x70;
	v13 =	vpop (erf)  }
0x3a9: {  	v21 =	vld [tilespmem:s21+$0x0];
	v18 =	vmul.f32 $5.000000000e-01, v10;
	v11 =	vadd.f32 v11, v15;
	v15 =	vmul.f32 v13, v8  }
0x3aa: {  	v10 =	vsub.f32 v17, v12  }
0x3ab: {  	(erf) = vrcp.f32 v18;
	v15 =	vadd.f32 v16, v15  }
0x3ac: {  	v22 =	vshra.s32 v10, $0x1;
	v17 =	vpop (erf);
	v13 =	vmul.f32 $5.000000000e-01, v11  }
0x3ad: {  	v23 =	vmul.f32 v17, v4;
	v17 =	vadd.s32 $0x1FBD1DF6, v22;
	v16 =	vpop (erf)  }
0x3ae: {  	v11 =	vsub.f32 v21, v12;
	(erf) = vrcp.f32 v13;
	v21 =	vmul.f32 v16, v6  }
0x3af: {  	v19 =	vadd.f32 v23, v19;
	(erf) = vrcp.f32 v17;
	v16 =	vmul.f32 $5.000000000e-01, v15;
	v15 =	vpop (erf)  }
0x3b0: {  	v23 =	vmul.f32 v15, v9  }
0x3b1: {  	s22 =	simm.s32 $0x80;
	v15 =	vmul.f32 $5.000000000e-01, v19  }
0x3b2: {  	v24 =	vadd.f32 v21, v14;
	(erf) = vrcp.f32 v16;
	v21 =	vld [tilespmem:s22+$0x0]  }
0x3b3: {  	v22 =	vshra.s32 v11, $0x1;
	v14 =	vimm.f32 $0.0e+00;
	(erf) = vrcp.f32 v15  }
0x3b4: {  	s23 =	simm.s32 $0x240;
	v19 =	vadd.s32 $0x1FBD1DF6, v22;
	v22 =	vadd.f32 v20, v23;
	v20 =	vmul.f32 $5.000000000e-01, v24;
	v23 =	vpop (erf)  }
.LBB2_61:
0x3b5: {  	(erf) = vrcp.f32 v19;
	v23 =	vmul.f32 v23, v5;
	vm0 =	vgt.f32 v6, $0.0e+00;
	v6 =	vmovc v7;
	v7 =	vmovc v4  }
0x3b6: {  	p0 =	sne.s32 s23, $0x1FFC0;
	v4 =	vmovc v5;
	v5 =	vmovc v8;
	v8 =	vmov v9;
	v9 =	vmov v10;
	v10 =	vmov v11  }
0x3b7: {  	v11 =	vsub.f32 v21, v12;
	v26 =	vmul.f32 $5.000000000e-01, v22;
	v21 =	vpop (erf);
	v20 =	vnsel vm0, $0x0, v20  }
.Ltmp49:
0x3b8: {  	s24 =	sshra.s32 s23, $0x2;
	v24 =	vpop (erf);
	v23 =	vadd.f32 v23, v18;
	v25 =	vmul.f32 v21, v6;
	[tilespmem:s15+$0x8000] =	vst v20;
	v14 =	vadd.f32 v20, v14;
	s15 =	smov.u32 s16;
	(pc) =	sbr.rel @p0 .LBB2_61-.Ltmp49, $4  }
0x3b9: {  	v22 =	vmovc v17;
	v18 =	vmovc v16;
	s16 =	smov.u32 s14;
	s14 =	smov.u32 s17;
	s17 =	smov.u32 s18;
	v21 =	vld [tilespmem:s24+$0x0];
	v20 =	vshra.s32 v11, $0x1;
	v24 =	vmul.f32 v24, v9;
	v16 =	vmov v26  }
0x3ba: {  	v17 =	vmovc v19;
	s18 =	smov.u32 s19;
	s19 =	smov.u32 s20;
	s20 =	smov.u32 s21;
	(erf) = vrcp.f32 v16;
	v25 =	vadd.f32 v25, v13;
	v13 =	vmovc v15;
	v15 =	vmul.f32 $5.000000000e-01, v23  }
0x3bb: {  	s21 =	smov.u32 s22;
	s22 =	smov.u32 s24;
	v19 =	vadd.s32 $0x1FBD1DF6, v20  }
0x3bc: {  	s23 =	sadd.s32 $0x40, s23;
	v22 =	vadd.f32 v22, v24;
	v23 =	vpop (erf);
	(erf) = vrcp.f32 v15;
	v20 =	vmul.f32 $5.000000000e-01, v25  }
0x3bd: {  	v23 =	vmul.f32 v23, v5;
	_ =	sdelay $0x1  }
0x3be: {  	v18 =	vadd.f32 v23, v18  }
0x3bf: {  	v12 =	vsub.f32 v21, v12;
	v35 =	vmul.f32 $5.000000000e-01, v22  }
0x3c0: {  	(erf) = vrcp.f32 v19;
	v18 =	vmul.f32 $5.000000000e-01, v18  }
0x3c1: {  	v36 =	vshra.s32 v12, $0x1;
	(erf) = vrcp.f32 v35  }
0x3c2: {  	v22 =	vadd.s32 $0x1FBD1DF6, v36;
	(erf) = vrcp.f32 v18  }
0x3c3: {  	(erf) = vrcp.f32 v22;
	_ =	sdelay $0x1  }
0x3c4: {  	v37 =	vpop (erf)  }
0x3c5: {  	v24 =	vpop (erf)  }
0x3c6: {  	v25 =	vpop (erf)  }
0x3c7: {  	v26 =	vpop (erf)  }
0x3c8: {  	v24 =	vmul.f32 v24, v10;
	v27 =	vpop (erf)  }
0x3c9: {  	v25 =	vmul.f32 v25, v8;
	v28 =	vpop (erf)  }
0x3ca: {  	v17 =	vadd.f32 v17, v24;
	v38 =	vmul.f32 v27, v11;
	v39 =	vpop (erf)  }
0x3cb: {  	v16 =	vadd.f32 v25, v16;
	v40 =	vmul.f32 v28, v9;
	v41 =	vpop (erf)  }
0x3cc: {  	v17 =	vmul.f32 $5.000000000e-01, v17;
	v42 =	vadd.f32 v19, v38;
	v43 =	vmul.f32 v41, v12  }
0x3cd: {  	v16 =	vmul.f32 $5.000000000e-01, v16;
	v21 =	vadd.f32 v40, v35  }
0x3ce: {  	(erf) = vrcp.f32 v17;
	v19 =	vmul.f32 $5.000000000e-01, v42;
	v22 =	vadd.f32 v22, v43  }
0x3cf: {  	(erf) = vrcp.f32 v16;
	v21 =	vmul.f32 $5.000000000e-01, v21  }
0x3d0: {  	(erf) = vrcp.f32 v19;
	v22 =	vmul.f32 $5.000000000e-01, v22  }
0x3d1: {  	(erf) = vrcp.f32 v21  }
0x3d2: {  	(erf) = vrcp.f32 v22;
	_ =	sdelay $0x4  }
0x3d3: {  	v44 =	vpop (erf)  }
0x3d4: {  	v24 =	vmul.f32 v44, v10;
	v45 =	vpop (erf)  }
0x3d5: {  	v46 =	vpop (erf)  }
0x3d6: {  	v17 =	vadd.f32 v24, v17;
	v47 =	vmul.f32 v46, v11;
	v48 =	vpop (erf)  }
0x3d7: {  	v29 =	vpop (erf)  }
0x3d8: {  	v17 =	vmul.f32 $5.000000000e-01, v17;
	v19 =	vadd.f32 v47, v19;
	v49 =	vmul.f32 v29, v12  }
0x3d9: {  	v23 =	vmul.f32 v37, v7  }
0x3da: {  	(erf) = vrcp.f32 v17;
	v19 =	vmul.f32 $5.000000000e-01, v19;
	v22 =	vadd.f32 v49, v22  }
0x3db: {  	vm0 =	vgt.f32 v6, $0.0e+00;
	v6 =	vadd.f32 v23, v13;
	v50 =	vmul.f32 v26, v4  }
0x3dc: {  	(erf) = vrcp.f32 v19;
	v22 =	vmul.f32 $5.000000000e-01, v22  }
0x3dd: {  	vm8 =	vgt.f32 v7, $0.0e+00;
	v20 =	vnsel vm0, $0x0, v20;
	v6 =	vmul.f32 $5.000000000e-01, v6  }
0x3de: {  	v7 =	vadd.f32 v50, v15;
	v52 =	vmul.f32 v39, v5;
	(erf) = vrcp.f32 v22  }
0x3df: {  	vm9 =	vgt.f32 v4, $0.0e+00;
	v51 =	vadd.f32 v20, v14;
	v6 =	vnsel vm8, $0x0, v6  }
0x3e0: {  	v7 =	vmul.f32 $5.000000000e-01, v7;
	v4 =	vadd.f32 v52, v18;
	v53 =	vmul.f32 v45, v8  }
0x3e1: {  	vm10 =	vgt.f32 v5, $0.0e+00;
	v13 =	vadd.f32 v6, v51;
	v55 =	vmul.f32 v48, v9  }
0x3e2: {  	v7 =	vnsel vm9, $0x0, v7;
	v4 =	vmul.f32 $5.000000000e-01, v4;
	v54 =	vadd.f32 v53, v16  }
0x3e3: {  	vm11 =	vgt.f32 v8, $0.0e+00;
	v13 =	vadd.f32 v7, v13;
	v56 =	vadd.f32 v55, v21;
	v57 =	vpop (erf)  }
0x3e4: {  	v4 =	vnsel vm10, $0x0, v4;
	v5 =	vmul.f32 $5.000000000e-01, v54;
	v58 =	vmul.f32 v57, v10  }
0x3e5: {  	vm12 =	vgt.f32 v9, $0.0e+00;
	v13 =	vadd.f32 v4, v13;
	v14 =	vmul.f32 $5.000000000e-01, v56;
	v59 =	vpop (erf)  }
0x3e6: {  	v5 =	vnsel vm11, $0x0, v5;
	v8 =	vadd.f32 v58, v17;
	v60 =	vmul.f32 v59, v11  }
0x3e7: {  	v13 =	vadd.f32 v5, v13;
	v14 =	vnsel vm12, $0x0, v14;
	v61 =	vpop (erf)  }
0x3e8: {  	v8 =	vmul.f32 $5.000000000e-01, v8;
	v9 =	vadd.f32 v60, v19;
	v15 =	vmul.f32 v61, v12  }
0x3e9: {  	vm13 =	vgt.f32 v10, $0.0e+00;
	v13 =	vadd.f32 v14, v13  }
0x3ea: {  	v8 =	vnsel vm13, $0x0, v8;
	v9 =	vmul.f32 $5.000000000e-01, v9;
	v62 =	vadd.f32 v15, v22  }
0x3eb: {  	vm14 =	vgt.f32 v11, $0.0e+00;
	v13 =	vadd.f32 v8, v13  }
0x3ec: {  	v9 =	vnsel vm14, $0x0, v9;
	v10 =	vmul.f32 $5.000000000e-01, v62  }
0x3ed: {  	vm15 =	vgt.f32 v12, $0.0e+00;
	v63 =	vadd.f32 v9, v13  }
0x3ee: {  	v10 =	vnsel vm15, $0x0, v10  }
0x3ef: {  	v11 =	vadd.f32 v10, v63;
	_ =	sdelay $0x1  }
0x3f0: {  	(xrf2) =	vadd.scan.msk.f32 $0xffff, v11;
	_ =	sdelay $0x9  }
0x3f1: {  	v11, _, _ =	vpop (xrf2)  }
0x3f2: {  	v11 =	vbroadcast v11, $0xF;
	_ =	sdelay $0x1  }
0x3f3: {  	(erf) = vrcp.f32 v11  }
0x3f4: {  	[tilespmem:s15+$0x8000] =	vst v20  }
0x3f5: {  	[tilespmem:s16+$0x8000] =	vst v6  }
0x3f6: {  	[tilespmem:s14+$0x8000] =	vst v7  }
0x3f7: {  	[tilespmem:s17+$0x8000] =	vst v4  }
0x3f8: {  	[tilespmem:s18+$0x8000] =	vst v5  }
0x3f9: {  	[tilespmem:s19+$0x8000] =	vst v14  }
0x3fa: {  	[tilespmem:s20+$0x8000] =	vst v8  }
0x3fb: {  	[tilespmem:s21+$0x8000] =	vst v9  }
0x3fc: {  	s15 =	simm.s32 $0x40;
	s14 =	simm.s32 $0x0;
	[tilespmem:s22+$0x8000] =	vst v10;
	v4 =	vpop (erf)  }
.LBB2_63:
0x3fd: {  	p0 =	sne.s32 s15, $0x1FFC0;
	v5 =	vld [tilespmem:s14+$0x8000];
	_ =	sdelay $0x2  }
.Ltmp50:
0x3fe: {  	(pc) =	sbr.rel @p0 .LBB2_63-.Ltmp50, $3  }
0x3ff: {  	_ = 	snop  }
0x400: {  	v5 =	vmul.f32 v5, v4;
	_ =	sdelay $0x1  }
0x401: {  	[tilespmem:s14+$0x8000] =	vst v5;
	s14 =	sshra.s32 s15, $0x2;
	s15 =	sadd.s32 $0x40, s15  }
0x402: {  	v5 =	vld [tilespmem:s14+$0x8000];
	_ =	sdelay $0x2  }
.Ltmp51:
0x403: {  	_ = 	snop;
	(pc) =	sbr.rel .LBB2_83-.Ltmp51, $3  }
0x404: {  	_ = 	snop  }
0x405: {  	v4 =	vmul.f32 v5, v4;
	_ =	sdelay $0x1  }
0x406: {  	[tilespmem:s14+$0x8000] =	vst v4  }
.LBB2_65:
.Ltmp52:
0x407: {  	(pc) =	sbr.rel @p0 .LBB2_66-.Ltmp52, $2  }
0x408: {  	_ =	sdelay $0x2  }
0x409: {  	v5 =	vimm.f32 $0.0e+00  }
0x40a: {  	s31 =	simm.s32 $0x11000  }
0x40b: {  	p1 =	sne.s32 s17, $0x1;
	v10 =	vld [tilespmem:s31+$0x0]  }
.Ltmp53:
0x40c: {  	_ = 	snop;
	(pc) =	sbr.rel @!p1 .LBB2_76-.Ltmp53, $4  }
0x40d: {  	_ = 	snop  }
0x40e: {  	v8 =	vbroadcast v4, $0xF  }
0x40f: {  	v7 =	vmov s15;
	v6 =	vimm.f32 $0.0e+00  }
0x410: {  	v4 =	vimm.f32 $-1.000000020e+30;
	s15 =	sadd.s32 $0xFFFFFFFF, s17;
	s19 =	simm.s32 $0x11010;
	v9 =	vimm.f32 $0.0e+00;
	v11 =	vsub.f32 v10, v8  }
.LBB2_75:
0x411: {  	p1 =	sne.s32 s15, $0x1;
	s15 =	sadd.s32 $0xFFFFFFFF, s15;
	vm0 =	vgt.f32 v10, v7;
	v10 =	vld [tilespmem:s19+$0x0]  }
.Ltmp54:
0x412: {  	v12 =	vsel vm0, $0x3F800000, v0;
	v13 =	vnsel vm0, $0x0, v11;
	v11 =	vsel vm0, $0xF149F2CA, v11;
	(pc) =	sbr.rel @p1 .LBB2_75-.Ltmp54, $2  }
0x413: {  	v6 =	vadd.f32 v12, v6;
	v9 =	vadd.f32 v13, v9;
	v4 =	vmax.f32 v4, v11;
	_ =	sdelay $0x2  }
0x414: {  	s19 =	sadd.s32 $0x10, s19;
	v11 =	vsub.f32 v10, v8  }
.LBB2_76:
.Ltmp55:
0x415: {  	(pc) =	sbr.rel .LBB2_77-.Ltmp55, $4  }
0x416: {  	_ = 	snop  }
0x417: {  	vm0 =	vgt.f32 v10, v7  }
0x418: {  	v7 =	vsel vm0, $0x3F800000, v0;
	v8 =	vnsel vm0, $0x0, v11;
	v10 =	vsel vm0, $0xF149F2CA, v11  }
0x419: {  	v7 =	vadd.f32 v7, v6;
	v6 =	vadd.f32 v8, v9;
	v4 =	vmax.f32 v4, v10  }
.LBB2_66:
0x41a: {  	v4 =	vimm.f32 $-1.000000020e+30;
	v7 =	vimm.f32 $0.0e+00;
	v6 =	vimm.f32 $0.0e+00  }
.LBB2_77:
0x41b: {  	_ = 	snop  }
0x41c: {  	(xrf2) =	vadd.scan.msk.f32 $0xffff, v7;
	_ =	sdelay $0x9  }
0x41d: {  	v7, _, _ =	vpop (xrf2)  }
0x41e: {  	(v2sf) =	vpush v7, $0xF  }
0x41f: {  	(xrf2) =	vadd.scan.msk.f32 $0xffff, v6;
	_ =	sdelay $0x4  }
0x420: {  	(xrf0) =	vmax.scan.msk.f32 $0xffff, v4;
	_ =	sdelay $0x4  }
0x421: {  	v4, _, _ =	vpop (xrf2)  }
0x422: {  	(v2sf) =	vpush v4, $0xF;
	v4, _, _ =	vpop (xrf0)  }
0x423: {  	(v2sf) =	vpush v4, $0xF;
	_ =	sdelay $0x1  }
0x424: {  	s15 =	spop (v2sf)  }
0x425: {  	s15 =	sadd.f32 $1.000000000e+00, s15;
	_ =	sdelay $0x1  }
0x426: {  	v4 =	vmov s15  }
0x427: {  	(erf) = vrcp.f32 v4;
	_ =	sdelay $0x4  }
.Ltmp56:
0x428: {  	_ = 	snop;
	(pc) =	sbr.rel @p0 .LBB2_83-.Ltmp56, $3  }
0x429: {  	_ =	sdelay $0x1  }
0x42a: {  	s15 =	spop (v2sf)  }
0x42b: {  	s19 =	spop (v2sf);
	v4 =	vpop (erf)  }
0x42c: {  	s18 =	ssub.f32 s18, s14;
	_ =	sdelay $0x1  }
0x42d: {  	s18 =	smax.f32 s19, s18  }
0x42e: {  	s15 =	sadd.f32 s18, s15  }
0x42f: {  	p0 =	sne.s32 s17, $0x1  }
.Ltmp57:
0x430: {  	s15 =	sadd.f32 $-5.000000000e-01, s15;
	(pc) =	sbr.rel @!p0 .LBB2_80-.Ltmp57, $4  }
0x431: {  	_ = 	snop  }
0x432: {  	s18 =	sadd.f32 s18, s14;
	v4 =	vmul.f32 s15, v4  }
0x433: {  	s14 =	simm.s32 $0x11000  }
0x434: {  	v6 =	vld [tilespmem:s14+$0x0];
	s15 =	simm.s32 $0x11000;
	v4 =	vsub.f32 s18, v4;
	s18 =	sadd.s32 $0xFFFFFFFF, s17  }
.LBB2_79:
0x435: {  	p0 =	sne.s32 s18, $0x1;
	_ =	sdelay $0x3  }
0x436: {  	v6 =	vsub.f32 v6, v4;
	_ =	sdelay $0x1  }
0x437: {  	v7 =	vshra.s32 v6, $0x1  }
0x438: {  	v7 =	vadd.s32 $0x1FBD1DF6, v7  }
0x439: {  	(erf) = vrcp.f32 v7;
	_ =	sdelay $0x8  }
0x43a: {  	v8 =	vpop (erf)  }
0x43b: {  	v8 =	vmul.f32 v8, v6;
	_ =	sdelay $0x1  }
0x43c: {  	v7 =	vadd.f32 v7, v8;
	_ =	sdelay $0x1  }
0x43d: {  	v7 =	vmul.f32 $5.000000000e-01, v7;
	_ =	sdelay $0x1  }
0x43e: {  	(erf) = vrcp.f32 v7;
	_ =	sdelay $0x8  }
0x43f: {  	v8 =	vpop (erf)  }
0x440: {  	v8 =	vmul.f32 v8, v6;
	_ =	sdelay $0x1  }
0x441: {  	v7 =	vadd.f32 v8, v7;
	_ =	sdelay $0x1  }
0x442: {  	v7 =	vmul.f32 $5.000000000e-01, v7;
	_ =	sdelay $0x1  }
0x443: {  	(erf) = vrcp.f32 v7;
	_ =	sdelay $0x8  }
0x444: {  	v8 =	vpop (erf)  }
0x445: {  	v8 =	vmul.f32 v8, v6;
	_ =	sdelay $0x1  }
0x446: {  	v7 =	vadd.f32 v8, v7;
	_ =	sdelay $0x1  }
.Ltmp58:
0x447: {  	v7 =	vmul.f32 $5.000000000e-01, v7;
	(pc) =	sbr.rel @p0 .LBB2_79-.Ltmp58, $4  }
0x448: {  	vm0 =	vgt.f32 v6, $0.0e+00  }
0x449: {  	v6 =	vnsel vm0, $0x0, v7  }
0x44a: {  	[tilespmem:s15+$0x0] =	vst v6;
	v5 =	vadd.f32 v6, v5;
	s15 =	sadd.s32 $0x10, s15  }
0x44b: {  	s18 =	sadd.s32 $0xFFFFFFFF, s18;
	v6 =	vld [tilespmem:s15+$0x0]  }
.LBB2_80:
0x44c: {  	_ =	sdelay $0x3  }
0x44d: {  	v4 =	vsub.f32 v6, v4;
	_ =	sdelay $0x1  }
0x44e: {  	v6 =	vshra.s32 v4, $0x1  }
0x44f: {  	v6 =	vadd.s32 $0x1FBD1DF6, v6  }
0x450: {  	(erf) = vrcp.f32 v6;
	_ =	sdelay $0x8  }
0x451: {  	v7 =	vpop (erf)  }
0x452: {  	v7 =	vmul.f32 v7, v4;
	_ =	sdelay $0x1  }
0x453: {  	v6 =	vadd.f32 v6, v7;
	_ =	sdelay $0x1  }
0x454: {  	v6 =	vmul.f32 $5.000000000e-01, v6;
	_ =	sdelay $0x1  }
0x455: {  	(erf) = vrcp.f32 v6;
	_ =	sdelay $0x8  }
0x456: {  	v7 =	vpop (erf)  }
0x457: {  	v7 =	vmul.f32 v7, v4;
	_ =	sdelay $0x1  }
0x458: {  	v6 =	vadd.f32 v7, v6;
	_ =	sdelay $0x1  }
0x459: {  	v6 =	vmul.f32 $5.000000000e-01, v6;
	_ =	sdelay $0x1  }
0x45a: {  	(erf) = vrcp.f32 v6;
	_ =	sdelay $0x8  }
0x45b: {  	v7 =	vpop (erf)  }
0x45c: {  	v7 =	vmul.f32 v7, v4;
	_ =	sdelay $0x1  }
0x45d: {  	v6 =	vadd.f32 v7, v6;
	_ =	sdelay $0x1  }
0x45e: {  	v6 =	vmul.f32 $5.000000000e-01, v6  }
0x45f: {  	vm0 =	vgt.f32 v4, $0.0e+00  }
0x460: {  	v4 =	vnsel vm0, $0x0, v6  }
0x461: {  	v5 =	vadd.f32 v4, v5;
	_ =	sdelay $0x1  }
0x462: {  	(xrf2) =	vadd.scan.msk.f32 $0xffff, v5;
	_ =	sdelay $0x9  }
0x463: {  	v5, _, _ =	vpop (xrf2)  }
0x464: {  	v5 =	vbroadcast v5, $0xF;
	_ =	sdelay $0x1  }
0x465: {  	(erf) = vrcp.f32 v5;
	_ =	sdelay $0x3  }
0x466: {  	p0 =	seq.s32 s17, $0x1  }
.Ltmp59:
0x467: {  	_ = 	snop;
	(pc) =	sbr.rel @p0 .LBB2_82-.Ltmp59, $3  }
0x468: {  	_ =	sdelay $0x1  }
0x469: {  	[tilespmem:s15+$0x0] =	vst v4;
	s15 =	simm.s32 $0x13080  }
0x46a: {  	s17 =	sadd.s32 $0xFFFFFFFF, s17;
	v6 =	vld [tilespmem:s15+$0x0];
	v5 =	vmov s16;
	s16 =	simm.s32 $0x0;
	v4 =	vpop (erf)  }
.LBB2_81:
0x46b: {  	p0 =	seq.s32 s17, $0x1;
	v7 =	vld [tilespmem:s14+$0x0];
	v8 =	vor.u32 s16, v2  }
0x46c: {  	vm0 =	vlt.s32 v8, v5;
	_ =	sdelay $0x2  }
.Ltmp60:
0x46d: {  	(pc) =	sbr.rel @!p0 .LBB2_81-.Ltmp60, $3  }
0x46e: {  	v7 =	vmul.f32 v7, v4;
	_ =	sdelay $0x1  }
0x46f: {  	s15 =	sadd.s32 $0x10, s15;
	[tilespmem:v6+s13+$0x0] =	vst.idx.msk vm0, v7  }
0x470: {  	s17 =	sadd.s32 $0xFFFFFFFF, s17;
	s14 =	sadd.s32 $0x10, s14;
	s16 =	sadd.s32 $0x10, s16;
	v6 =	vld [tilespmem:s15+$0x0]  }
.Ltmp61:
0x471: {  	_ = 	snop;
	(pc) =	sbr.rel .LBB2_82-.Ltmp61, $1  }
0x472: {  	_ =	sdelay $0x3  }
.LBB2_84:
0x473: {  	_ =	sfence.sel $0x180000  }
0x474: {  	[bflag:$0x0] =	sbarrier.arrive $0xFFFF  }
0x475: {  	p0 =	sne.s32 s1, $0x0;
	_ =	strace $0x90000047  }
0x476: {  	s0 =	sadd.s32 @!p0 $0x100000, s0;
	[bflag:$0x2] =	sbarrier.arrive $0xFFFF  }
0x477: {  	[sflag:s0] =	ssyncadd.tile.s32 @!p0 $0x1;
	_ =	shalt  }
.Lfunc_end2:
_tile_overlayer_lowered:
.L_overlay_start_2:
0x478: {  	(tag) =	ssettag $0x2  }
0x479: {  	s0 =	rddreg [dreg:$0x0];
	s2 =	stileid.u32  }
0x47a: {  	s1 =	rddreg [dreg:$0x1];
	p0 =	sne.s32 s2, $0x0  }
0x47b: {  	s3 =	rddreg [dreg:$0x2];
	[bflag:$0x3] =	sbarrier.arrive $0xFFFF;
	s2 =	simm.s32 @!p0 $0x1C01  }
0x47c: {  	[timem:s3], [sflag:s2] =	dma.local @!p0 [hbm:s0], s1  }
0x47d: {  	s0 =	simm.s32 @!p0 $0x1  }
0x47e: {  	_ =	swait.ge @!p0 [sflag:s0], s1  }
0x47f: {  	s1 =	ssub.s32 @!p0 $0x0, s1;
	[sflag:s0] =	ssyncset.done @!p0 $0x0  }
0x480: {  	[sflag:s0] =	ssyncadd.s32 @!p0 s1  }
0x481: {  	[bflag:$0x3] =	sbarrier.arrive $0xFFFF  }
0x482: {  	_ =	shalt  }

</sc_bundles>
